<compile_context>
chip_gen: v7x
topology: tpu7x:2x2x1
jax: 0.10.2.dev20260603
libtpu: 0.0.44.dev20260713+nightly
codegen_flags: <defaults>
</compile_context>

<pallas_src>
import jax
import jax.numpy as jnp
from jax import lax
from jax.experimental import pallas as pl
from jax.experimental.pallas import tpu as pltpu
from jax.experimental.pallas import tpu_sc as plsc

_T = 16384
_E = 64
_NC, _NS, _L = 2, 16, 16
_NW = _NC * _NS
_RPW = _T // _NW
_H = _RPW // 2
_GH = _H // _L
_CSB = 8


def _sc_body(qt_hbm, hist_hbm, chunk, obuf, sem0, sem1):
    wid = lax.axis_index("s") * _NC + lax.axis_index("c")
    base = wid * _RPW
    cp0 = pltpu.async_copy(
        qt_hbm.at[:, pl.ds(base, _H)], chunk.at[:, pl.ds(0, _H)], sem0)
    cp1 = pltpu.async_copy(
        qt_hbm.at[:, pl.ds(base + _H, _H)], chunk.at[:, pl.ds(_H, _H)], sem1)

    zf = jnp.zeros((_L,), jnp.float32)
    ones = jnp.ones((_L,), jnp.float32)
    for j in range(_E // _L):
        obuf[pl.ds(j * _L, _L)] = zf

    def group_argmax(g):
        v = [chunk[e, pl.ds(g * _L, _L)] for e in range(_E)]
        mt = list(v)
        at = [jnp.full((_L,), e, jnp.int32) for e in range(_E)]
        n = 1
        while n < _E:
            for j in range(0, _E, 2 * n):
                ge = mt[j] >= mt[j + n]
                mt[j] = jnp.where(ge, mt[j], mt[j + n])
                at[j] = jnp.where(ge, at[j], at[j + n])
            n *= 2
        plsc.addupdate_scatter(obuf, [at[0]], ones)

    def g_body(i, carry):
        group_argmax(2 * i)
        group_argmax(2 * i + 1)
        return carry

    cp0.wait()
    lax.fori_loop(0, _GH // 2, g_body, 0)
    cp1.wait()
    lax.fori_loop(_GH // 2, _GH, g_body, 0)

    pltpu.sync_copy(obuf, hist_hbm.at[wid])


_sc_call = pl.kernel(
    _sc_body,
    out_type=jax.ShapeDtypeStruct((_NW, _E), jnp.float32),
    mesh=plsc.VectorSubcoreMesh(core_axis_name="c", subcore_axis_name="s"),
    compiler_params=pltpu.CompilerParams(needs_layout_passes=False),
    scratch_types=[
        pltpu.VMEM((_E, _RPW), jnp.float32),
        pltpu.VMEM((_E,), jnp.float32),
        pltpu.SemaphoreType.DMA,
        pltpu.SemaphoreType.DMA,
    ],
)


def _cs_body(qt_ref, cs_ref, acc_ref):
    b = pl.program_id(0)
    v = qt_ref[...].reshape(_E, (_T // _CSB) // 128, 128)
    s = jnp.sum(v, axis=1)

    @pl.when(b == 0)
    def _init():
        acc_ref[...] = s

    @pl.when(b != 0)
    def _acc():
        acc_ref[...] = acc_ref[...] + s

    @pl.when(b == _CSB - 1)
    def _fin():
        cs_ref[...] = jnp.sum(acc_ref[...], axis=1).reshape(1, _E)


def _fin_body(cs_ref, h_ref, o_ref):
    ct = jnp.sum(h_ref[...], axis=0)
    o_ref[...] = (jnp.sum(cs_ref[0, :] * ct) * (_E / (_T * _T))).reshape(1, 1)


def kernel(q):
    qt = q.T
    hist = _sc_call(qt)
    cs = pl.pallas_call(
        _cs_body,
        grid=(_CSB,),
        in_specs=[pl.BlockSpec((_E, _T // _CSB), lambda b: (0, b))],
        out_specs=pl.BlockSpec((1, _E), lambda b: (0, 0)),
        out_shape=jax.ShapeDtypeStruct((1, _E), jnp.float32),
        scratch_shapes=[pltpu.VMEM((_E, 128), jnp.float32)],
    )(qt)
    out = pl.pallas_call(
        _fin_body,
        out_shape=jax.ShapeDtypeStruct((1, 1), jnp.float32),
    )(cs, hist)
    return out[0, 0]

# --- scband reference (transcript-rebuilt; emitter-appended) ---
"""Pipeline reference for scband-balancing-loss-mo-e-39316130628208 (READ-ONLY COPY).

The authoritative reference and input builder live on the scoring server;
editing this copy changes nothing except your own understanding.
"""

import jax, jax.numpy as jnp
import numpy as np

N_EXPERTS = 64

def setup_inputs(seed: int = 0) -> dict:
    key = jax.random.key(seed)
    q = jax.random.uniform(key, (16384, N_EXPERTS), dtype=jnp.float32)
    return {"q": q}

def reference(q) -> jnp.ndarray:
    # top1: values/index of top-1 gate per token
    values, index = jax.lax.top_k(q, 1)
    index_1 = jnp.squeeze(index, axis=-1)
    mask_1 = jax.nn.one_hot(index_1, N_EXPERTS, dtype=jnp.float32)
    density_1_proxy = q.mean(axis=-2)
    density_1 = mask_1.mean(axis=-2)
    return (density_1_proxy * density_1).mean() * float(N_EXPERTS ** 2)

if __name__ == "__main__":
    import jax
    _d = setup_inputs()
    print(jax.jit(kernel)(*tuple(_d.values())))

</pallas_src>

<mosaic_0001>
#map = affine_map<(d0, d1) -> (0, 0)>
module attributes {stable_mosaic.version = 14 : i64} {
  func.func @_sc_body(%arg0: i32, %arg1: i32, %arg2: memref<64x16384xf32, #tpu.memory_space<hbm>>, %arg3: memref<32x64xf32, #tpu.memory_space<hbm>>, %arg4: memref<64x512xf32, #tpu.memory_space<vmem>>, %arg5: memref<64xf32, #tpu.memory_space<vmem>>, %arg6: memref<!tpu.dma_semaphore, #tpu.memory_space<semaphore_mem>>, %arg7: memref<!tpu.dma_semaphore, #tpu.memory_space<semaphore_mem>>) attributes {dimension_semantics = [#tpu.dimension_semantics<core_parallel>, #tpu.dimension_semantics<subcore_parallel>], iteration_bounds = array<i64: 2, 16>, scalar_prefetch = 0 : i64, scratch_operands = 4 : i64, tpu.core_type = #tpu.core_type<sc_vector_subcore>, window_params = [{transform_indices = #map}, {transform_indices = #map}]} {
    %mul3A = arith.constant 2 : i32
    %mul3A_0 = arith.muli %arg1, %mul3A : i32
    %add3A = arith.addi %mul3A_0, %arg0 : i32
    %mul3A_1 = arith.constant 512 : i32
    %mul3A_2 = arith.muli %add3A, %mul3A_1 : i32
    %dma_start3A = arith.constant 0 : i32
    %dma_start3A_3 = arith.constant 0 : i32
    %dma_start3A_4 = tpu.memref_slice %arg4[%dma_start3A, %dma_start3A_3] : memref<64x512xf32, #tpu.memory_space<vmem>> -> memref<64x256xf32, #tpu.memory_space<vmem>>
    %dma_start3A_5 = arith.constant 0 : i32
    %dma_start3A_6 = tpu.memref_slice %arg2[%dma_start3A_5, %mul3A_2] : memref<64x16384xf32, #tpu.memory_space<hbm>> -> memref<64x256xf32, #tpu.memory_space<hbm>>
    %dma_start3A_7 = arith.constant 0 : i32
    %dma_start3A_8 = arith.constant 0 : i32
    %dma_start3A_9 = tpu.memref_slice %arg4[%dma_start3A_7, %dma_start3A_8] : memref<64x512xf32, #tpu.memory_space<vmem>> -> memref<64x256xf32, #tpu.memory_space<vmem>>
    %dma_start3A_10 = arith.constant 0 : i32
    %dma_start3A_11 = tpu.memref_slice %arg2[%dma_start3A_10, %mul3A_2] : memref<64x16384xf32, #tpu.memory_space<hbm>> -> memref<64x256xf32, #tpu.memory_space<hbm>>
    tpu.enqueue_dma source(%dma_start3A_11 : memref<64x256xf32, #tpu.memory_space<hbm>>) target(%dma_start3A_9 : memref<64x256xf32, #tpu.memory_space<vmem>>) target_semaphore(%arg6 : memref<!tpu.dma_semaphore, #tpu.memory_space<semaphore_mem>>)
    %add3A_12 = arith.constant 256 : i32
    %add3A_13 = arith.addi %mul3A_2, %add3A_12 : i32
    %dma_start3A_14 = arith.constant 0 : i32
    %dma_start3A_15 = arith.constant 256 : i32
    %dma_start3A_16 = tpu.memref_slice %arg4[%dma_start3A_14, %dma_start3A_15] : memref<64x512xf32, #tpu.memory_space<vmem>> -> memref<64x256xf32, #tpu.memory_space<vmem>>
    %dma_start3A_17 = arith.constant 0 : i32
    %dma_start3A_18 = tpu.memref_slice %arg2[%dma_start3A_17, %add3A_13] : memref<64x16384xf32, #tpu.memory_space<hbm>> -> memref<64x256xf32, #tpu.memory_space<hbm>>
    %dma_start3A_19 = arith.constant 0 : i32
    %dma_start3A_20 = arith.constant 256 : i32
    %dma_start3A_21 = tpu.memref_slice %arg4[%dma_start3A_19, %dma_start3A_20] : memref<64x512xf32, #tpu.memory_space<vmem>> -> memref<64x256xf32, #tpu.memory_space<vmem>>
    %dma_start3A_22 = arith.constant 0 : i32
    %dma_start3A_23 = tpu.memref_slice %arg2[%dma_start3A_22, %add3A_13] : memref<64x16384xf32, #tpu.memory_space<hbm>> -> memref<64x256xf32, #tpu.memory_space<hbm>>
    tpu.enqueue_dma source(%dma_start3A_23 : memref<64x256xf32, #tpu.memory_space<hbm>>) target(%dma_start3A_21 : memref<64x256xf32, #tpu.memory_space<vmem>>) target_semaphore(%arg7 : memref<!tpu.dma_semaphore, #tpu.memory_space<semaphore_mem>>)
    %broadcast_in_dim3A = arith.constant 0.000000e+00 : f32
    %broadcast_in_dim3A_24 = vector.broadcast %broadcast_in_dim3A : f32 to vector<16xf32>
    %broadcast_in_dim3A_25 = arith.constant 1.000000e+00 : f32
    %broadcast_in_dim3A_26 = vector.broadcast %broadcast_in_dim3A_25 : f32 to vector<16xf32>
    %swap3A = arith.constant 0 : index
    %swap3A_27 = tpu.vector_load %arg5[%swap3A] {strides = array<i32>} : memref<64xf32, #tpu.memory_space<vmem>>, vector<16xf32>,
    tpu.vector_store %arg5[%swap3A], %broadcast_in_dim3A_24 {strides = array<i32>} : memref<64xf32, #tpu.memory_space<vmem>>, vector<16xf32>,
    %swap3A_28 = arith.constant 16 : index
    %swap3A_29 = tpu.vector_load %arg5[%swap3A_28] {strides = array<i32>} : memref<64xf32, #tpu.memory_space<vmem>>, vector<16xf32>,
    tpu.vector_store %arg5[%swap3A_28], %broadcast_in_dim3A_24 {strides = array<i32>} : memref<64xf32, #tpu.memory_space<vmem>>, vector<16xf32>,
    %swap3A_30 = arith.constant 32 : index
    %swap3A_31 = tpu.vector_load %arg5[%swap3A_30] {strides = array<i32>} : memref<64xf32, #tpu.memory_space<vmem>>, vector<16xf32>,
    tpu.vector_store %arg5[%swap3A_30], %broadcast_in_dim3A_24 {strides = array<i32>} : memref<64xf32, #tpu.memory_space<vmem>>, vector<16xf32>,
    %swap3A_32 = arith.constant 48 : index
    %swap3A_33 = tpu.vector_load %arg5[%swap3A_32] {strides = array<i32>} : memref<64xf32, #tpu.memory_space<vmem>>, vector<16xf32>,
    tpu.vector_store %arg5[%swap3A_32], %broadcast_in_dim3A_24 {strides = array<i32>} : memref<64xf32, #tpu.memory_space<vmem>>, vector<16xf32>,
    %dma_wait3A = arith.constant 0 : i32
    %dma_wait3A_34 = arith.constant 0 : i32
    %dma_wait3A_35 = tpu.memref_slice %arg4[%dma_wait3A, %dma_wait3A_34] : memref<64x512xf32, #tpu.memory_space<vmem>> -> memref<64x256xf32, #tpu.memory_space<vmem>>
    %dma_wait3A_36 = arith.constant 0 : i32
    %dma_wait3A_37 = tpu.memref_slice %arg2[%dma_wait3A_36, %mul3A_2] : memref<64x16384xf32, #tpu.memory_space<hbm>> -> memref<64x256xf32, #tpu.memory_space<hbm>>
    %dma_wait3A_38 = arith.constant 0 : i32
    %dma_wait3A_39 = arith.constant 0 : i32
    %dma_wait3A_40 = tpu.memref_slice %arg4[%dma_wait3A_38, %dma_wait3A_39] : memref<64x512xf32, #tpu.memory_space<vmem>> -> memref<64x256xf32, #tpu.memory_space<vmem>>
    %dma_wait3A_41 = arith.constant 0 : i32
    %dma_wait3A_42 = tpu.memref_slice %arg2[%dma_wait3A_41, %mul3A_2] : memref<64x16384xf32, #tpu.memory_space<hbm>> -> memref<64x256xf32, #tpu.memory_space<hbm>>
    tpu.wait_dma2 semaphore(%arg6 : memref<!tpu.dma_semaphore, #tpu.memory_space<semaphore_mem>>) src(%dma_wait3A_42 : memref<64x256xf32, #tpu.memory_space<hbm>>) dst(%dma_wait3A_40 : memref<64x256xf32, #tpu.memory_space<vmem>>)
    %scan3A = arith.constant 0 : i32
    %scan3A_43 = arith.constant 0 : i32
    %scan3A_44 = arith.constant 8 : i32
    %scan3A_45 = arith.addi %scan3A_43, %scan3A_44 : i32
    %scan3A_46 = arith.constant 1 : i32
    scf.for %scan3A_64 = %scan3A_43 to %scan3A_45 step %scan3A_46  : i32 {
      %mul3A_65 = arith.constant 2 : i32
      %mul3A_66 = arith.muli %mul3A_65, %scan3A_64 : i32
      %mul3A_67 = arith.constant 16 : i32
      %mul3A_68 = arith.muli %mul3A_66, %mul3A_67 : i32
      %get3A = arith.constant 0 : i32
      %get3A_69 = arith.index_cast %get3A : i32 to index
      %get3A_70 = arith.index_cast %mul3A_68 : i32 to index
      %get3A_71 = tpu.vector_load %arg4[%get3A_69, %get3A_70] {strides = array<i32>} : memref<64x512xf32, #tpu.memory_space<vmem>>, vector<16xf32>,
      %mul3A_72 = arith.constant 16 : i32
      %mul3A_73 = arith.muli %mul3A_66, %mul3A_72 : i32
      %get3A_74 = arith.constant 1 : i32
      %get3A_75 = arith.index_cast %get3A_74 : i32 to index
      %get3A_76 = arith.index_cast %mul3A_73 : i32 to index
      %get3A_77 = tpu.vector_load %arg4[%get3A_75, %get3A_76] {strides = array<i32>} : memref<64x512xf32, #tpu.memory_space<vmem>>, vector<16xf32>,
      %mul3A_78 = arith.constant 16 : i32
      %mul3A_79 = arith.muli %mul3A_66, %mul3A_78 : i32
      %get3A_80 = arith.constant 2 : i32
      %get3A_81 = arith.index_cast %get3A_80 : i32 to index
      %get3A_82 = arith.index_cast %mul3A_79 : i32 to index
      %get3A_83 = tpu.vector_load %arg4[%get3A_81, %get3A_82] {strides = array<i32>} : memref<64x512xf32, #tpu.memory_space<vmem>>, vector<16xf32>,
      %mul3A_84 = arith.constant 16 : i32
      %mul3A_85 = arith.muli %mul3A_66, %mul3A_84 : i32
      %get3A_86 = arith.constant 3 : i32
      %get3A_87 = arith.index_cast %get3A_86 : i32 to index
      %get3A_88 = arith.index_cast %mul3A_85 : i32 to index
      %get3A_89 = tpu.vector_load %arg4[%get3A_87, %get3A_88] {strides = array<i32>} : memref<64x512xf32, #tpu.memory_space<vmem>>, vector<16xf32>,
      %mul3A_90 = arith.constant 16 : i32
      %mul3A_91 = arith.muli %mul3A_66, %mul3A_90 : i32
      %get3A_92 = arith.constant 4 : i32
      %get3A_93 = arith.index_cast %get3A_92 : i32 to index
      %get3A_94 = arith.index_cast %mul3A_91 : i32 to index
      %get3A_95 = tpu.vector_load %arg4[%get3A_93, %get3A_94] {strides = array<i32>} : memref<64x512xf32, #tpu.memory_space<vmem>>, vector<16xf32>,
      %mul3A_96 = arith.constant 16 : i32
      %mul3A_97 = arith.muli %mul3A_66, %mul3A_96 : i32
      %get3A_98 = arith.constant 5 : i32
      %get3A_99 = arith.index_cast %get3A_98 : i32 to index
      %get3A_100 = arith.index_cast %mul3A_97 : i32 to index
      %get3A_101 = tpu.vector_load %arg4[%get3A_99, %get3A_100] {strides = array<i32>} : memref<64x512xf32, #tpu.memory_space<vmem>>, vector<16xf32>,
      %mul3A_102 = arith.constant 16 : i32
      %mul3A_103 = arith.muli %mul3A_66, %mul3A_102 : i32
      %get3A_104 = arith.constant 6 : i32
      %get3A_105 = arith.index_cast %get3A_104 : i32 to index
      %get3A_106 = arith.index_cast %mul3A_103 : i32 to index
      %get3A_107 = tpu.vector_load %arg4[%get3A_105, %get3A_106] {strides = array<i32>} : memref<64x512xf32, #tpu.memory_space<vmem>>, vector<16xf32>,
      %mul3A_108 = arith.constant 16 : i32
      %mul3A_109 = arith.muli %mul3A_66, %mul3A_108 : i32
      %get3A_110 = arith.constant 7 : i32
      %get3A_111 = arith.index_cast %get3A_110 : i32 to index
      %get3A_112 = arith.index_cast %mul3A_109 : i32 to index
      %get3A_113 = tpu.vector_load %arg4[%get3A_111, %get3A_112] {strides = array<i32>} : memref<64x512xf32, #tpu.memory_space<vmem>>, vector<16xf32>,
      %mul3A_114 = arith.constant 16 : i32
      %mul3A_115 = arith.muli %mul3A_66, %mul3A_114 : i32
      %get3A_116 = arith.constant 8 : i32
      %get3A_117 = arith.index_cast %get3A_116 : i32 to index
      %get3A_118 = arith.index_cast %mul3A_115 : i32 to index
      %get3A_119 = tpu.vector_load %arg4[%get3A_117, %get3A_118] {strides = array<i32>} : memref<64x512xf32, #tpu.memory_space<vmem>>, vector<16xf32>,
      %mul3A_120 = arith.constant 16 : i32
      %mul3A_121 = arith.muli %mul3A_66, %mul3A_120 : i32
      %get3A_122 = arith.constant 9 : i32
      %get3A_123 = arith.index_cast %get3A_122 : i32 to index
      %get3A_124 = arith.index_cast %mul3A_121 : i32 to index
      %get3A_125 = tpu.vector_load %arg4[%get3A_123, %get3A_124] {strides = array<i32>} : memref<64x512xf32, #tpu.memory_space<vmem>>, vector<16xf32>,
      %mul3A_126 = arith.constant 16 : i32
      %mul3A_127 = arith.muli %mul3A_66, %mul3A_126 : i32
      %get3A_128 = arith.constant 10 : i32
      %get3A_129 = arith.index_cast %get3A_128 : i32 to index
      %get3A_130 = arith.index_cast %mul3A_127 : i32 to index
      %get3A_131 = tpu.vector_load %arg4[%get3A_129, %get3A_130] {strides = array<i32>} : memref<64x512xf32, #tpu.memory_space<vmem>>, vector<16xf32>,
      %mul3A_132 = arith.constant 16 : i32
      %mul3A_133 = arith.muli %mul3A_66, %mul3A_132 : i32
      %get3A_134 = arith.constant 11 : i32
      %get3A_135 = arith.index_cast %get3A_134 : i32 to index
      %get3A_136 = arith.index_cast %mul3A_133 : i32 to index
      %get3A_137 = tpu.vector_load %arg4[%get3A_135, %get3A_136] {strides = array<i32>} : memref<64x512xf32, #tpu.memory_space<vmem>>, vector<16xf32>,
      %mul3A_138 = arith.constant 16 : i32
      %mul3A_139 = arith.muli %mul3A_66, %mul3A_138 : i32
      %get3A_140 = arith.constant 12 : i32
      %get3A_141 = arith.index_cast %get3A_140 : i32 to index
      %get3A_142 = arith.index_cast %mul3A_139 : i32 to index
      %get3A_143 = tpu.vector_load %arg4[%get3A_141, %get3A_142] {strides = array<i32>} : memref<64x512xf32, #tpu.memory_space<vmem>>, vector<16xf32>,
      %mul3A_144 = arith.constant 16 : i32
      %mul3A_145 = arith.muli %mul3A_66, %mul3A_144 : i32
      %get3A_146 = arith.constant 13 : i32
      %get3A_147 = arith.index_cast %get3A_146 : i32 to index
      %get3A_148 = arith.index_cast %mul3A_145 : i32 to index
      %get3A_149 = tpu.vector_load %arg4[%get3A_147, %get3A_148] {strides = array<i32>} : memref<64x512xf32, #tpu.memory_space<vmem>>, vector<16xf32>,
      %mul3A_150 = arith.constant 16 : i32
      %mul3A_151 = arith.muli %mul3A_66, %mul3A_150 : i32
      %get3A_152 = arith.constant 14 : i32
      %get3A_153 = arith.index_cast %get3A_152 : i32 to index
      %get3A_154 = arith.index_cast %mul3A_151 : i32 to index
      %get3A_155 = tpu.vector_load %arg4[%get3A_153, %get3A_154] {strides = array<i32>} : memref<64x512xf32, #tpu.memory_space<vmem>>, vector<16xf32>,
      %mul3A_156 = arith.constant 16 : i32
      %mul3A_157 = arith.muli %mul3A_66, %mul3A_156 : i32
      %get3A_158 = arith.constant 15 : i32
      %get3A_159 = arith.index_cast %get3A_158 : i32 to index
      %get3A_160 = arith.index_cast %mul3A_157 : i32 to index
      %get3A_161 = tpu.vector_load %arg4[%get3A_159, %get3A_160] {strides = array<i32>} : memref<64x512xf32, #tpu.memory_space<vmem>>, vector<16xf32>,
      %mul3A_162 = arith.constant 16 : i32
      %mul3A_163 = arith.muli %mul3A_66, %mul3A_162 : i32
      %get3A_164 = arith.constant 16 : i32
      %get3A_165 = arith.index_cast %get3A_164 : i32 to index
      %get3A_166 = arith.index_cast %mul3A_163 : i32 to index
      %get3A_167 = tpu.vector_load %arg4[%get3A_165, %get3A_166] {strides = array<i32>} : memref<64x512xf32, #tpu.memory_space<vmem>>, vector<16xf32>,
      %mul3A_168 = arith.constant 16 : i32
      %mul3A_169 = arith.muli %mul3A_66, %mul3A_168 : i32
      %get3A_170 = arith.constant 17 : i32
      %get3A_171 = arith.index_cast %get3A_170 : i32 to index
      %get3A_172 = arith.index_cast %mul3A_169 : i32 to index
      %get3A_173 = tpu.vector_load %arg4[%get3A_171, %get3A_172] {strides = array<i32>} : memref<64x512xf32, #tpu.memory_space<vmem>>, vector<16xf32>,
      %mul3A_174 = arith.constant 16 : i32
      %mul3A_175 = arith.muli %mul3A_66, %mul3A_174 : i32
      %get3A_176 = arith.constant 18 : i32
      %get3A_177 = arith.index_cast %get3A_176 : i32 to index
      %get3A_178 = arith.index_cast %mul3A_175 : i32 to index
      %get3A_179 = tpu.vector_load %arg4[%get3A_177, %get3A_178] {strides = array<i32>} : memref<64x512xf32, #tpu.memory_space<vmem>>, vector<16xf32>,
      %mul3A_180 = arith.constant 16 : i32
      %mul3A_181 = arith.muli %mul3A_66, %mul3A_180 : i32
      %get3A_182 = arith.constant 19 : i32
      %get3A_183 = arith.index_cast %get3A_182 : i32 to index
      %get3A_184 = arith.index_cast %mul3A_181 : i32 to index
      %get3A_185 = tpu.vector_load %arg4[%get3A_183, %get3A_184] {strides = array<i32>} : memref<64x512xf32, #tpu.memory_space<vmem>>, vector<16xf32>,
      %mul3A_186 = arith.constant 16 : i32
      %mul3A_187 = arith.muli %mul3A_66, %mul3A_186 : i32
      %get3A_188 = arith.constant 20 : i32
      %get3A_189 = arith.index_cast %get3A_188 : i32 to index
      %get3A_190 = arith.index_cast %mul3A_187 : i32 to index
      %get3A_191 = tpu.vector_load %arg4[%get3A_189, %get3A_190] {strides = array<i32>} : memref<64x512xf32, #tpu.memory_space<vmem>>, vector<16xf32>,
      %mul3A_192 = arith.constant 16 : i32
      %mul3A_193 = arith.muli %mul3A_66, %mul3A_192 : i32
      %get3A_194 = arith.constant 21 : i32
      %get3A_195 = arith.index_cast %get3A_194 : i32 to index
      %get3A_196 = arith.index_cast %mul3A_193 : i32 to index
      %get3A_197 = tpu.vector_load %arg4[%get3A_195, %get3A_196] {strides = array<i32>} : memref<64x512xf32, #tpu.memory_space<vmem>>, vector<16xf32>,
      %mul3A_198 = arith.constant 16 : i32
      %mul3A_199 = arith.muli %mul3A_66, %mul3A_198 : i32
      %get3A_200 = arith.constant 22 : i32
      %get3A_201 = arith.index_cast %get3A_200 : i32 to index
      %get3A_202 = arith.index_cast %mul3A_199 : i32 to index
      %get3A_203 = tpu.vector_load %arg4[%get3A_201, %get3A_202] {strides = array<i32>} : memref<64x512xf32, #tpu.memory_space<vmem>>, vector<16xf32>,
      %mul3A_204 = arith.constant 16 : i32
      %mul3A_205 = arith.muli %mul3A_66, %mul3A_204 : i32
      %get3A_206 = arith.constant 23 : i32
      %get3A_207 = arith.index_cast %get3A_206 : i32 to index
      %get3A_208 = arith.index_cast %mul3A_205 : i32 to index
      %get3A_209 = tpu.vector_load %arg4[%get3A_207, %get3A_208] {strides = array<i32>} : memref<64x512xf32, #tpu.memory_space<vmem>>, vector<16xf32>,
      %mul3A_210 = arith.constant 16 : i32
      %mul3A_211 = arith.muli %mul3A_66, %mul3A_210 : i32
      %get3A_212 = arith.constant 24 : i32
      %get3A_213 = arith.index_cast %get3A_212 : i32 to index
      %get3A_214 = arith.index_cast %mul3A_211 : i32 to index
      %get3A_215 = tpu.vector_load %arg4[%get3A_213, %get3A_214] {strides = array<i32>} : memref<64x512xf32, #tpu.memory_space<vmem>>, vector<16xf32>,
      %mul3A_216 = arith.constant 16 : i32
      %mul3A_217 = arith.muli %mul3A_66, %mul3A_216 : i32
      %get3A_218 = arith.constant 25 : i32
      %get3A_219 = arith.index_cast %get3A_218 : i32 to index
      %get3A_220 = arith.index_cast %mul3A_217 : i32 to index
      %get3A_221 = tpu.vector_load %arg4[%get3A_219, %get3A_220] {strides = array<i32>} : memref<64x512xf32, #tpu.memory_space<vmem>>, vector<16xf32>,
      %mul3A_222 = arith.constant 16 : i32
      %mul3A_223 = arith.muli %mul3A_66, %mul3A_222 : i32
      %get3A_224 = arith.constant 26 : i32
      %get3A_225 = arith.index_cast %get3A_224 : i32 to index
      %get3A_226 = arith.index_cast %mul3A_223 : i32 to index
      %get3A_227 = tpu.vector_load %arg4[%get3A_225, %get3A_226] {strides = array<i32>} : memref<64x512xf32, #tpu.memory_space<vmem>>, vector<16xf32>,
      %mul3A_228 = arith.constant 16 : i32
      %mul3A_229 = arith.muli %mul3A_66, %mul3A_228 : i32
      %get3A_230 = arith.constant 27 : i32
      %get3A_231 = arith.index_cast %get3A_230 : i32 to index
      %get3A_232 = arith.index_cast %mul3A_229 : i32 to index
      %get3A_233 = tpu.vector_load %arg4[%get3A_231, %get3A_232] {strides = array<i32>} : memref<64x512xf32, #tpu.memory_space<vmem>>, vector<16xf32>,
      %mul3A_234 = arith.constant 16 : i32
      %mul3A_235 = arith.muli %mul3A_66, %mul3A_234 : i32
      %get3A_236 = arith.constant 28 : i32
      %get3A_237 = arith.index_cast %get3A_236 : i32 to index
      %get3A_238 = arith.index_cast %mul3A_235 : i32 to index
      %get3A_239 = tpu.vector_load %arg4[%get3A_237, %get3A_238] {strides = array<i32>} : memref<64x512xf32, #tpu.memory_space<vmem>>, vector<16xf32>,
      %mul3A_240 = arith.constant 16 : i32
      %mul3A_241 = arith.muli %mul3A_66, %mul3A_240 : i32
      %get3A_242 = arith.constant 29 : i32
      %get3A_243 = arith.index_cast %get3A_242 : i32 to index
      %get3A_244 = arith.index_cast %mul3A_241 : i32 to index
      %get3A_245 = tpu.vector_load %arg4[%get3A_243, %get3A_244] {strides = array<i32>} : memref<64x512xf32, #tpu.memory_space<vmem>>, vector<16xf32>,
      %mul3A_246 = arith.constant 16 : i32
      %mul3A_247 = arith.muli %mul3A_66, %mul3A_246 : i32
      %get3A_248 = arith.constant 30 : i32
      %get3A_249 = arith.index_cast %get3A_248 : i32 to index
      %get3A_250 = arith.index_cast %mul3A_247 : i32 to index
      %get3A_251 = tpu.vector_load %arg4[%get3A_249, %get3A_250] {strides = array<i32>} : memref<64x512xf32, #tpu.memory_space<vmem>>, vector<16xf32>,
      %mul3A_252 = arith.constant 16 : i32
      %mul3A_253 = arith.muli %mul3A_66, %mul3A_252 : i32
      %get3A_254 = arith.constant 31 : i32
      %get3A_255 = arith.index_cast %get3A_254 : i32 to index
      %get3A_256 = arith.index_cast %mul3A_253 : i32 to index
      %get3A_257 = tpu.vector_load %arg4[%get3A_255, %get3A_256] {strides = array<i32>} : memref<64x512xf32, #tpu.memory_space<vmem>>, vector<16xf32>,
      %mul3A_258 = arith.constant 16 : i32
      %mul3A_259 = arith.muli %mul3A_66, %mul3A_258 : i32
      %get3A_260 = arith.constant 32 : i32
      %get3A_261 = arith.index_cast %get3A_260 : i32 to index
      %get3A_262 = arith.index_cast %mul3A_259 : i32 to index
      %get3A_263 = tpu.vector_load %arg4[%get3A_261, %get3A_262] {strides = array<i32>} : memref<64x512xf32, #tpu.memory_space<vmem>>, vector<16xf32>,
      %mul3A_264 = arith.constant 16 : i32
      %mul3A_265 = arith.muli %mul3A_66, %mul3A_264 : i32
      %get3A_266 = arith.constant 33 : i32
      %get3A_267 = arith.index_cast %get3A_266 : i32 to index
      %get3A_268 = arith.index_cast %mul3A_265 : i32 to index
      %get3A_269 = tpu.vector_load %arg4[%get3A_267, %get3A_268] {strides = array<i32>} : memref<64x512xf32, #tpu.memory_space<vmem>>, vector<16xf32>,
      %mul3A_270 = arith.constant 16 : i32
      %mul3A_271 = arith.muli %mul3A_66, %mul3A_270 : i32
      %get3A_272 = arith.constant 34 : i32
      %get3A_273 = arith.index_cast %get3A_272 : i32 to index
      %get3A_274 = arith.index_cast %mul3A_271 : i32 to index
      %get3A_275 = tpu.vector_load %arg4[%get3A_273, %get3A_274] {strides = array<i32>} : memref<64x512xf32, #tpu.memory_space<vmem>>, vector<16xf32>,
      %mul3A_276 = arith.constant 16 : i32
      %mul3A_277 = arith.muli %mul3A_66, %mul3A_276 : i32
      %get3A_278 = arith.constant 35 : i32
      %get3A_279 = arith.index_cast %get3A_278 : i32 to index
      %get3A_280 = arith.index_cast %mul3A_277 : i32 to index
      %get3A_281 = tpu.vector_load %arg4[%get3A_279, %get3A_280] {strides = array<i32>} : memref<64x512xf32, #tpu.memory_space<vmem>>, vector<16xf32>,
      %mul3A_282 = arith.constant 16 : i32
      %mul3A_283 = arith.muli %mul3A_66, %mul3A_282 : i32
      %get3A_284 = arith.constant 36 : i32
      %get3A_285 = arith.index_cast %get3A_284 : i32 to index
      %get3A_286 = arith.index_cast %mul3A_283 : i32 to index
      %get3A_287 = tpu.vector_load %arg4[%get3A_285, %get3A_286] {strides = array<i32>} : memref<64x512xf32, #tpu.memory_space<vmem>>, vector<16xf32>,
      %mul3A_288 = arith.constant 16 : i32
      %mul3A_289 = arith.muli %mul3A_66, %mul3A_288 : i32
      %get3A_290 = arith.constant 37 : i32
      %get3A_291 = arith.index_cast %get3A_290 : i32 to index
      %get3A_292 = arith.index_cast %mul3A_289 : i32 to index
      %get3A_293 = tpu.vector_load %arg4[%get3A_291, %get3A_292] {strides = array<i32>} : memref<64x512xf32, #tpu.memory_space<vmem>>, vector<16xf32>,
      %mul3A_294 = arith.constant 16 : i32
      %mul3A_295 = arith.muli %mul3A_66, %mul3A_294 : i32
      %get3A_296 = arith.constant 38 : i32
      %get3A_297 = arith.index_cast %get3A_296 : i32 to index
      %get3A_298 = arith.index_cast %mul3A_295 : i32 to index
      %get3A_299 = tpu.vector_load %arg4[%get3A_297, %get3A_298] {strides = array<i32>} : memref<64x512xf32, #tpu.memory_space<vmem>>, vector<16xf32>,
      %mul3A_300 = arith.constant 16 : i32
      %mul3A_301 = arith.muli %mul3A_66, %mul3A_300 : i32
      %get3A_302 = arith.constant 39 : i32
      %get3A_303 = arith.index_cast %get3A_302 : i32 to index
      %get3A_304 = arith.index_cast %mul3A_301 : i32 to index
      %get3A_305 = tpu.vector_load %arg4[%get3A_303, %get3A_304] {strides = array<i32>} : memref<64x512xf32, #tpu.memory_space<vmem>>, vector<16xf32>,
      %mul3A_306 = arith.constant 16 : i32
      %mul3A_307 = arith.muli %mul3A_66, %mul3A_306 : i32
      %get3A_308 = arith.constant 40 : i32
      %get3A_309 = arith.index_cast %get3A_308 : i32 to index
      %get3A_310 = arith.index_cast %mul3A_307 : i32 to index
      %get3A_311 = tpu.vector_load %arg4[%get3A_309, %get3A_310] {strides = array<i32>} : memref<64x512xf32, #tpu.memory_space<vmem>>, vector<16xf32>,
      %mul3A_312 = arith.constant 16 : i32
      %mul3A_313 = arith.muli %mul3A_66, %mul3A_312 : i32
      %get3A_314 = arith.constant 41 : i32
      %get3A_315 = arith.index_cast %get3A_314 : i32 to index
      %get3A_316 = arith.index_cast %mul3A_313 : i32 to index
      %get3A_317 = tpu.vector_load %arg4[%get3A_315, %get3A_316] {strides = array<i32>} : memref<64x512xf32, #tpu.memory_space<vmem>>, vector<16xf32>,
      %mul3A_318 = arith.constant 16 : i32
      %mul3A_319 = arith.muli %mul3A_66, %mul3A_318 : i32
      %get3A_320 = arith.constant 42 : i32
      %get3A_321 = arith.index_cast %get3A_320 : i32 to index
      %get3A_322 = arith.index_cast %mul3A_319 : i32 to index
      %get3A_323 = tpu.vector_load %arg4[%get3A_321, %get3A_322] {strides = array<i32>} : memref<64x512xf32, #tpu.memory_space<vmem>>, vector<16xf32>,
      %mul3A_324 = arith.constant 16 : i32
      %mul3A_325 = arith.muli %mul3A_66, %mul3A_324 : i32
      %get3A_326 = arith.constant 43 : i32
      %get3A_327 = arith.index_cast %get3A_326 : i32 to index
      %get3A_328 = arith.index_cast %mul3A_325 : i32 to index
      %get3A_329 = tpu.vector_load %arg4[%get3A_327, %get3A_328] {strides = array<i32>} : memref<64x512xf32, #tpu.memory_space<vmem>>, vector<16xf32>,
      %mul3A_330 = arith.constant 16 : i32
      %mul3A_331 = arith.muli %mul3A_66, %mul3A_330 : i32
      %get3A_332 = arith.constant 44 : i32
      %get3A_333 = arith.index_cast %get3A_332 : i32 to index
      %get3A_334 = arith.index_cast %mul3A_331 : i32 to index
      %get3A_335 = tpu.vector_load %arg4[%get3A_333, %get3A_334] {strides = array<i32>} : memref<64x512xf32, #tpu.memory_space<vmem>>, vector<16xf32>,
      %mul3A_336 = arith.constant 16 : i32
      %mul3A_337 = arith.muli %mul3A_66, %mul3A_336 : i32
      %get3A_338 = arith.constant 45 : i32
      %get3A_339 = arith.index_cast %get3A_338 : i32 to index
      %get3A_340 = arith.index_cast %mul3A_337 : i32 to index
      %get3A_341 = tpu.vector_load %arg4[%get3A_339, %get3A_340] {strides = array<i32>} : memref<64x512xf32, #tpu.memory_space<vmem>>, vector<16xf32>,
      %mul3A_342 = arith.constant 16 : i32
      %mul3A_343 = arith.muli %mul3A_66, %mul3A_342 : i32
      %get3A_344 = arith.constant 46 : i32
      %get3A_345 = arith.index_cast %get3A_344 : i32 to index
      %get3A_346 = arith.index_cast %mul3A_343 : i32 to index
      %get3A_347 = tpu.vector_load %arg4[%get3A_345, %get3A_346] {strides = array<i32>} : memref<64x512xf32, #tpu.memory_space<vmem>>, vector<16xf32>,
      %mul3A_348 = arith.constant 16 : i32
      %mul3A_349 = arith.muli %mul3A_66, %mul3A_348 : i32
      %get3A_350 = arith.constant 47 : i32
      %get3A_351 = arith.index_cast %get3A_350 : i32 to index
      %get3A_352 = arith.index_cast %mul3A_349 : i32 to index
      %get3A_353 = tpu.vector_load %arg4[%get3A_351, %get3A_352] {strides = array<i32>} : memref<64x512xf32, #tpu.memory_space<vmem>>, vector<16xf32>,
      %mul3A_354 = arith.constant 16 : i32
      %mul3A_355 = arith.muli %mul3A_66, %mul3A_354 : i32
      %get3A_356 = arith.constant 48 : i32
      %get3A_357 = arith.index_cast %get3A_356 : i32 to index
      %get3A_358 = arith.index_cast %mul3A_355 : i32 to index
      %get3A_359 = tpu.vector_load %arg4[%get3A_357, %get3A_358] {strides = array<i32>} : memref<64x512xf32, #tpu.memory_space<vmem>>, vector<16xf32>,
      %mul3A_360 = arith.constant 16 : i32
      %mul3A_361 = arith.muli %mul3A_66, %mul3A_360 : i32
      %get3A_362 = arith.constant 49 : i32
      %get3A_363 = arith.index_cast %get3A_362 : i32 to index
      %get3A_364 = arith.index_cast %mul3A_361 : i32 to index
      %get3A_365 = tpu.vector_load %arg4[%get3A_363, %get3A_364] {strides = array<i32>} : memref<64x512xf32, #tpu.memory_space<vmem>>, vector<16xf32>,
      %mul3A_366 = arith.constant 16 : i32
      %mul3A_367 = arith.muli %mul3A_66, %mul3A_366 : i32
      %get3A_368 = arith.constant 50 : i32
      %get3A_369 = arith.index_cast %get3A_368 : i32 to index
      %get3A_370 = arith.index_cast %mul3A_367 : i32 to index
      %get3A_371 = tpu.vector_load %arg4[%get3A_369, %get3A_370] {strides = array<i32>} : memref<64x512xf32, #tpu.memory_space<vmem>>, vector<16xf32>,
      %mul3A_372 = arith.constant 16 : i32
      %mul3A_373 = arith.muli %mul3A_66, %mul3A_372 : i32
      %get3A_374 = arith.constant 51 : i32
      %get3A_375 = arith.index_cast %get3A_374 : i32 to index
      %get3A_376 = arith.index_cast %mul3A_373 : i32 to index
      %get3A_377 = tpu.vector_load %arg4[%get3A_375, %get3A_376] {strides = array<i32>} : memref<64x512xf32, #tpu.memory_space<vmem>>, vector<16xf32>,
      %mul3A_378 = arith.constant 16 : i32
      %mul3A_379 = arith.muli %mul3A_66, %mul3A_378 : i32
      %get3A_380 = arith.constant 52 : i32
      %get3A_381 = arith.index_cast %get3A_380 : i32 to index
      %get3A_382 = arith.index_cast %mul3A_379 : i32 to index
      %get3A_383 = tpu.vector_load %arg4[%get3A_381, %get3A_382] {strides = array<i32>} : memref<64x512xf32, #tpu.memory_space<vmem>>, vector<16xf32>,
      %mul3A_384 = arith.constant 16 : i32
      %mul3A_385 = arith.muli %mul3A_66, %mul3A_384 : i32
      %get3A_386 = arith.constant 53 : i32
      %get3A_387 = arith.index_cast %get3A_386 : i32 to index
      %get3A_388 = arith.index_cast %mul3A_385 : i32 to index
      %get3A_389 = tpu.vector_load %arg4[%get3A_387, %get3A_388] {strides = array<i32>} : memref<64x512xf32, #tpu.memory_space<vmem>>, vector<16xf32>,
      %mul3A_390 = arith.constant 16 : i32
      %mul3A_391 = arith.muli %mul3A_66, %mul3A_390 : i32
      %get3A_392 = arith.constant 54 : i32
      %get3A_393 = arith.index_cast %get3A_392 : i32 to index
      %get3A_394 = arith.index_cast %mul3A_391 : i32 to index
      %get3A_395 = tpu.vector_load %arg4[%get3A_393, %get3A_394] {strides = array<i32>} : memref<64x512xf32, #tpu.memory_space<vmem>>, vector<16xf32>,
      %mul3A_396 = arith.constant 16 : i32
      %mul3A_397 = arith.muli %mul3A_66, %mul3A_396 : i32
      %get3A_398 = arith.constant 55 : i32
      %get3A_399 = arith.index_cast %get3A_398 : i32 to index
      %get3A_400 = arith.index_cast %mul3A_397 : i32 to index
      %get3A_401 = tpu.vector_load %arg4[%get3A_399, %get3A_400] {strides = array<i32>} : memref<64x512xf32, #tpu.memory_space<vmem>>, vector<16xf32>,
      %mul3A_402 = arith.constant 16 : i32
      %mul3A_403 = arith.muli %mul3A_66, %mul3A_402 : i32
      %get3A_404 = arith.constant 56 : i32
      %get3A_405 = arith.index_cast %get3A_404 : i32 to index
      %get3A_406 = arith.index_cast %mul3A_403 : i32 to index
      %get3A_407 = tpu.vector_load %arg4[%get3A_405, %get3A_406] {strides = array<i32>} : memref<64x512xf32, #tpu.memory_space<vmem>>, vector<16xf32>,
      %mul3A_408 = arith.constant 16 : i32
      %mul3A_409 = arith.muli %mul3A_66, %mul3A_408 : i32
      %get3A_410 = arith.constant 57 : i32
      %get3A_411 = arith.index_cast %get3A_410 : i32 to index
      %get3A_412 = arith.index_cast %mul3A_409 : i32 to index
      %get3A_413 = tpu.vector_load %arg4[%get3A_411, %get3A_412] {strides = array<i32>} : memref<64x512xf32, #tpu.memory_space<vmem>>, vector<16xf32>,
      %mul3A_414 = arith.constant 16 : i32
      %mul3A_415 = arith.muli %mul3A_66, %mul3A_414 : i32
      %get3A_416 = arith.constant 58 : i32
      %get3A_417 = arith.index_cast %get3A_416 : i32 to index
      %get3A_418 = arith.index_cast %mul3A_415 : i32 to index
      %get3A_419 = tpu.vector_load %arg4[%get3A_417, %get3A_418] {strides = array<i32>} : memref<64x512xf32, #tpu.memory_space<vmem>>, vector<16xf32>,
      %mul3A_420 = arith.constant 16 : i32
      %mul3A_421 = arith.muli %mul3A_66, %mul3A_420 : i32
      %get3A_422 = arith.constant 59 : i32
      %get3A_423 = arith.index_cast %get3A_422 : i32 to index
      %get3A_424 = arith.index_cast %mul3A_421 : i32 to index
      %get3A_425 = tpu.vector_load %arg4[%get3A_423, %get3A_424] {strides = array<i32>} : memref<64x512xf32, #tpu.memory_space<vmem>>, vector<16xf32>,
      %mul3A_426 = arith.constant 16 : i32
      %mul3A_427 = arith.muli %mul3A_66, %mul3A_426 : i32
      %get3A_428 = arith.constant 60 : i32
      %get3A_429 = arith.index_cast %get3A_428 : i32 to index
      %get3A_430 = arith.index_cast %mul3A_427 : i32 to index
      %get3A_431 = tpu.vector_load %arg4[%get3A_429, %get3A_430] {strides = array<i32>} : memref<64x512xf32, #tpu.memory_space<vmem>>, vector<16xf32>,
      %mul3A_432 = arith.constant 16 : i32
      %mul3A_433 = arith.muli %mul3A_66, %mul3A_432 : i32
      %get3A_434 = arith.constant 61 : i32
      %get3A_435 = arith.index_cast %get3A_434 : i32 to index
      %get3A_436 = arith.index_cast %mul3A_433 : i32 to index
      %get3A_437 = tpu.vector_load %arg4[%get3A_435, %get3A_436] {strides = array<i32>} : memref<64x512xf32, #tpu.memory_space<vmem>>, vector<16xf32>,
      %mul3A_438 = arith.constant 16 : i32
      %mul3A_439 = arith.muli %mul3A_66, %mul3A_438 : i32
      %get3A_440 = arith.constant 62 : i32
      %get3A_441 = arith.index_cast %get3A_440 : i32 to index
      %get3A_442 = arith.index_cast %mul3A_439 : i32 to index
      %get3A_443 = tpu.vector_load %arg4[%get3A_441, %get3A_442] {strides = array<i32>} : memref<64x512xf32, #tpu.memory_space<vmem>>, vector<16xf32>,
      %mul3A_444 = arith.constant 16 : i32
      %mul3A_445 = arith.muli %mul3A_66, %mul3A_444 : i32
      %get3A_446 = arith.constant 63 : i32
      %get3A_447 = arith.index_cast %get3A_446 : i32 to index
      %get3A_448 = arith.index_cast %mul3A_445 : i32 to index
      %get3A_449 = tpu.vector_load %arg4[%get3A_447, %get3A_448] {strides = array<i32>} : memref<64x512xf32, #tpu.memory_space<vmem>>, vector<16xf32>,
      %broadcast_in_dim3A_450 = arith.constant 0 : i32
      %broadcast_in_dim3A_451 = vector.broadcast %broadcast_in_dim3A_450 : i32 to vector<16xi32>
      %broadcast_in_dim3A_452 = arith.constant 1 : i32
      %broadcast_in_dim3A_453 = vector.broadcast %broadcast_in_dim3A_452 : i32 to vector<16xi32>
      %broadcast_in_dim3A_454 = arith.constant 2 : i32
      %broadcast_in_dim3A_455 = vector.broadcast %broadcast_in_dim3A_454 : i32 to vector<16xi32>
      %broadcast_in_dim3A_456 = arith.constant 3 : i32
      %broadcast_in_dim3A_457 = vector.broadcast %broadcast_in_dim3A_456 : i32 to vector<16xi32>
      %broadcast_in_dim3A_458 = arith.constant 4 : i32
      %broadcast_in_dim3A_459 = vector.broadcast %broadcast_in_dim3A_458 : i32 to vector<16xi32>
      %broadcast_in_dim3A_460 = arith.constant 5 : i32
      %broadcast_in_dim3A_461 = vector.broadcast %broadcast_in_dim3A_460 : i32 to vector<16xi32>
      %broadcast_in_dim3A_462 = arith.constant 6 : i32
      %broadcast_in_dim3A_463 = vector.broadcast %broadcast_in_dim3A_462 : i32 to vector<16xi32>
      %broadcast_in_dim3A_464 = arith.constant 7 : i32
      %broadcast_in_dim3A_465 = vector.broadcast %broadcast_in_dim3A_464 : i32 to vector<16xi32>
      %broadcast_in_dim3A_466 = arith.constant 8 : i32
      %broadcast_in_dim3A_467 = vector.broadcast %broadcast_in_dim3A_466 : i32 to vector<16xi32>
      %broadcast_in_dim3A_468 = arith.constant 9 : i32
      %broadcast_in_dim3A_469 = vector.broadcast %broadcast_in_dim3A_468 : i32 to vector<16xi32>
      %broadcast_in_dim3A_470 = arith.constant 10 : i32
      %broadcast_in_dim3A_471 = vector.broadcast %broadcast_in_dim3A_470 : i32 to vector<16xi32>
      %broadcast_in_dim3A_472 = arith.constant 11 : i32
      %broadcast_in_dim3A_473 = vector.broadcast %broadcast_in_dim3A_472 : i32 to vector<16xi32>
      %broadcast_in_dim3A_474 = arith.constant 12 : i32
      %broadcast_in_dim3A_475 = vector.broadcast %broadcast_in_dim3A_474 : i32 to vector<16xi32>
      %broadcast_in_dim3A_476 = arith.constant 13 : i32
      %broadcast_in_dim3A_477 = vector.broadcast %broadcast_in_dim3A_476 : i32 to vector<16xi32>
      %broadcast_in_dim3A_478 = arith.constant 14 : i32
      %broadcast_in_dim3A_479 = vector.broadcast %broadcast_in_dim3A_478 : i32 to vector<16xi32>
      %broadcast_in_dim3A_480 = arith.constant 15 : i32
      %broadcast_in_dim3A_481 = vector.broadcast %broadcast_in_dim3A_480 : i32 to vector<16xi32>
      %broadcast_in_dim3A_482 = arith.constant 16 : i32
      %broadcast_in_dim3A_483 = vector.broadcast %broadcast_in_dim3A_482 : i32 to vector<16xi32>
      %broadcast_in_dim3A_484 = arith.constant 17 : i32
      %broadcast_in_dim3A_485 = vector.broadcast %broadcast_in_dim3A_484 : i32 to vector<16xi32>
      %broadcast_in_dim3A_486 = arith.constant 18 : i32
      %broadcast_in_dim3A_487 = vector.broadcast %broadcast_in_dim3A_486 : i32 to vector<16xi32>
      %broadcast_in_dim3A_488 = arith.constant 19 : i32
      %broadcast_in_dim3A_489 = vector.broadcast %broadcast_in_dim3A_488 : i32 to vector<16xi32>
      %broadcast_in_dim3A_490 = arith.constant 20 : i32
      %broadcast_in_dim3A_491 = vector.broadcast %broadcast_in_dim3A_490 : i32 to vector<16xi32>
      %broadcast_in_dim3A_492 = arith.constant 21 : i32
      %broadcast_in_dim3A_493 = vector.broadcast %broadcast_in_dim3A_492 : i32 to vector<16xi32>
      %broadcast_in_dim3A_494 = arith.constant 22 : i32
      %broadcast_in_dim3A_495 = vector.broadcast %broadcast_in_dim3A_494 : i32 to vector<16xi32>
      %broadcast_in_dim3A_496 = arith.constant 23 : i32
      %broadcast_in_dim3A_497 = vector.broadcast %broadcast_in_dim3A_496 : i32 to vector<16xi32>
      %broadcast_in_dim3A_498 = arith.constant 24 : i32
      %broadcast_in_dim3A_499 = vector.broadcast %broadcast_in_dim3A_498 : i32 to vector<16xi32>
      %broadcast_in_dim3A_500 = arith.constant 25 : i32
      %broadcast_in_dim3A_501 = vector.broadcast %broadcast_in_dim3A_500 : i32 to vector<16xi32>
      %broadcast_in_dim3A_502 = arith.constant 26 : i32
      %broadcast_in_dim3A_503 = vector.broadcast %broadcast_in_dim3A_502 : i32 to vector<16xi32>
      %broadcast_in_dim3A_504 = arith.constant 27 : i32
      %broadcast_in_dim3A_505 = vector.broadcast %broadcast_in_dim3A_504 : i32 to vector<16xi32>
      %broadcast_in_dim3A_506 = arith.constant 28 : i32
      %broadcast_in_dim3A_507 = vector.broadcast %broadcast_in_dim3A_506 : i32 to vector<16xi32>
      %broadcast_in_dim3A_508 = arith.constant 29 : i32
      %broadcast_in_dim3A_509 = vector.broadcast %broadcast_in_dim3A_508 : i32 to vector<16xi32>
      %broadcast_in_dim3A_510 = arith.constant 30 : i32
      %broadcast_in_dim3A_511 = vector.broadcast %broadcast_in_dim3A_510 : i32 to vector<16xi32>
      %broadcast_in_dim3A_512 = arith.constant 31 : i32
      %broadcast_in_dim3A_513 = vector.broadcast %broadcast_in_dim3A_512 : i32 to vector<16xi32>
      %broadcast_in_dim3A_514 = arith.constant 32 : i32
      %broadcast_in_dim3A_515 = vector.broadcast %broadcast_in_dim3A_514 : i32 to vector<16xi32>
      %broadcast_in_dim3A_516 = arith.constant 33 : i32
      %broadcast_in_dim3A_517 = vector.broadcast %broadcast_in_dim3A_516 : i32 to vector<16xi32>
      %broadcast_in_dim3A_518 = arith.constant 34 : i32
      %broadcast_in_dim3A_519 = vector.broadcast %broadcast_in_dim3A_518 : i32 to vector<16xi32>
      %broadcast_in_dim3A_520 = arith.constant 35 : i32
      %broadcast_in_dim3A_521 = vector.broadcast %broadcast_in_dim3A_520 : i32 to vector<16xi32>
      %broadcast_in_dim3A_522 = arith.constant 36 : i32
      %broadcast_in_dim3A_523 = vector.broadcast %broadcast_in_dim3A_522 : i32 to vector<16xi32>
      %broadcast_in_dim3A_524 = arith.constant 37 : i32
      %broadcast_in_dim3A_525 = vector.broadcast %broadcast_in_dim3A_524 : i32 to vector<16xi32>
      %broadcast_in_dim3A_526 = arith.constant 38 : i32
      %broadcast_in_dim3A_527 = vector.broadcast %broadcast_in_dim3A_526 : i32 to vector<16xi32>
      %broadcast_in_dim3A_528 = arith.constant 39 : i32
      %broadcast_in_dim3A_529 = vector.broadcast %broadcast_in_dim3A_528 : i32 to vector<16xi32>
      %broadcast_in_dim3A_530 = arith.constant 40 : i32
      %broadcast_in_dim3A_531 = vector.broadcast %broadcast_in_dim3A_530 : i32 to vector<16xi32>
      %broadcast_in_dim3A_532 = arith.constant 41 : i32
      %broadcast_in_dim3A_533 = vector.broadcast %broadcast_in_dim3A_532 : i32 to vector<16xi32>
      %broadcast_in_dim3A_534 = arith.constant 42 : i32
      %broadcast_in_dim3A_535 = vector.broadcast %broadcast_in_dim3A_534 : i32 to vector<16xi32>
      %broadcast_in_dim3A_536 = arith.constant 43 : i32
      %broadcast_in_dim3A_537 = vector.broadcast %broadcast_in_dim3A_536 : i32 to vector<16xi32>
      %broadcast_in_dim3A_538 = arith.constant 44 : i32
      %broadcast_in_dim3A_539 = vector.broadcast %broadcast_in_dim3A_538 : i32 to vector<16xi32>
      %broadcast_in_dim3A_540 = arith.constant 45 : i32
      %broadcast_in_dim3A_541 = vector.broadcast %broadcast_in_dim3A_540 : i32 to vector<16xi32>
      %broadcast_in_dim3A_542 = arith.constant 46 : i32
      %broadcast_in_dim3A_543 = vector.broadcast %broadcast_in_dim3A_542 : i32 to vector<16xi32>
      %broadcast_in_dim3A_544 = arith.constant 47 : i32
      %broadcast_in_dim3A_545 = vector.broadcast %broadcast_in_dim3A_544 : i32 to vector<16xi32>
      %broadcast_in_dim3A_546 = arith.constant 48 : i32
      %broadcast_in_dim3A_547 = vector.broadcast %broadcast_in_dim3A_546 : i32 to vector<16xi32>
      %broadcast_in_dim3A_548 = arith.constant 49 : i32
      %broadcast_in_dim3A_549 = vector.broadcast %broadcast_in_dim3A_548 : i32 to vector<16xi32>
      %broadcast_in_dim3A_550 = arith.constant 50 : i32
      %broadcast_in_dim3A_551 = vector.broadcast %broadcast_in_dim3A_550 : i32 to vector<16xi32>
      %broadcast_in_dim3A_552 = arith.constant 51 : i32
      %broadcast_in_dim3A_553 = vector.broadcast %broadcast_in_dim3A_552 : i32 to vector<16xi32>
      %broadcast_in_dim3A_554 = arith.constant 52 : i32
      %broadcast_in_dim3A_555 = vector.broadcast %broadcast_in_dim3A_554 : i32 to vector<16xi32>
      %broadcast_in_dim3A_556 = arith.constant 53 : i32
      %broadcast_in_dim3A_557 = vector.broadcast %broadcast_in_dim3A_556 : i32 to vector<16xi32>
      %broadcast_in_dim3A_558 = arith.constant 54 : i32
      %broadcast_in_dim3A_559 = vector.broadcast %broadcast_in_dim3A_558 : i32 to vector<16xi32>
      %broadcast_in_dim3A_560 = arith.constant 55 : i32
      %broadcast_in_dim3A_561 = vector.broadcast %broadcast_in_dim3A_560 : i32 to vector<16xi32>
      %broadcast_in_dim3A_562 = arith.constant 56 : i32
      %broadcast_in_dim3A_563 = vector.broadcast %broadcast_in_dim3A_562 : i32 to vector<16xi32>
      %broadcast_in_dim3A_564 = arith.constant 57 : i32
      %broadcast_in_dim3A_565 = vector.broadcast %broadcast_in_dim3A_564 : i32 to vector<16xi32>
      %broadcast_in_dim3A_566 = arith.constant 58 : i32
      %broadcast_in_dim3A_567 = vector.broadcast %broadcast_in_dim3A_566 : i32 to vector<16xi32>
      %broadcast_in_dim3A_568 = arith.constant 59 : i32
      %broadcast_in_dim3A_569 = vector.broadcast %broadcast_in_dim3A_568 : i32 to vector<16xi32>
      %broadcast_in_dim3A_570 = arith.constant 60 : i32
      %broadcast_in_dim3A_571 = vector.broadcast %broadcast_in_dim3A_570 : i32 to vector<16xi32>
      %broadcast_in_dim3A_572 = arith.constant 61 : i32
      %broadcast_in_dim3A_573 = vector.broadcast %broadcast_in_dim3A_572 : i32 to vector<16xi32>
      %broadcast_in_dim3A_574 = arith.constant 62 : i32
      %broadcast_in_dim3A_575 = vector.broadcast %broadcast_in_dim3A_574 : i32 to vector<16xi32>
      %broadcast_in_dim3A_576 = arith.constant 63 : i32
      %broadcast_in_dim3A_577 = vector.broadcast %broadcast_in_dim3A_576 : i32 to vector<16xi32>
      %ge3A = arith.cmpf oge, %get3A_71, %get3A_77 : vector<16xf32>
      %select_n3A = arith.select %ge3A, %get3A_71, %get3A_77 : vector<16xi1>, vector<16xf32>
      %select_n3A_578 = arith.select %ge3A, %broadcast_in_dim3A_451, %broadcast_in_dim3A_453 : vector<16xi1>, vector<16xi32>
      %ge3A_579 = arith.cmpf oge, %get3A_83, %get3A_89 : vector<16xf32>
      %select_n3A_580 = arith.select %ge3A_579, %get3A_83, %get3A_89 : vector<16xi1>, vector<16xf32>
      %select_n3A_581 = arith.select %ge3A_579, %broadcast_in_dim3A_455, %broadcast_in_dim3A_457 : vector<16xi1>, vector<16xi32>
      %ge3A_582 = arith.cmpf oge, %get3A_95, %get3A_101 : vector<16xf32>
      %select_n3A_583 = arith.select %ge3A_582, %get3A_95, %get3A_101 : vector<16xi1>, vector<16xf32>
      %select_n3A_584 = arith.select %ge3A_582, %broadcast_in_dim3A_459, %broadcast_in_dim3A_461 : vector<16xi1>, vector<16xi32>
      %ge3A_585 = arith.cmpf oge, %get3A_107, %get3A_113 : vector<16xf32>
      %select_n3A_586 = arith.select %ge3A_585, %get3A_107, %get3A_113 : vector<16xi1>, vector<16xf32>
      %select_n3A_587 = arith.select %ge3A_585, %broadcast_in_dim3A_463, %broadcast_in_dim3A_465 : vector<16xi1>, vector<16xi32>
      %ge3A_588 = arith.cmpf oge, %get3A_119, %get3A_125 : vector<16xf32>
      %select_n3A_589 = arith.select %ge3A_588, %get3A_119, %get3A_125 : vector<16xi1>, vector<16xf32>
      %select_n3A_590 = arith.select %ge3A_588, %broadcast_in_dim3A_467, %broadcast_in_dim3A_469 : vector<16xi1>, vector<16xi32>
      %ge3A_591 = arith.cmpf oge, %get3A_131, %get3A_137 : vector<16xf32>
      %select_n3A_592 = arith.select %ge3A_591, %get3A_131, %get3A_137 : vector<16xi1>, vector<16xf32>
      %select_n3A_593 = arith.select %ge3A_591, %broadcast_in_dim3A_471, %broadcast_in_dim3A_473 : vector<16xi1>, vector<16xi32>
      %ge3A_594 = arith.cmpf oge, %get3A_143, %get3A_149 : vector<16xf32>
      %select_n3A_595 = arith.select %ge3A_594, %get3A_143, %get3A_149 : vector<16xi1>, vector<16xf32>
      %select_n3A_596 = arith.select %ge3A_594, %broadcast_in_dim3A_475, %broadcast_in_dim3A_477 : vector<16xi1>, vector<16xi32>
      %ge3A_597 = arith.cmpf oge, %get3A_155, %get3A_161 : vector<16xf32>
      %select_n3A_598 = arith.select %ge3A_597, %get3A_155, %get3A_161 : vector<16xi1>, vector<16xf32>
      %select_n3A_599 = arith.select %ge3A_597, %broadcast_in_dim3A_479, %broadcast_in_dim3A_481 : vector<16xi1>, vector<16xi32>
      %ge3A_600 = arith.cmpf oge, %get3A_167, %get3A_173 : vector<16xf32>
      %select_n3A_601 = arith.select %ge3A_600, %get3A_167, %get3A_173 : vector<16xi1>, vector<16xf32>
      %select_n3A_602 = arith.select %ge3A_600, %broadcast_in_dim3A_483, %broadcast_in_dim3A_485 : vector<16xi1>, vector<16xi32>
      %ge3A_603 = arith.cmpf oge, %get3A_179, %get3A_185 : vector<16xf32>
      %select_n3A_604 = arith.select %ge3A_603, %get3A_179, %get3A_185 : vector<16xi1>, vector<16xf32>
      %select_n3A_605 = arith.select %ge3A_603, %broadcast_in_dim3A_487, %broadcast_in_dim3A_489 : vector<16xi1>, vector<16xi32>
      %ge3A_606 = arith.cmpf oge, %get3A_191, %get3A_197 : vector<16xf32>
      %select_n3A_607 = arith.select %ge3A_606, %get3A_191, %get3A_197 : vector<16xi1>, vector<16xf32>
      %select_n3A_608 = arith.select %ge3A_606, %broadcast_in_dim3A_491, %broadcast_in_dim3A_493 : vector<16xi1>, vector<16xi32>
      %ge3A_609 = arith.cmpf oge, %get3A_203, %get3A_209 : vector<16xf32>
      %select_n3A_610 = arith.select %ge3A_609, %get3A_203, %get3A_209 : vector<16xi1>, vector<16xf32>
      %select_n3A_611 = arith.select %ge3A_609, %broadcast_in_dim3A_495, %broadcast_in_dim3A_497 : vector<16xi1>, vector<16xi32>
      %ge3A_612 = arith.cmpf oge, %get3A_215, %get3A_221 : vector<16xf32>
      %select_n3A_613 = arith.select %ge3A_612, %get3A_215, %get3A_221 : vector<16xi1>, vector<16xf32>
      %select_n3A_614 = arith.select %ge3A_612, %broadcast_in_dim3A_499, %broadcast_in_dim3A_501 : vector<16xi1>, vector<16xi32>
      %ge3A_615 = arith.cmpf oge, %get3A_227, %get3A_233 : vector<16xf32>
      %select_n3A_616 = arith.select %ge3A_615, %get3A_227, %get3A_233 : vector<16xi1>, vector<16xf32>
      %select_n3A_617 = arith.select %ge3A_615, %broadcast_in_dim3A_503, %broadcast_in_dim3A_505 : vector<16xi1>, vector<16xi32>
      %ge3A_618 = arith.cmpf oge, %get3A_239, %get3A_245 : vector<16xf32>
      %select_n3A_619 = arith.select %ge3A_618, %get3A_239, %get3A_245 : vector<16xi1>, vector<16xf32>
      %select_n3A_620 = arith.select %ge3A_618, %broadcast_in_dim3A_507, %broadcast_in_dim3A_509 : vector<16xi1>, vector<16xi32>
      %ge3A_621 = arith.cmpf oge, %get3A_251, %get3A_257 : vector<16xf32>
      %select_n3A_622 = arith.select %ge3A_621, %get3A_251, %get3A_257 : vector<16xi1>, vector<16xf32>
      %select_n3A_623 = arith.select %ge3A_621, %broadcast_in_dim3A_511, %broadcast_in_dim3A_513 : vector<16xi1>, vector<16xi32>
      %ge3A_624 = arith.cmpf oge, %get3A_263, %get3A_269 : vector<16xf32>
      %select_n3A_625 = arith.select %ge3A_624, %get3A_263, %get3A_269 : vector<16xi1>, vector<16xf32>
      %select_n3A_626 = arith.select %ge3A_624, %broadcast_in_dim3A_515, %broadcast_in_dim3A_517 : vector<16xi1>, vector<16xi32>
      %ge3A_627 = arith.cmpf oge, %get3A_275, %get3A_281 : vector<16xf32>
      %select_n3A_628 = arith.select %ge3A_627, %get3A_275, %get3A_281 : vector<16xi1>, vector<16xf32>
      %select_n3A_629 = arith.select %ge3A_627, %broadcast_in_dim3A_519, %broadcast_in_dim3A_521 : vector<16xi1>, vector<16xi32>
      %ge3A_630 = arith.cmpf oge, %get3A_287, %get3A_293 : vector<16xf32>
      %select_n3A_631 = arith.select %ge3A_630, %get3A_287, %get3A_293 : vector<16xi1>, vector<16xf32>
      %select_n3A_632 = arith.select %ge3A_630, %broadcast_in_dim3A_523, %broadcast_in_dim3A_525 : vector<16xi1>, vector<16xi32>
      %ge3A_633 = arith.cmpf oge, %get3A_299, %get3A_305 : vector<16xf32>
      %select_n3A_634 = arith.select %ge3A_633, %get3A_299, %get3A_305 : vector<16xi1>, vector<16xf32>
      %select_n3A_635 = arith.select %ge3A_633, %broadcast_in_dim3A_527, %broadcast_in_dim3A_529 : vector<16xi1>, vector<16xi32>
      %ge3A_636 = arith.cmpf oge, %get3A_311, %get3A_317 : vector<16xf32>
      %select_n3A_637 = arith.select %ge3A_636, %get3A_311, %get3A_317 : vector<16xi1>, vector<16xf32>
      %select_n3A_638 = arith.select %ge3A_636, %broadcast_in_dim3A_531, %broadcast_in_dim3A_533 : vector<16xi1>, vector<16xi32>
      %ge3A_639 = arith.cmpf oge, %get3A_323, %get3A_329 : vector<16xf32>
      %select_n3A_640 = arith.select %ge3A_639, %get3A_323, %get3A_329 : vector<16xi1>, vector<16xf32>
      %select_n3A_641 = arith.select %ge3A_639, %broadcast_in_dim3A_535, %broadcast_in_dim3A_537 : vector<16xi1>, vector<16xi32>
      %ge3A_642 = arith.cmpf oge, %get3A_335, %get3A_341 : vector<16xf32>
      %select_n3A_643 = arith.select %ge3A_642, %get3A_335, %get3A_341 : vector<16xi1>, vector<16xf32>
      %select_n3A_644 = arith.select %ge3A_642, %broadcast_in_dim3A_539, %broadcast_in_dim3A_541 : vector<16xi1>, vector<16xi32>
      %ge3A_645 = arith.cmpf oge, %get3A_347, %get3A_353 : vector<16xf32>
      %select_n3A_646 = arith.select %ge3A_645, %get3A_347, %get3A_353 : vector<16xi1>, vector<16xf32>
      %select_n3A_647 = arith.select %ge3A_645, %broadcast_in_dim3A_543, %broadcast_in_dim3A_545 : vector<16xi1>, vector<16xi32>
      %ge3A_648 = arith.cmpf oge, %get3A_359, %get3A_365 : vector<16xf32>
      %select_n3A_649 = arith.select %ge3A_648, %get3A_359, %get3A_365 : vector<16xi1>, vector<16xf32>
      %select_n3A_650 = arith.select %ge3A_648, %broadcast_in_dim3A_547, %broadcast_in_dim3A_549 : vector<16xi1>, vector<16xi32>
      %ge3A_651 = arith.cmpf oge, %get3A_371, %get3A_377 : vector<16xf32>
      %select_n3A_652 = arith.select %ge3A_651, %get3A_371, %get3A_377 : vector<16xi1>, vector<16xf32>
      %select_n3A_653 = arith.select %ge3A_651, %broadcast_in_dim3A_551, %broadcast_in_dim3A_553 : vector<16xi1>, vector<16xi32>
      %ge3A_654 = arith.cmpf oge, %get3A_383, %get3A_389 : vector<16xf32>
      %select_n3A_655 = arith.select %ge3A_654, %get3A_383, %get3A_389 : vector<16xi1>, vector<16xf32>
      %select_n3A_656 = arith.select %ge3A_654, %broadcast_in_dim3A_555, %broadcast_in_dim3A_557 : vector<16xi1>, vector<16xi32>
      %ge3A_657 = arith.cmpf oge, %get3A_395, %get3A_401 : vector<16xf32>
      %select_n3A_658 = arith.select %ge3A_657, %get3A_395, %get3A_401 : vector<16xi1>, vector<16xf32>
      %select_n3A_659 = arith.select %ge3A_657, %broadcast_in_dim3A_559, %broadcast_in_dim3A_561 : vector<16xi1>, vector<16xi32>
      %ge3A_660 = arith.cmpf oge, %get3A_407, %get3A_413 : vector<16xf32>
      %select_n3A_661 = arith.select %ge3A_660, %get3A_407, %get3A_413 : vector<16xi1>, vector<16xf32>
      %select_n3A_662 = arith.select %ge3A_660, %broadcast_in_dim3A_563, %broadcast_in_dim3A_565 : vector<16xi1>, vector<16xi32>
      %ge3A_663 = arith.cmpf oge, %get3A_419, %get3A_425 : vector<16xf32>
      %select_n3A_664 = arith.select %ge3A_663, %get3A_419, %get3A_425 : vector<16xi1>, vector<16xf32>
      %select_n3A_665 = arith.select %ge3A_663, %broadcast_in_dim3A_567, %broadcast_in_dim3A_569 : vector<16xi1>, vector<16xi32>
      %ge3A_666 = arith.cmpf oge, %get3A_431, %get3A_437 : vector<16xf32>
      %select_n3A_667 = arith.select %ge3A_666, %get3A_431, %get3A_437 : vector<16xi1>, vector<16xf32>
      %select_n3A_668 = arith.select %ge3A_666, %broadcast_in_dim3A_571, %broadcast_in_dim3A_573 : vector<16xi1>, vector<16xi32>
      %ge3A_669 = arith.cmpf oge, %get3A_443, %get3A_449 : vector<16xf32>
      %select_n3A_670 = arith.select %ge3A_669, %get3A_443, %get3A_449 : vector<16xi1>, vector<16xf32>
      %select_n3A_671 = arith.select %ge3A_669, %broadcast_in_dim3A_575, %broadcast_in_dim3A_577 : vector<16xi1>, vector<16xi32>
      %ge3A_672 = arith.cmpf oge, %select_n3A, %select_n3A_580 : vector<16xf32>
      %select_n3A_673 = arith.select %ge3A_672, %select_n3A, %select_n3A_580 : vector<16xi1>, vector<16xf32>
      %select_n3A_674 = arith.select %ge3A_672, %select_n3A_578, %select_n3A_581 : vector<16xi1>, vector<16xi32>
      %ge3A_675 = arith.cmpf oge, %select_n3A_583, %select_n3A_586 : vector<16xf32>
      %select_n3A_676 = arith.select %ge3A_675, %select_n3A_583, %select_n3A_586 : vector<16xi1>, vector<16xf32>
      %select_n3A_677 = arith.select %ge3A_675, %select_n3A_584, %select_n3A_587 : vector<16xi1>, vector<16xi32>
      %ge3A_678 = arith.cmpf oge, %select_n3A_589, %select_n3A_592 : vector<16xf32>
      %select_n3A_679 = arith.select %ge3A_678, %select_n3A_589, %select_n3A_592 : vector<16xi1>, vector<16xf32>
      %select_n3A_680 = arith.select %ge3A_678, %select_n3A_590, %select_n3A_593 : vector<16xi1>, vector<16xi32>
      %ge3A_681 = arith.cmpf oge, %select_n3A_595, %select_n3A_598 : vector<16xf32>
      %select_n3A_682 = arith.select %ge3A_681, %select_n3A_595, %select_n3A_598 : vector<16xi1>, vector<16xf32>
      %select_n3A_683 = arith.select %ge3A_681, %select_n3A_596, %select_n3A_599 : vector<16xi1>, vector<16xi32>
      %ge3A_684 = arith.cmpf oge, %select_n3A_601, %select_n3A_604 : vector<16xf32>
      %select_n3A_685 = arith.select %ge3A_684, %select_n3A_601, %select_n3A_604 : vector<16xi1>, vector<16xf32>
      %select_n3A_686 = arith.select %ge3A_684, %select_n3A_602, %select_n3A_605 : vector<16xi1>, vector<16xi32>
      %ge3A_687 = arith.cmpf oge, %select_n3A_607, %select_n3A_610 : vector<16xf32>
      %select_n3A_688 = arith.select %ge3A_687, %select_n3A_607, %select_n3A_610 : vector<16xi1>, vector<16xf32>
      %select_n3A_689 = arith.select %ge3A_687, %select_n3A_608, %select_n3A_611 : vector<16xi1>, vector<16xi32>
      %ge3A_690 = arith.cmpf oge, %select_n3A_613, %select_n3A_616 : vector<16xf32>
      %select_n3A_691 = arith.select %ge3A_690, %select_n3A_613, %select_n3A_616 : vector<16xi1>, vector<16xf32>
      %select_n3A_692 = arith.select %ge3A_690, %select_n3A_614, %select_n3A_617 : vector<16xi1>, vector<16xi32>
      %ge3A_693 = arith.cmpf oge, %select_n3A_619, %select_n3A_622 : vector<16xf32>
      %select_n3A_694 = arith.select %ge3A_693, %select_n3A_619, %select_n3A_622 : vector<16xi1>, vector<16xf32>
      %select_n3A_695 = arith.select %ge3A_693, %select_n3A_620, %select_n3A_623 : vector<16xi1>, vector<16xi32>
      %ge3A_696 = arith.cmpf oge, %select_n3A_625, %select_n3A_628 : vector<16xf32>
      %select_n3A_697 = arith.select %ge3A_696, %select_n3A_625, %select_n3A_628 : vector<16xi1>, vector<16xf32>
      %select_n3A_698 = arith.select %ge3A_696, %select_n3A_626, %select_n3A_629 : vector<16xi1>, vector<16xi32>
      %ge3A_699 = arith.cmpf oge, %select_n3A_631, %select_n3A_634 : vector<16xf32>
      %select_n3A_700 = arith.select %ge3A_699, %select_n3A_631, %select_n3A_634 : vector<16xi1>, vector<16xf32>
      %select_n3A_701 = arith.select %ge3A_699, %select_n3A_632, %select_n3A_635 : vector<16xi1>, vector<16xi32>
      %ge3A_702 = arith.cmpf oge, %select_n3A_637, %select_n3A_640 : vector<16xf32>
      %select_n3A_703 = arith.select %ge3A_702, %select_n3A_637, %select_n3A_640 : vector<16xi1>, vector<16xf32>
      %select_n3A_704 = arith.select %ge3A_702, %select_n3A_638, %select_n3A_641 : vector<16xi1>, vector<16xi32>
      %ge3A_705 = arith.cmpf oge, %select_n3A_643, %select_n3A_646 : vector<16xf32>
      %select_n3A_706 = arith.select %ge3A_705, %select_n3A_643, %select_n3A_646 : vector<16xi1>, vector<16xf32>
      %select_n3A_707 = arith.select %ge3A_705, %select_n3A_644, %select_n3A_647 : vector<16xi1>, vector<16xi32>
      %ge3A_708 = arith.cmpf oge, %select_n3A_649, %select_n3A_652 : vector<16xf32>
      %select_n3A_709 = arith.select %ge3A_708, %select_n3A_649, %select_n3A_652 : vector<16xi1>, vector<16xf32>
      %select_n3A_710 = arith.select %ge3A_708, %select_n3A_650, %select_n3A_653 : vector<16xi1>, vector<16xi32>
      %ge3A_711 = arith.cmpf oge, %select_n3A_655, %select_n3A_658 : vector<16xf32>
      %select_n3A_712 = arith.select %ge3A_711, %select_n3A_655, %select_n3A_658 : vector<16xi1>, vector<16xf32>
      %select_n3A_713 = arith.select %ge3A_711, %select_n3A_656, %select_n3A_659 : vector<16xi1>, vector<16xi32>
      %ge3A_714 = arith.cmpf oge, %select_n3A_661, %select_n3A_664 : vector<16xf32>
      %select_n3A_715 = arith.select %ge3A_714, %select_n3A_661, %select_n3A_664 : vector<16xi1>, vector<16xf32>
      %select_n3A_716 = arith.select %ge3A_714, %select_n3A_662, %select_n3A_665 : vector<16xi1>, vector<16xi32>
      %ge3A_717 = arith.cmpf oge, %select_n3A_667, %select_n3A_670 : vector<16xf32>
      %select_n3A_718 = arith.select %ge3A_717, %select_n3A_667, %select_n3A_670 : vector<16xi1>, vector<16xf32>
      %select_n3A_719 = arith.select %ge3A_717, %select_n3A_668, %select_n3A_671 : vector<16xi1>, vector<16xi32>
      %ge3A_720 = arith.cmpf oge, %select_n3A_673, %select_n3A_676 : vector<16xf32>
      %select_n3A_721 = arith.select %ge3A_720, %select_n3A_673, %select_n3A_676 : vector<16xi1>, vector<16xf32>
      %select_n3A_722 = arith.select %ge3A_720, %select_n3A_674, %select_n3A_677 : vector<16xi1>, vector<16xi32>
      %ge3A_723 = arith.cmpf oge, %select_n3A_679, %select_n3A_682 : vector<16xf32>
      %select_n3A_724 = arith.select %ge3A_723, %select_n3A_679, %select_n3A_682 : vector<16xi1>, vector<16xf32>
      %select_n3A_725 = arith.select %ge3A_723, %select_n3A_680, %select_n3A_683 : vector<16xi1>, vector<16xi32>
      %ge3A_726 = arith.cmpf oge, %select_n3A_685, %select_n3A_688 : vector<16xf32>
      %select_n3A_727 = arith.select %ge3A_726, %select_n3A_685, %select_n3A_688 : vector<16xi1>, vector<16xf32>
      %select_n3A_728 = arith.select %ge3A_726, %select_n3A_686, %select_n3A_689 : vector<16xi1>, vector<16xi32>
      %ge3A_729 = arith.cmpf oge, %select_n3A_691, %select_n3A_694 : vector<16xf32>
      %select_n3A_730 = arith.select %ge3A_729, %select_n3A_691, %select_n3A_694 : vector<16xi1>, vector<16xf32>
      %select_n3A_731 = arith.select %ge3A_729, %select_n3A_692, %select_n3A_695 : vector<16xi1>, vector<16xi32>
      %ge3A_732 = arith.cmpf oge, %select_n3A_697, %select_n3A_700 : vector<16xf32>
      %select_n3A_733 = arith.select %ge3A_732, %select_n3A_697, %select_n3A_700 : vector<16xi1>, vector<16xf32>
      %select_n3A_734 = arith.select %ge3A_732, %select_n3A_698, %select_n3A_701 : vector<16xi1>, vector<16xi32>
      %ge3A_735 = arith.cmpf oge, %select_n3A_703, %select_n3A_706 : vector<16xf32>
      %select_n3A_736 = arith.select %ge3A_735, %select_n3A_703, %select_n3A_706 : vector<16xi1>, vector<16xf32>
      %select_n3A_737 = arith.select %ge3A_735, %select_n3A_704, %select_n3A_707 : vector<16xi1>, vector<16xi32>
      %ge3A_738 = arith.cmpf oge, %select_n3A_709, %select_n3A_712 : vector<16xf32>
      %select_n3A_739 = arith.select %ge3A_738, %select_n3A_709, %select_n3A_712 : vector<16xi1>, vector<16xf32>
      %select_n3A_740 = arith.select %ge3A_738, %select_n3A_710, %select_n3A_713 : vector<16xi1>, vector<16xi32>
      %ge3A_741 = arith.cmpf oge, %select_n3A_715, %select_n3A_718 : vector<16xf32>
      %select_n3A_742 = arith.select %ge3A_741, %select_n3A_715, %select_n3A_718 : vector<16xi1>, vector<16xf32>
      %select_n3A_743 = arith.select %ge3A_741, %select_n3A_716, %select_n3A_719 : vector<16xi1>, vector<16xi32>
      %ge3A_744 = arith.cmpf oge, %select_n3A_721, %select_n3A_724 : vector<16xf32>
      %select_n3A_745 = arith.select %ge3A_744, %select_n3A_721, %select_n3A_724 : vector<16xi1>, vector<16xf32>
      %select_n3A_746 = arith.select %ge3A_744, %select_n3A_722, %select_n3A_725 : vector<16xi1>, vector<16xi32>
      %ge3A_747 = arith.cmpf oge, %select_n3A_727, %select_n3A_730 : vector<16xf32>
      %select_n3A_748 = arith.select %ge3A_747, %select_n3A_727, %select_n3A_730 : vector<16xi1>, vector<16xf32>
      %select_n3A_749 = arith.select %ge3A_747, %select_n3A_728, %select_n3A_731 : vector<16xi1>, vector<16xi32>
      %ge3A_750 = arith.cmpf oge, %select_n3A_733, %select_n3A_736 : vector<16xf32>
      %select_n3A_751 = arith.select %ge3A_750, %select_n3A_733, %select_n3A_736 : vector<16xi1>, vector<16xf32>
      %select_n3A_752 = arith.select %ge3A_750, %select_n3A_734, %select_n3A_737 : vector<16xi1>, vector<16xi32>
      %ge3A_753 = arith.cmpf oge, %select_n3A_739, %select_n3A_742 : vector<16xf32>
      %select_n3A_754 = arith.select %ge3A_753, %select_n3A_739, %select_n3A_742 : vector<16xi1>, vector<16xf32>
      %select_n3A_755 = arith.select %ge3A_753, %select_n3A_740, %select_n3A_743 : vector<16xi1>, vector<16xi32>
      %ge3A_756 = arith.cmpf oge, %select_n3A_745, %select_n3A_748 : vector<16xf32>
      %select_n3A_757 = arith.select %ge3A_756, %select_n3A_745, %select_n3A_748 : vector<16xi1>, vector<16xf32>
      %select_n3A_758 = arith.select %ge3A_756, %select_n3A_746, %select_n3A_749 : vector<16xi1>, vector<16xi32>
      %ge3A_759 = arith.cmpf oge, %select_n3A_751, %select_n3A_754 : vector<16xf32>
      %select_n3A_760 = arith.select %ge3A_759, %select_n3A_751, %select_n3A_754 : vector<16xi1>, vector<16xf32>
      %select_n3A_761 = arith.select %ge3A_759, %select_n3A_752, %select_n3A_755 : vector<16xi1>, vector<16xi32>
      %ge3A_762 = arith.cmpf oge, %select_n3A_757, %select_n3A_760 : vector<16xf32>
      %select_n3A_763 = arith.select %ge3A_762, %select_n3A_757, %select_n3A_760 : vector<16xi1>, vector<16xf32>
      %select_n3A_764 = arith.select %ge3A_762, %select_n3A_758, %select_n3A_761 : vector<16xi1>, vector<16xi32>
      tpu.vector_store_idx %arg5[%select_n3A_764], %broadcast_in_dim3A_26 {add = true} : memref<64xf32, #tpu.memory_space<vmem>>[vector<16xi32>], vector<16xf32>,
      %mul3A_765 = arith.constant 2 : i32
      %mul3A_766 = arith.muli %mul3A_765, %scan3A_64 : i32
      %add3A_767 = arith.constant 1 : i32
      %add3A_768 = arith.addi %mul3A_766, %add3A_767 : i32
      %mul3A_769 = arith.constant 16 : i32
      %mul3A_770 = arith.muli %add3A_768, %mul3A_769 : i32
      %get3A_771 = arith.constant 0 : i32
      %get3A_772 = arith.index_cast %get3A_771 : i32 to index
      %get3A_773 = arith.index_cast %mul3A_770 : i32 to index
      %get3A_774 = tpu.vector_load %arg4[%get3A_772, %get3A_773] {strides = array<i32>} : memref<64x512xf32, #tpu.memory_space<vmem>>, vector<16xf32>,
      %mul3A_775 = arith.constant 16 : i32
      %mul3A_776 = arith.muli %add3A_768, %mul3A_775 : i32
      %get3A_777 = arith.constant 1 : i32
      %get3A_778 = arith.index_cast %get3A_777 : i32 to index
      %get3A_779 = arith.index_cast %mul3A_776 : i32 to index
      %get3A_780 = tpu.vector_load %arg4[%get3A_778, %get3A_779] {strides = array<i32>} : memref<64x512xf32, #tpu.memory_space<vmem>>, vector<16xf32>,
      %mul3A_781 = arith.constant 16 : i32
      %mul3A_782 = arith.muli %add3A_768, %mul3A_781 : i32
      %get3A_783 = arith.constant 2 : i32
      %get3A_784 = arith.index_cast %get3A_783 : i32 to index
      %get3A_785 = arith.index_cast %mul3A_782 : i32 to index
      %get3A_786 = tpu.vector_load %arg4[%get3A_784, %get3A_785] {strides = array<i32>} : memref<64x512xf32, #tpu.memory_space<vmem>>, vector<16xf32>,
      %mul3A_787 = arith.constant 16 : i32
      %mul3A_788 = arith.muli %add3A_768, %mul3A_787 : i32
      %get3A_789 = arith.constant 3 : i32
      %get3A_790 = arith.index_cast %get3A_789 : i32 to index
      %get3A_791 = arith.index_cast %mul3A_788 : i32 to index
      %get3A_792 = tpu.vector_load %arg4[%get3A_790, %get3A_791] {strides = array<i32>} : memref<64x512xf32, #tpu.memory_space<vmem>>, vector<16xf32>,
      %mul3A_793 = arith.constant 16 : i32
      %mul3A_794 = arith.muli %add3A_768, %mul3A_793 : i32
      %get3A_795 = arith.constant 4 : i32
      %get3A_796 = arith.index_cast %get3A_795 : i32 to index
      %get3A_797 = arith.index_cast %mul3A_794 : i32 to index
      %get3A_798 = tpu.vector_load %arg4[%get3A_796, %get3A_797] {strides = array<i32>} : memref<64x512xf32, #tpu.memory_space<vmem>>, vector<16xf32>,
      %mul3A_799 = arith.constant 16 : i32
      %mul3A_800 = arith.muli %add3A_768, %mul3A_799 : i32
      %get3A_801 = arith.constant 5 : i32
      %get3A_802 = arith.index_cast %get3A_801 : i32 to index
      %get3A_803 = arith.index_cast %mul3A_800 : i32 to index
      %get3A_804 = tpu.vector_load %arg4[%get3A_802, %get3A_803] {strides = array<i32>} : memref<64x512xf32, #tpu.memory_space<vmem>>, vector<16xf32>,
      %mul3A_805 = arith.constant 16 : i32
      %mul3A_806 = arith.muli %add3A_768, %mul3A_805 : i32
      %get3A_807 = arith.constant 6 : i32
      %get3A_808 = arith.index_cast %get3A_807 : i32 to index
      %get3A_809 = arith.index_cast %mul3A_806 : i32 to index
      %get3A_810 = tpu.vector_load %arg4[%get3A_808, %get3A_809] {strides = array<i32>} : memref<64x512xf32, #tpu.memory_space<vmem>>, vector<16xf32>,
      %mul3A_811 = arith.constant 16 : i32
      %mul3A_812 = arith.muli %add3A_768, %mul3A_811 : i32
      %get3A_813 = arith.constant 7 : i32
      %get3A_814 = arith.index_cast %get3A_813 : i32 to index
      %get3A_815 = arith.index_cast %mul3A_812 : i32 to index
      %get3A_816 = tpu.vector_load %arg4[%get3A_814, %get3A_815] {strides = array<i32>} : memref<64x512xf32, #tpu.memory_space<vmem>>, vector<16xf32>,
      %mul3A_817 = arith.constant 16 : i32
      %mul3A_818 = arith.muli %add3A_768, %mul3A_817 : i32
      %get3A_819 = arith.constant 8 : i32
      %get3A_820 = arith.index_cast %get3A_819 : i32 to index
      %get3A_821 = arith.index_cast %mul3A_818 : i32 to index
      %get3A_822 = tpu.vector_load %arg4[%get3A_820, %get3A_821] {strides = array<i32>} : memref<64x512xf32, #tpu.memory_space<vmem>>, vector<16xf32>,
      %mul3A_823 = arith.constant 16 : i32
      %mul3A_824 = arith.muli %add3A_768, %mul3A_823 : i32
      %get3A_825 = arith.constant 9 : i32
      %get3A_826 = arith.index_cast %get3A_825 : i32 to index
      %get3A_827 = arith.index_cast %mul3A_824 : i32 to index
      %get3A_828 = tpu.vector_load %arg4[%get3A_826, %get3A_827] {strides = array<i32>} : memref<64x512xf32, #tpu.memory_space<vmem>>, vector<16xf32>,
      %mul3A_829 = arith.constant 16 : i32
      %mul3A_830 = arith.muli %add3A_768, %mul3A_829 : i32
      %get3A_831 = arith.constant 10 : i32
      %get3A_832 = arith.index_cast %get3A_831 : i32 to index
      %get3A_833 = arith.index_cast %mul3A_830 : i32 to index
      %get3A_834 = tpu.vector_load %arg4[%get3A_832, %get3A_833] {strides = array<i32>} : memref<64x512xf32, #tpu.memory_space<vmem>>, vector<16xf32>,
      %mul3A_835 = arith.constant 16 : i32
      %mul3A_836 = arith.muli %add3A_768, %mul3A_835 : i32
      %get3A_837 = arith.constant 11 : i32
      %get3A_838 = arith.index_cast %get3A_837 : i32 to index
      %get3A_839 = arith.index_cast %mul3A_836 : i32 to index
      %get3A_840 = tpu.vector_load %arg4[%get3A_838, %get3A_839] {strides = array<i32>} : memref<64x512xf32, #tpu.memory_space<vmem>>, vector<16xf32>,
      %mul3A_841 = arith.constant 16 : i32
      %mul3A_842 = arith.muli %add3A_768, %mul3A_841 : i32
      %get3A_843 = arith.constant 12 : i32
      %get3A_844 = arith.index_cast %get3A_843 : i32 to index
      %get3A_845 = arith.index_cast %mul3A_842 : i32 to index
      %get3A_846 = tpu.vector_load %arg4[%get3A_844, %get3A_845] {strides = array<i32>} : memref<64x512xf32, #tpu.memory_space<vmem>>, vector<16xf32>,
      %mul3A_847 = arith.constant 16 : i32
      %mul3A_848 = arith.muli %add3A_768, %mul3A_847 : i32
      %get3A_849 = arith.constant 13 : i32
      %get3A_850 = arith.index_cast %get3A_849 : i32 to index
      %get3A_851 = arith.index_cast %mul3A_848 : i32 to index
      %get3A_852 = tpu.vector_load %arg4[%get3A_850, %get3A_851] {strides = array<i32>} : memref<64x512xf32, #tpu.memory_space<vmem>>, vector<16xf32>,
      %mul3A_853 = arith.constant 16 : i32
      %mul3A_854 = arith.muli %add3A_768, %mul3A_853 : i32
      %get3A_855 = arith.constant 14 : i32
      %get3A_856 = arith.index_cast %get3A_855 : i32 to index
      %get3A_857 = arith.index_cast %mul3A_854 : i32 to index
      %get3A_858 = tpu.vector_load %arg4[%get3A_856, %get3A_857] {strides = array<i32>} : memref<64x512xf32, #tpu.memory_space<vmem>>, vector<16xf32>,
      %mul3A_859 = arith.constant 16 : i32
      %mul3A_860 = arith.muli %add3A_768, %mul3A_859 : i32
      %get3A_861 = arith.constant 15 : i32
      %get3A_862 = arith.index_cast %get3A_861 : i32 to index
      %get3A_863 = arith.index_cast %mul3A_860 : i32 to index
      %get3A_864 = tpu.vector_load %arg4[%get3A_862, %get3A_863] {strides = array<i32>} : memref<64x512xf32, #tpu.memory_space<vmem>>, vector<16xf32>,
      %mul3A_865 = arith.constant 16 : i32
      %mul3A_866 = arith.muli %add3A_768, %mul3A_865 : i32
      %get3A_867 = arith.constant 16 : i32
      %get3A_868 = arith.index_cast %get3A_867 : i32 to index
      %get3A_869 = arith.index_cast %mul3A_866 : i32 to index
      %get3A_870 = tpu.vector_load %arg4[%get3A_868, %get3A_869] {strides = array<i32>} : memref<64x512xf32, #tpu.memory_space<vmem>>, vector<16xf32>,
      %mul3A_871 = arith.constant 16 : i32
      %mul3A_872 = arith.muli %add3A_768, %mul3A_871 : i32
      %get3A_873 = arith.constant 17 : i32
      %get3A_874 = arith.index_cast %get3A_873 : i32 to index
      %get3A_875 = arith.index_cast %mul3A_872 : i32 to index
      %get3A_876 = tpu.vector_load %arg4[%get3A_874, %get3A_875] {strides = array<i32>} : memref<64x512xf32, #tpu.memory_space<vmem>>, vector<16xf32>,
      %mul3A_877 = arith.constant 16 : i32
      %mul3A_878 = arith.muli %add3A_768, %mul3A_877 : i32
      %get3A_879 = arith.constant 18 : i32
      %get3A_880 = arith.index_cast %get3A_879 : i32 to index
      %get3A_881 = arith.index_cast %mul3A_878 : i32 to index
      %get3A_882 = tpu.vector_load %arg4[%get3A_880, %get3A_881] {strides = array<i32>} : memref<64x512xf32, #tpu.memory_space<vmem>>, vector<16xf32>,
      %mul3A_883 = arith.constant 16 : i32
      %mul3A_884 = arith.muli %add3A_768, %mul3A_883 : i32
      %get3A_885 = arith.constant 19 : i32
      %get3A_886 = arith.index_cast %get3A_885 : i32 to index
      %get3A_887 = arith.index_cast %mul3A_884 : i32 to index
      %get3A_888 = tpu.vector_load %arg4[%get3A_886, %get3A_887] {strides = array<i32>} : memref<64x512xf32, #tpu.memory_space<vmem>>, vector<16xf32>,
      %mul3A_889 = arith.constant 16 : i32
      %mul3A_890 = arith.muli %add3A_768, %mul3A_889 : i32
      %get3A_891 = arith.constant 20 : i32
      %get3A_892 = arith.index_cast %get3A_891 : i32 to index
      %get3A_893 = arith.index_cast %mul3A_890 : i32 to index
      %get3A_894 = tpu.vector_load %arg4[%get3A_892, %get3A_893] {strides = array<i32>} : memref<64x512xf32, #tpu.memory_space<vmem>>, vector<16xf32>,
      %mul3A_895 = arith.constant 16 : i32
      %mul3A_896 = arith.muli %add3A_768, %mul3A_895 : i32
      %get3A_897 = arith.constant 21 : i32
      %get3A_898 = arith.index_cast %get3A_897 : i32 to index
      %get3A_899 = arith.index_cast %mul3A_896 : i32 to index
      %get3A_900 = tpu.vector_load %arg4[%get3A_898, %get3A_899] {strides = array<i32>} : memref<64x512xf32, #tpu.memory_space<vmem>>, vector<16xf32>,
      %mul3A_901 = arith.constant 16 : i32
      %mul3A_902 = arith.muli %add3A_768, %mul3A_901 : i32
      %get3A_903 = arith.constant 22 : i32
      %get3A_904 = arith.index_cast %get3A_903 : i32 to index
      %get3A_905 = arith.index_cast %mul3A_902 : i32 to index
      %get3A_906 = tpu.vector_load %arg4[%get3A_904, %get3A_905] {strides = array<i32>} : memref<64x512xf32, #tpu.memory_space<vmem>>, vector<16xf32>,
      %mul3A_907 = arith.constant 16 : i32
      %mul3A_908 = arith.muli %add3A_768, %mul3A_907 : i32
      %get3A_909 = arith.constant 23 : i32
      %get3A_910 = arith.index_cast %get3A_909 : i32 to index
      %get3A_911 = arith.index_cast %mul3A_908 : i32 to index
      %get3A_912 = tpu.vector_load %arg4[%get3A_910, %get3A_911] {strides = array<i32>} : memref<64x512xf32, #tpu.memory_space<vmem>>, vector<16xf32>,
      %mul3A_913 = arith.constant 16 : i32
      %mul3A_914 = arith.muli %add3A_768, %mul3A_913 : i32
      %get3A_915 = arith.constant 24 : i32
      %get3A_916 = arith.index_cast %get3A_915 : i32 to index
      %get3A_917 = arith.index_cast %mul3A_914 : i32 to index
      %get3A_918 = tpu.vector_load %arg4[%get3A_916, %get3A_917] {strides = array<i32>} : memref<64x512xf32, #tpu.memory_space<vmem>>, vector<16xf32>,
      %mul3A_919 = arith.constant 16 : i32
      %mul3A_920 = arith.muli %add3A_768, %mul3A_919 : i32
      %get3A_921 = arith.constant 25 : i32
      %get3A_922 = arith.index_cast %get3A_921 : i32 to index
      %get3A_923 = arith.index_cast %mul3A_920 : i32 to index
      %get3A_924 = tpu.vector_load %arg4[%get3A_922, %get3A_923] {strides = array<i32>} : memref<64x512xf32, #tpu.memory_space<vmem>>, vector<16xf32>,
      %mul3A_925 = arith.constant 16 : i32
      %mul3A_926 = arith.muli %add3A_768, %mul3A_925 : i32
      %get3A_927 = arith.constant 26 : i32
      %get3A_928 = arith.index_cast %get3A_927 : i32 to index
      %get3A_929 = arith.index_cast %mul3A_926 : i32 to index
      %get3A_930 = tpu.vector_load %arg4[%get3A_928, %get3A_929] {strides = array<i32>} : memref<64x512xf32, #tpu.memory_space<vmem>>, vector<16xf32>,
      %mul3A_931 = arith.constant 16 : i32
      %mul3A_932 = arith.muli %add3A_768, %mul3A_931 : i32
      %get3A_933 = arith.constant 27 : i32
      %get3A_934 = arith.index_cast %get3A_933 : i32 to index
      %get3A_935 = arith.index_cast %mul3A_932 : i32 to index
      %get3A_936 = tpu.vector_load %arg4[%get3A_934, %get3A_935] {strides = array<i32>} : memref<64x512xf32, #tpu.memory_space<vmem>>, vector<16xf32>,
      %mul3A_937 = arith.constant 16 : i32
      %mul3A_938 = arith.muli %add3A_768, %mul3A_937 : i32
      %get3A_939 = arith.constant 28 : i32
      %get3A_940 = arith.index_cast %get3A_939 : i32 to index
      %get3A_941 = arith.index_cast %mul3A_938 : i32 to index
      %get3A_942 = tpu.vector_load %arg4[%get3A_940, %get3A_941] {strides = array<i32>} : memref<64x512xf32, #tpu.memory_space<vmem>>, vector<16xf32>,
      %mul3A_943 = arith.constant 16 : i32
      %mul3A_944 = arith.muli %add3A_768, %mul3A_943 : i32
      %get3A_945 = arith.constant 29 : i32
      %get3A_946 = arith.index_cast %get3A_945 : i32 to index
      %get3A_947 = arith.index_cast %mul3A_944 : i32 to index
      %get3A_948 = tpu.vector_load %arg4[%get3A_946, %get3A_947] {strides = array<i32>} : memref<64x512xf32, #tpu.memory_space<vmem>>, vector<16xf32>,
      %mul3A_949 = arith.constant 16 : i32
      %mul3A_950 = arith.muli %add3A_768, %mul3A_949 : i32
      %get3A_951 = arith.constant 30 : i32
      %get3A_952 = arith.index_cast %get3A_951 : i32 to index
      %get3A_953 = arith.index_cast %mul3A_950 : i32 to index
      %get3A_954 = tpu.vector_load %arg4[%get3A_952, %get3A_953] {strides = array<i32>} : memref<64x512xf32, #tpu.memory_space<vmem>>, vector<16xf32>,
      %mul3A_955 = arith.constant 16 : i32
      %mul3A_956 = arith.muli %add3A_768, %mul3A_955 : i32
      %get3A_957 = arith.constant 31 : i32
      %get3A_958 = arith.index_cast %get3A_957 : i32 to index
      %get3A_959 = arith.index_cast %mul3A_956 : i32 to index
      %get3A_960 = tpu.vector_load %arg4[%get3A_958, %get3A_959] {strides = array<i32>} : memref<64x512xf32, #tpu.memory_space<vmem>>, vector<16xf32>,
      %mul3A_961 = arith.constant 16 : i32
      %mul3A_962 = arith.muli %add3A_768, %mul3A_961 : i32
      %get3A_963 = arith.constant 32 : i32
      %get3A_964 = arith.index_cast %get3A_963 : i32 to index
      %get3A_965 = arith.index_cast %mul3A_962 : i32 to index
      %get3A_966 = tpu.vector_load %arg4[%get3A_964, %get3A_965] {strides = array<i32>} : memref<64x512xf32, #tpu.memory_space<vmem>>, vector<16xf32>,
      %mul3A_967 = arith.constant 16 : i32
      %mul3A_968 = arith.muli %add3A_768, %mul3A_967 : i32
      %get3A_969 = arith.constant 33 : i32
      %get3A_970 = arith.index_cast %get3A_969 : i32 to index
      %get3A_971 = arith.index_cast %mul3A_968 : i32 to index
      %get3A_972 = tpu.vector_load %arg4[%get3A_970, %get3A_971] {strides = array<i32>} : memref<64x512xf32, #tpu.memory_space<vmem>>, vector<16xf32>,
      %mul3A_973 = arith.constant 16 : i32
      %mul3A_974 = arith.muli %add3A_768, %mul3A_973 : i32
      %get3A_975 = arith.constant 34 : i32
      %get3A_976 = arith.index_cast %get3A_975 : i32 to index
      %get3A_977 = arith.index_cast %mul3A_974 : i32 to index
      %get3A_978 = tpu.vector_load %arg4[%get3A_976, %get3A_977] {strides = array<i32>} : memref<64x512xf32, #tpu.memory_space<vmem>>, vector<16xf32>,
      %mul3A_979 = arith.constant 16 : i32
      %mul3A_980 = arith.muli %add3A_768, %mul3A_979 : i32
      %get3A_981 = arith.constant 35 : i32
      %get3A_982 = arith.index_cast %get3A_981 : i32 to index
      %get3A_983 = arith.index_cast %mul3A_980 : i32 to index
      %get3A_984 = tpu.vector_load %arg4[%get3A_982, %get3A_983] {strides = array<i32>} : memref<64x512xf32, #tpu.memory_space<vmem>>, vector<16xf32>,
      %mul3A_985 = arith.constant 16 : i32
      %mul3A_986 = arith.muli %add3A_768, %mul3A_985 : i32
      %get3A_987 = arith.constant 36 : i32
      %get3A_988 = arith.index_cast %get3A_987 : i32 to index
      %get3A_989 = arith.index_cast %mul3A_986 : i32 to index
      %get3A_990 = tpu.vector_load %arg4[%get3A_988, %get3A_989] {strides = array<i32>} : memref<64x512xf32, #tpu.memory_space<vmem>>, vector<16xf32>,
      %mul3A_991 = arith.constant 16 : i32
      %mul3A_992 = arith.muli %add3A_768, %mul3A_991 : i32
      %get3A_993 = arith.constant 37 : i32
      %get3A_994 = arith.index_cast %get3A_993 : i32 to index
      %get3A_995 = arith.index_cast %mul3A_992 : i32 to index
      %get3A_996 = tpu.vector_load %arg4[%get3A_994, %get3A_995] {strides = array<i32>} : memref<64x512xf32, #tpu.memory_space<vmem>>, vector<16xf32>,
      %mul3A_997 = arith.constant 16 : i32
      %mul3A_998 = arith.muli %add3A_768, %mul3A_997 : i32
      %get3A_999 = arith.constant 38 : i32
      %get3A_1000 = arith.index_cast %get3A_999 : i32 to index
      %get3A_1001 = arith.index_cast %mul3A_998 : i32 to index
      %get3A_1002 = tpu.vector_load %arg4[%get3A_1000, %get3A_1001] {strides = array<i32>} : memref<64x512xf32, #tpu.memory_space<vmem>>, vector<16xf32>,
      %mul3A_1003 = arith.constant 16 : i32
      %mul3A_1004 = arith.muli %add3A_768, %mul3A_1003 : i32
      %get3A_1005 = arith.constant 39 : i32
      %get3A_1006 = arith.index_cast %get3A_1005 : i32 to index
      %get3A_1007 = arith.index_cast %mul3A_1004 : i32 to index
      %get3A_1008 = tpu.vector_load %arg4[%get3A_1006, %get3A_1007] {strides = array<i32>} : memref<64x512xf32, #tpu.memory_space<vmem>>, vector<16xf32>,
      %mul3A_1009 = arith.constant 16 : i32
      %mul3A_1010 = arith.muli %add3A_768, %mul3A_1009 : i32
      %get3A_1011 = arith.constant 40 : i32
      %get3A_1012 = arith.index_cast %get3A_1011 : i32 to index
      %get3A_1013 = arith.index_cast %mul3A_1010 : i32 to index
      %get3A_1014 = tpu.vector_load %arg4[%get3A_1012, %get3A_1013] {strides = array<i32>} : memref<64x512xf32, #tpu.memory_space<vmem>>, vector<16xf32>,
      %mul3A_1015 = arith.constant 16 : i32
      %mul3A_1016 = arith.muli %add3A_768, %mul3A_1015 : i32
      %get3A_1017 = arith.constant 41 : i32
      %get3A_1018 = arith.index_cast %get3A_1017 : i32 to index
      %get3A_1019 = arith.index_cast %mul3A_1016 : i32 to index
      %get3A_1020 = tpu.vector_load %arg4[%get3A_1018, %get3A_1019] {strides = array<i32>} : memref<64x512xf32, #tpu.memory_space<vmem>>, vector<16xf32>,
      %mul3A_1021 = arith.constant 16 : i32
      %mul3A_1022 = arith.muli %add3A_768, %mul3A_1021 : i32
      %get3A_1023 = arith.constant 42 : i32
      %get3A_1024 = arith.index_cast %get3A_1023 : i32 to index
      %get3A_1025 = arith.index_cast %mul3A_1022 : i32 to index
      %get3A_1026 = tpu.vector_load %arg4[%get3A_1024, %get3A_1025] {strides = array<i32>} : memref<64x512xf32, #tpu.memory_space<vmem>>, vector<16xf32>,
      %mul3A_1027 = arith.constant 16 : i32
      %mul3A_1028 = arith.muli %add3A_768, %mul3A_1027 : i32
      %get3A_1029 = arith.constant 43 : i32
      %get3A_1030 = arith.index_cast %get3A_1029 : i32 to index
      %get3A_1031 = arith.index_cast %mul3A_1028 : i32 to index
      %get3A_1032 = tpu.vector_load %arg4[%get3A_1030, %get3A_1031] {strides = array<i32>} : memref<64x512xf32, #tpu.memory_space<vmem>>, vector<16xf32>,
      %mul3A_1033 = arith.constant 16 : i32
      %mul3A_1034 = arith.muli %add3A_768, %mul3A_1033 : i32
      %get3A_1035 = arith.constant 44 : i32
      %get3A_1036 = arith.index_cast %get3A_1035 : i32 to index
      %get3A_1037 = arith.index_cast %mul3A_1034 : i32 to index
      %get3A_1038 = tpu.vector_load %arg4[%get3A_1036, %get3A_1037] {strides = array<i32>} : memref<64x512xf32, #tpu.memory_space<vmem>>, vector<16xf32>,
      %mul3A_1039 = arith.constant 16 : i32
      %mul3A_1040 = arith.muli %add3A_768, %mul3A_1039 : i32
      %get3A_1041 = arith.constant 45 : i32
      %get3A_1042 = arith.index_cast %get3A_1041 : i32 to index
      %get3A_1043 = arith.index_cast %mul3A_1040 : i32 to index
      %get3A_1044 = tpu.vector_load %arg4[%get3A_1042, %get3A_1043] {strides = array<i32>} : memref<64x512xf32, #tpu.memory_space<vmem>>, vector<16xf32>,
      %mul3A_1045 = arith.constant 16 : i32
      %mul3A_1046 = arith.muli %add3A_768, %mul3A_1045 : i32
      %get3A_1047 = arith.constant 46 : i32
      %get3A_1048 = arith.index_cast %get3A_1047 : i32 to index
      %get3A_1049 = arith.index_cast %mul3A_1046 : i32 to index
      %get3A_1050 = tpu.vector_load %arg4[%get3A_1048, %get3A_1049] {strides = array<i32>} : memref<64x512xf32, #tpu.memory_space<vmem>>, vector<16xf32>,
      %mul3A_1051 = arith.constant 16 : i32
      %mul3A_1052 = arith.muli %add3A_768, %mul3A_1051 : i32
      %get3A_1053 = arith.constant 47 : i32
      %get3A_1054 = arith.index_cast %get3A_1053 : i32 to index
      %get3A_1055 = arith.index_cast %mul3A_1052 : i32 to index
      %get3A_1056 = tpu.vector_load %arg4[%get3A_1054, %get3A_1055] {strides = array<i32>} : memref<64x512xf32, #tpu.memory_space<vmem>>, vector<16xf32>,
      %mul3A_1057 = arith.constant 16 : i32
      %mul3A_1058 = arith.muli %add3A_768, %mul3A_1057 : i32
      %get3A_1059 = arith.constant 48 : i32
      %get3A_1060 = arith.index_cast %get3A_1059 : i32 to index
      %get3A_1061 = arith.index_cast %mul3A_1058 : i32 to index
      %get3A_1062 = tpu.vector_load %arg4[%get3A_1060, %get3A_1061] {strides = array<i32>} : memref<64x512xf32, #tpu.memory_space<vmem>>, vector<16xf32>,
      %mul3A_1063 = arith.constant 16 : i32
      %mul3A_1064 = arith.muli %add3A_768, %mul3A_1063 : i32
      %get3A_1065 = arith.constant 49 : i32
      %get3A_1066 = arith.index_cast %get3A_1065 : i32 to index
      %get3A_1067 = arith.index_cast %mul3A_1064 : i32 to index
      %get3A_1068 = tpu.vector_load %arg4[%get3A_1066, %get3A_1067] {strides = array<i32>} : memref<64x512xf32, #tpu.memory_space<vmem>>, vector<16xf32>,
      %mul3A_1069 = arith.constant 16 : i32
      %mul3A_1070 = arith.muli %add3A_768, %mul3A_1069 : i32
      %get3A_1071 = arith.constant 50 : i32
      %get3A_1072 = arith.index_cast %get3A_1071 : i32 to index
      %get3A_1073 = arith.index_cast %mul3A_1070 : i32 to index
      %get3A_1074 = tpu.vector_load %arg4[%get3A_1072, %get3A_1073] {strides = array<i32>} : memref<64x512xf32, #tpu.memory_space<vmem>>, vector<16xf32>,
      %mul3A_1075 = arith.constant 16 : i32
      %mul3A_1076 = arith.muli %add3A_768, %mul3A_1075 : i32
      %get3A_1077 = arith.constant 51 : i32
      %get3A_1078 = arith.index_cast %get3A_1077 : i32 to index
      %get3A_1079 = arith.index_cast %mul3A_1076 : i32 to index
      %get3A_1080 = tpu.vector_load %arg4[%get3A_1078, %get3A_1079] {strides = array<i32>} : memref<64x512xf32, #tpu.memory_space<vmem>>, vector<16xf32>,
      %mul3A_1081 = arith.constant 16 : i32
      %mul3A_1082 = arith.muli %add3A_768, %mul3A_1081 : i32
      %get3A_1083 = arith.constant 52 : i32
      %get3A_1084 = arith.index_cast %get3A_1083 : i32 to index
      %get3A_1085 = arith.index_cast %mul3A_1082 : i32 to index
      %get3A_1086 = tpu.vector_load %arg4[%get3A_1084, %get3A_1085] {strides = array<i32>} : memref<64x512xf32, #tpu.memory_space<vmem>>, vector<16xf32>,
      %mul3A_1087 = arith.constant 16 : i32
      %mul3A_1088 = arith.muli %add3A_768, %mul3A_1087 : i32
      %get3A_1089 = arith.constant 53 : i32
      %get3A_1090 = arith.index_cast %get3A_1089 : i32 to index
      %get3A_1091 = arith.index_cast %mul3A_1088 : i32 to index
      %get3A_1092 = tpu.vector_load %arg4[%get3A_1090, %get3A_1091] {strides = array<i32>} : memref<64x512xf32, #tpu.memory_space<vmem>>, vector<16xf32>,
      %mul3A_1093 = arith.constant 16 : i32
      %mul3A_1094 = arith.muli %add3A_768, %mul3A_1093 : i32
      %get3A_1095 = arith.constant 54 : i32
      %get3A_1096 = arith.index_cast %get3A_1095 : i32 to index
      %get3A_1097 = arith.index_cast %mul3A_1094 : i32 to index
      %get3A_1098 = tpu.vector_load %arg4[%get3A_1096, %get3A_1097] {strides = array<i32>} : memref<64x512xf32, #tpu.memory_space<vmem>>, vector<16xf32>,
      %mul3A_1099 = arith.constant 16 : i32
      %mul3A_1100 = arith.muli %add3A_768, %mul3A_1099 : i32
      %get3A_1101 = arith.constant 55 : i32
      %get3A_1102 = arith.index_cast %get3A_1101 : i32 to index
      %get3A_1103 = arith.index_cast %mul3A_1100 : i32 to index
      %get3A_1104 = tpu.vector_load %arg4[%get3A_1102, %get3A_1103] {strides = array<i32>} : memref<64x512xf32, #tpu.memory_space<vmem>>, vector<16xf32>,
      %mul3A_1105 = arith.constant 16 : i32
      %mul3A_1106 = arith.muli %add3A_768, %mul3A_1105 : i32
      %get3A_1107 = arith.constant 56 : i32
      %get3A_1108 = arith.index_cast %get3A_1107 : i32 to index
      %get3A_1109 = arith.index_cast %mul3A_1106 : i32 to index
      %get3A_1110 = tpu.vector_load %arg4[%get3A_1108, %get3A_1109] {strides = array<i32>} : memref<64x512xf32, #tpu.memory_space<vmem>>, vector<16xf32>,
      %mul3A_1111 = arith.constant 16 : i32
      %mul3A_1112 = arith.muli %add3A_768, %mul3A_1111 : i32
      %get3A_1113 = arith.constant 57 : i32
      %get3A_1114 = arith.index_cast %get3A_1113 : i32 to index
      %get3A_1115 = arith.index_cast %mul3A_1112 : i32 to index
      %get3A_1116 = tpu.vector_load %arg4[%get3A_1114, %get3A_1115] {strides = array<i32>} : memref<64x512xf32, #tpu.memory_space<vmem>>, vector<16xf32>,
      %mul3A_1117 = arith.constant 16 : i32
      %mul3A_1118 = arith.muli %add3A_768, %mul3A_1117 : i32
      %get3A_1119 = arith.constant 58 : i32
      %get3A_1120 = arith.index_cast %get3A_1119 : i32 to index
      %get3A_1121 = arith.index_cast %mul3A_1118 : i32 to index
      %get3A_1122 = tpu.vector_load %arg4[%get3A_1120, %get3A_1121] {strides = array<i32>} : memref<64x512xf32, #tpu.memory_space<vmem>>, vector<16xf32>,
      %mul3A_1123 = arith.constant 16 : i32
      %mul3A_1124 = arith.muli %add3A_768, %mul3A_1123 : i32
      %get3A_1125 = arith.constant 59 : i32
      %get3A_1126 = arith.index_cast %get3A_1125 : i32 to index
      %get3A_1127 = arith.index_cast %mul3A_1124 : i32 to index
      %get3A_1128 = tpu.vector_load %arg4[%get3A_1126, %get3A_1127] {strides = array<i32>} : memref<64x512xf32, #tpu.memory_space<vmem>>, vector<16xf32>,
      %mul3A_1129 = arith.constant 16 : i32
      %mul3A_1130 = arith.muli %add3A_768, %mul3A_1129 : i32
      %get3A_1131 = arith.constant 60 : i32
      %get3A_1132 = arith.index_cast %get3A_1131 : i32 to index
      %get3A_1133 = arith.index_cast %mul3A_1130 : i32 to index
      %get3A_1134 = tpu.vector_load %arg4[%get3A_1132, %get3A_1133] {strides = array<i32>} : memref<64x512xf32, #tpu.memory_space<vmem>>, vector<16xf32>,
      %mul3A_1135 = arith.constant 16 : i32
      %mul3A_1136 = arith.muli %add3A_768, %mul3A_1135 : i32
      %get3A_1137 = arith.constant 61 : i32
      %get3A_1138 = arith.index_cast %get3A_1137 : i32 to index
      %get3A_1139 = arith.index_cast %mul3A_1136 : i32 to index
      %get3A_1140 = tpu.vector_load %arg4[%get3A_1138, %get3A_1139] {strides = array<i32>} : memref<64x512xf32, #tpu.memory_space<vmem>>, vector<16xf32>,
      %mul3A_1141 = arith.constant 16 : i32
      %mul3A_1142 = arith.muli %add3A_768, %mul3A_1141 : i32
      %get3A_1143 = arith.constant 62 : i32
      %get3A_1144 = arith.index_cast %get3A_1143 : i32 to index
      %get3A_1145 = arith.index_cast %mul3A_1142 : i32 to index
      %get3A_1146 = tpu.vector_load %arg4[%get3A_1144, %get3A_1145] {strides = array<i32>} : memref<64x512xf32, #tpu.memory_space<vmem>>, vector<16xf32>,
      %mul3A_1147 = arith.constant 16 : i32
      %mul3A_1148 = arith.muli %add3A_768, %mul3A_1147 : i32
      %get3A_1149 = arith.constant 63 : i32
      %get3A_1150 = arith.index_cast %get3A_1149 : i32 to index
      %get3A_1151 = arith.index_cast %mul3A_1148 : i32 to index
      %get3A_1152 = tpu.vector_load %arg4[%get3A_1150, %get3A_1151] {strides = array<i32>} : memref<64x512xf32, #tpu.memory_space<vmem>>, vector<16xf32>,
      %broadcast_in_dim3A_1153 = arith.constant 0 : i32
      %broadcast_in_dim3A_1154 = vector.broadcast %broadcast_in_dim3A_1153 : i32 to vector<16xi32>
      %broadcast_in_dim3A_1155 = arith.constant 1 : i32
      %broadcast_in_dim3A_1156 = vector.broadcast %broadcast_in_dim3A_1155 : i32 to vector<16xi32>
      %broadcast_in_dim3A_1157 = arith.constant 2 : i32
      %broadcast_in_dim3A_1158 = vector.broadcast %broadcast_in_dim3A_1157 : i32 to vector<16xi32>
      %broadcast_in_dim3A_1159 = arith.constant 3 : i32
      %broadcast_in_dim3A_1160 = vector.broadcast %broadcast_in_dim3A_1159 : i32 to vector<16xi32>
      %broadcast_in_dim3A_1161 = arith.constant 4 : i32
      %broadcast_in_dim3A_1162 = vector.broadcast %broadcast_in_dim3A_1161 : i32 to vector<16xi32>
      %broadcast_in_dim3A_1163 = arith.constant 5 : i32
      %broadcast_in_dim3A_1164 = vector.broadcast %broadcast_in_dim3A_1163 : i32 to vector<16xi32>
      %broadcast_in_dim3A_1165 = arith.constant 6 : i32
      %broadcast_in_dim3A_1166 = vector.broadcast %broadcast_in_dim3A_1165 : i32 to vector<16xi32>
      %broadcast_in_dim3A_1167 = arith.constant 7 : i32
      %broadcast_in_dim3A_1168 = vector.broadcast %broadcast_in_dim3A_1167 : i32 to vector<16xi32>
      %broadcast_in_dim3A_1169 = arith.constant 8 : i32
      %broadcast_in_dim3A_1170 = vector.broadcast %broadcast_in_dim3A_1169 : i32 to vector<16xi32>
      %broadcast_in_dim3A_1171 = arith.constant 9 : i32
      %broadcast_in_dim3A_1172 = vector.broadcast %broadcast_in_dim3A_1171 : i32 to vector<16xi32>
      %broadcast_in_dim3A_1173 = arith.constant 10 : i32
      %broadcast_in_dim3A_1174 = vector.broadcast %broadcast_in_dim3A_1173 : i32 to vector<16xi32>
      %broadcast_in_dim3A_1175 = arith.constant 11 : i32
      %broadcast_in_dim3A_1176 = vector.broadcast %broadcast_in_dim3A_1175 : i32 to vector<16xi32>
      %broadcast_in_dim3A_1177 = arith.constant 12 : i32
      %broadcast_in_dim3A_1178 = vector.broadcast %broadcast_in_dim3A_1177 : i32 to vector<16xi32>
      %broadcast_in_dim3A_1179 = arith.constant 13 : i32
      %broadcast_in_dim3A_1180 = vector.broadcast %broadcast_in_dim3A_1179 : i32 to vector<16xi32>
      %broadcast_in_dim3A_1181 = arith.constant 14 : i32
      %broadcast_in_dim3A_1182 = vector.broadcast %broadcast_in_dim3A_1181 : i32 to vector<16xi32>
      %broadcast_in_dim3A_1183 = arith.constant 15 : i32
      %broadcast_in_dim3A_1184 = vector.broadcast %broadcast_in_dim3A_1183 : i32 to vector<16xi32>
      %broadcast_in_dim3A_1185 = arith.constant 16 : i32
      %broadcast_in_dim3A_1186 = vector.broadcast %broadcast_in_dim3A_1185 : i32 to vector<16xi32>
      %broadcast_in_dim3A_1187 = arith.constant 17 : i32
      %broadcast_in_dim3A_1188 = vector.broadcast %broadcast_in_dim3A_1187 : i32 to vector<16xi32>
      %broadcast_in_dim3A_1189 = arith.constant 18 : i32
      %broadcast_in_dim3A_1190 = vector.broadcast %broadcast_in_dim3A_1189 : i32 to vector<16xi32>
      %broadcast_in_dim3A_1191 = arith.constant 19 : i32
      %broadcast_in_dim3A_1192 = vector.broadcast %broadcast_in_dim3A_1191 : i32 to vector<16xi32>
      %broadcast_in_dim3A_1193 = arith.constant 20 : i32
      %broadcast_in_dim3A_1194 = vector.broadcast %broadcast_in_dim3A_1193 : i32 to vector<16xi32>
      %broadcast_in_dim3A_1195 = arith.constant 21 : i32
      %broadcast_in_dim3A_1196 = vector.broadcast %broadcast_in_dim3A_1195 : i32 to vector<16xi32>
      %broadcast_in_dim3A_1197 = arith.constant 22 : i32
      %broadcast_in_dim3A_1198 = vector.broadcast %broadcast_in_dim3A_1197 : i32 to vector<16xi32>
      %broadcast_in_dim3A_1199 = arith.constant 23 : i32
      %broadcast_in_dim3A_1200 = vector.broadcast %broadcast_in_dim3A_1199 : i32 to vector<16xi32>
      %broadcast_in_dim3A_1201 = arith.constant 24 : i32
      %broadcast_in_dim3A_1202 = vector.broadcast %broadcast_in_dim3A_1201 : i32 to vector<16xi32>
      %broadcast_in_dim3A_1203 = arith.constant 25 : i32
      %broadcast_in_dim3A_1204 = vector.broadcast %broadcast_in_dim3A_1203 : i32 to vector<16xi32>
      %broadcast_in_dim3A_1205 = arith.constant 26 : i32
      %broadcast_in_dim3A_1206 = vector.broadcast %broadcast_in_dim3A_1205 : i32 to vector<16xi32>
      %broadcast_in_dim3A_1207 = arith.constant 27 : i32
      %broadcast_in_dim3A_1208 = vector.broadcast %broadcast_in_dim3A_1207 : i32 to vector<16xi32>
      %broadcast_in_dim3A_1209 = arith.constant 28 : i32
      %broadcast_in_dim3A_1210 = vector.broadcast %broadcast_in_dim3A_1209 : i32 to vector<16xi32>
      %broadcast_in_dim3A_1211 = arith.constant 29 : i32
      %broadcast_in_dim3A_1212 = vector.broadcast %broadcast_in_dim3A_1211 : i32 to vector<16xi32>
      %broadcast_in_dim3A_1213 = arith.constant 30 : i32
      %broadcast_in_dim3A_1214 = vector.broadcast %broadcast_in_dim3A_1213 : i32 to vector<16xi32>
      %broadcast_in_dim3A_1215 = arith.constant 31 : i32
      %broadcast_in_dim3A_1216 = vector.broadcast %broadcast_in_dim3A_1215 : i32 to vector<16xi32>
      %broadcast_in_dim3A_1217 = arith.constant 32 : i32
      %broadcast_in_dim3A_1218 = vector.broadcast %broadcast_in_dim3A_1217 : i32 to vector<16xi32>
      %broadcast_in_dim3A_1219 = arith.constant 33 : i32
      %broadcast_in_dim3A_1220 = vector.broadcast %broadcast_in_dim3A_1219 : i32 to vector<16xi32>
      %broadcast_in_dim3A_1221 = arith.constant 34 : i32
      %broadcast_in_dim3A_1222 = vector.broadcast %broadcast_in_dim3A_1221 : i32 to vector<16xi32>
      %broadcast_in_dim3A_1223 = arith.constant 35 : i32
      %broadcast_in_dim3A_1224 = vector.broadcast %broadcast_in_dim3A_1223 : i32 to vector<16xi32>
      %broadcast_in_dim3A_1225 = arith.constant 36 : i32
      %broadcast_in_dim3A_1226 = vector.broadcast %broadcast_in_dim3A_1225 : i32 to vector<16xi32>
      %broadcast_in_dim3A_1227 = arith.constant 37 : i32
      %broadcast_in_dim3A_1228 = vector.broadcast %broadcast_in_dim3A_1227 : i32 to vector<16xi32>
      %broadcast_in_dim3A_1229 = arith.constant 38 : i32
      %broadcast_in_dim3A_1230 = vector.broadcast %broadcast_in_dim3A_1229 : i32 to vector<16xi32>
      %broadcast_in_dim3A_1231 = arith.constant 39 : i32
      %broadcast_in_dim3A_1232 = vector.broadcast %broadcast_in_dim3A_1231 : i32 to vector<16xi32>
      %broadcast_in_dim3A_1233 = arith.constant 40 : i32
      %broadcast_in_dim3A_1234 = vector.broadcast %broadcast_in_dim3A_1233 : i32 to vector<16xi32>
      %broadcast_in_dim3A_1235 = arith.constant 41 : i32
      %broadcast_in_dim3A_1236 = vector.broadcast %broadcast_in_dim3A_1235 : i32 to vector<16xi32>
      %broadcast_in_dim3A_1237 = arith.constant 42 : i32
      %broadcast_in_dim3A_1238 = vector.broadcast %broadcast_in_dim3A_1237 : i32 to vector<16xi32>
      %broadcast_in_dim3A_1239 = arith.constant 43 : i32
      %broadcast_in_dim3A_1240 = vector.broadcast %broadcast_in_dim3A_1239 : i32 to vector<16xi32>
      %broadcast_in_dim3A_1241 = arith.constant 44 : i32
      %broadcast_in_dim3A_1242 = vector.broadcast %broadcast_in_dim3A_1241 : i32 to vector<16xi32>
      %broadcast_in_dim3A_1243 = arith.constant 45 : i32
      %broadcast_in_dim3A_1244 = vector.broadcast %broadcast_in_dim3A_1243 : i32 to vector<16xi32>
      %broadcast_in_dim3A_1245 = arith.constant 46 : i32
      %broadcast_in_dim3A_1246 = vector.broadcast %broadcast_in_dim3A_1245 : i32 to vector<16xi32>
      %broadcast_in_dim3A_1247 = arith.constant 47 : i32
      %broadcast_in_dim3A_1248 = vector.broadcast %broadcast_in_dim3A_1247 : i32 to vector<16xi32>
      %broadcast_in_dim3A_1249 = arith.constant 48 : i32
      %broadcast_in_dim3A_1250 = vector.broadcast %broadcast_in_dim3A_1249 : i32 to vector<16xi32>
      %broadcast_in_dim3A_1251 = arith.constant 49 : i32
      %broadcast_in_dim3A_1252 = vector.broadcast %broadcast_in_dim3A_1251 : i32 to vector<16xi32>
      %broadcast_in_dim3A_1253 = arith.constant 50 : i32
      %broadcast_in_dim3A_1254 = vector.broadcast %broadcast_in_dim3A_1253 : i32 to vector<16xi32>
      %broadcast_in_dim3A_1255 = arith.constant 51 : i32
      %broadcast_in_dim3A_1256 = vector.broadcast %broadcast_in_dim3A_1255 : i32 to vector<16xi32>
      %broadcast_in_dim3A_1257 = arith.constant 52 : i32
      %broadcast_in_dim3A_1258 = vector.broadcast %broadcast_in_dim3A_1257 : i32 to vector<16xi32>
      %broadcast_in_dim3A_1259 = arith.constant 53 : i32
      %broadcast_in_dim3A_1260 = vector.broadcast %broadcast_in_dim3A_1259 : i32 to vector<16xi32>
      %broadcast_in_dim3A_1261 = arith.constant 54 : i32
      %broadcast_in_dim3A_1262 = vector.broadcast %broadcast_in_dim3A_1261 : i32 to vector<16xi32>
      %broadcast_in_dim3A_1263 = arith.constant 55 : i32
      %broadcast_in_dim3A_1264 = vector.broadcast %broadcast_in_dim3A_1263 : i32 to vector<16xi32>
      %broadcast_in_dim3A_1265 = arith.constant 56 : i32
      %broadcast_in_dim3A_1266 = vector.broadcast %broadcast_in_dim3A_1265 : i32 to vector<16xi32>
      %broadcast_in_dim3A_1267 = arith.constant 57 : i32
      %broadcast_in_dim3A_1268 = vector.broadcast %broadcast_in_dim3A_1267 : i32 to vector<16xi32>
      %broadcast_in_dim3A_1269 = arith.constant 58 : i32
      %broadcast_in_dim3A_1270 = vector.broadcast %broadcast_in_dim3A_1269 : i32 to vector<16xi32>
      %broadcast_in_dim3A_1271 = arith.constant 59 : i32
      %broadcast_in_dim3A_1272 = vector.broadcast %broadcast_in_dim3A_1271 : i32 to vector<16xi32>
      %broadcast_in_dim3A_1273 = arith.constant 60 : i32
      %broadcast_in_dim3A_1274 = vector.broadcast %broadcast_in_dim3A_1273 : i32 to vector<16xi32>
      %broadcast_in_dim3A_1275 = arith.constant 61 : i32
      %broadcast_in_dim3A_1276 = vector.broadcast %broadcast_in_dim3A_1275 : i32 to vector<16xi32>
      %broadcast_in_dim3A_1277 = arith.constant 62 : i32
      %broadcast_in_dim3A_1278 = vector.broadcast %broadcast_in_dim3A_1277 : i32 to vector<16xi32>
      %broadcast_in_dim3A_1279 = arith.constant 63 : i32
      %broadcast_in_dim3A_1280 = vector.broadcast %broadcast_in_dim3A_1279 : i32 to vector<16xi32>
      %ge3A_1281 = arith.cmpf oge, %get3A_774, %get3A_780 : vector<16xf32>
      %select_n3A_1282 = arith.select %ge3A_1281, %get3A_774, %get3A_780 : vector<16xi1>, vector<16xf32>
      %select_n3A_1283 = arith.select %ge3A_1281, %broadcast_in_dim3A_1154, %broadcast_in_dim3A_1156 : vector<16xi1>, vector<16xi32>
      %ge3A_1284 = arith.cmpf oge, %get3A_786, %get3A_792 : vector<16xf32>
      %select_n3A_1285 = arith.select %ge3A_1284, %get3A_786, %get3A_792 : vector<16xi1>, vector<16xf32>
      %select_n3A_1286 = arith.select %ge3A_1284, %broadcast_in_dim3A_1158, %broadcast_in_dim3A_1160 : vector<16xi1>, vector<16xi32>
      %ge3A_1287 = arith.cmpf oge, %get3A_798, %get3A_804 : vector<16xf32>
      %select_n3A_1288 = arith.select %ge3A_1287, %get3A_798, %get3A_804 : vector<16xi1>, vector<16xf32>
      %select_n3A_1289 = arith.select %ge3A_1287, %broadcast_in_dim3A_1162, %broadcast_in_dim3A_1164 : vector<16xi1>, vector<16xi32>
      %ge3A_1290 = arith.cmpf oge, %get3A_810, %get3A_816 : vector<16xf32>
      %select_n3A_1291 = arith.select %ge3A_1290, %get3A_810, %get3A_816 : vector<16xi1>, vector<16xf32>
      %select_n3A_1292 = arith.select %ge3A_1290, %broadcast_in_dim3A_1166, %broadcast_in_dim3A_1168 : vector<16xi1>, vector<16xi32>
      %ge3A_1293 = arith.cmpf oge, %get3A_822, %get3A_828 : vector<16xf32>
      %select_n3A_1294 = arith.select %ge3A_1293, %get3A_822, %get3A_828 : vector<16xi1>, vector<16xf32>
      %select_n3A_1295 = arith.select %ge3A_1293, %broadcast_in_dim3A_1170, %broadcast_in_dim3A_1172 : vector<16xi1>, vector<16xi32>
      %ge3A_1296 = arith.cmpf oge, %get3A_834, %get3A_840 : vector<16xf32>
      %select_n3A_1297 = arith.select %ge3A_1296, %get3A_834, %get3A_840 : vector<16xi1>, vector<16xf32>
      %select_n3A_1298 = arith.select %ge3A_1296, %broadcast_in_dim3A_1174, %broadcast_in_dim3A_1176 : vector<16xi1>, vector<16xi32>
      %ge3A_1299 = arith.cmpf oge, %get3A_846, %get3A_852 : vector<16xf32>
      %select_n3A_1300 = arith.select %ge3A_1299, %get3A_846, %get3A_852 : vector<16xi1>, vector<16xf32>
      %select_n3A_1301 = arith.select %ge3A_1299, %broadcast_in_dim3A_1178, %broadcast_in_dim3A_1180 : vector<16xi1>, vector<16xi32>
      %ge3A_1302 = arith.cmpf oge, %get3A_858, %get3A_864 : vector<16xf32>
      %select_n3A_1303 = arith.select %ge3A_1302, %get3A_858, %get3A_864 : vector<16xi1>, vector<16xf32>
      %select_n3A_1304 = arith.select %ge3A_1302, %broadcast_in_dim3A_1182, %broadcast_in_dim3A_1184 : vector<16xi1>, vector<16xi32>
      %ge3A_1305 = arith.cmpf oge, %get3A_870, %get3A_876 : vector<16xf32>
      %select_n3A_1306 = arith.select %ge3A_1305, %get3A_870, %get3A_876 : vector<16xi1>, vector<16xf32>
      %select_n3A_1307 = arith.select %ge3A_1305, %broadcast_in_dim3A_1186, %broadcast_in_dim3A_1188 : vector<16xi1>, vector<16xi32>
      %ge3A_1308 = arith.cmpf oge, %get3A_882, %get3A_888 : vector<16xf32>
      %select_n3A_1309 = arith.select %ge3A_1308, %get3A_882, %get3A_888 : vector<16xi1>, vector<16xf32>
      %select_n3A_1310 = arith.select %ge3A_1308, %broadcast_in_dim3A_1190, %broadcast_in_dim3A_1192 : vector<16xi1>, vector<16xi32>
      %ge3A_1311 = arith.cmpf oge, %get3A_894, %get3A_900 : vector<16xf32>
      %select_n3A_1312 = arith.select %ge3A_1311, %get3A_894, %get3A_900 : vector<16xi1>, vector<16xf32>
      %select_n3A_1313 = arith.select %ge3A_1311, %broadcast_in_dim3A_1194, %broadcast_in_dim3A_1196 : vector<16xi1>, vector<16xi32>
      %ge3A_1314 = arith.cmpf oge, %get3A_906, %get3A_912 : vector<16xf32>
      %select_n3A_1315 = arith.select %ge3A_1314, %get3A_906, %get3A_912 : vector<16xi1>, vector<16xf32>
      %select_n3A_1316 = arith.select %ge3A_1314, %broadcast_in_dim3A_1198, %broadcast_in_dim3A_1200 : vector<16xi1>, vector<16xi32>
      %ge3A_1317 = arith.cmpf oge, %get3A_918, %get3A_924 : vector<16xf32>
      %select_n3A_1318 = arith.select %ge3A_1317, %get3A_918, %get3A_924 : vector<16xi1>, vector<16xf32>
      %select_n3A_1319 = arith.select %ge3A_1317, %broadcast_in_dim3A_1202, %broadcast_in_dim3A_1204 : vector<16xi1>, vector<16xi32>
      %ge3A_1320 = arith.cmpf oge, %get3A_930, %get3A_936 : vector<16xf32>
      %select_n3A_1321 = arith.select %ge3A_1320, %get3A_930, %get3A_936 : vector<16xi1>, vector<16xf32>
      %select_n3A_1322 = arith.select %ge3A_1320, %broadcast_in_dim3A_1206, %broadcast_in_dim3A_1208 : vector<16xi1>, vector<16xi32>
      %ge3A_1323 = arith.cmpf oge, %get3A_942, %get3A_948 : vector<16xf32>
      %select_n3A_1324 = arith.select %ge3A_1323, %get3A_942, %get3A_948 : vector<16xi1>, vector<16xf32>
      %select_n3A_1325 = arith.select %ge3A_1323, %broadcast_in_dim3A_1210, %broadcast_in_dim3A_1212 : vector<16xi1>, vector<16xi32>
      %ge3A_1326 = arith.cmpf oge, %get3A_954, %get3A_960 : vector<16xf32>
      %select_n3A_1327 = arith.select %ge3A_1326, %get3A_954, %get3A_960 : vector<16xi1>, vector<16xf32>
      %select_n3A_1328 = arith.select %ge3A_1326, %broadcast_in_dim3A_1214, %broadcast_in_dim3A_1216 : vector<16xi1>, vector<16xi32>
      %ge3A_1329 = arith.cmpf oge, %get3A_966, %get3A_972 : vector<16xf32>
      %select_n3A_1330 = arith.select %ge3A_1329, %get3A_966, %get3A_972 : vector<16xi1>, vector<16xf32>
      %select_n3A_1331 = arith.select %ge3A_1329, %broadcast_in_dim3A_1218, %broadcast_in_dim3A_1220 : vector<16xi1>, vector<16xi32>
      %ge3A_1332 = arith.cmpf oge, %get3A_978, %get3A_984 : vector<16xf32>
      %select_n3A_1333 = arith.select %ge3A_1332, %get3A_978, %get3A_984 : vector<16xi1>, vector<16xf32>
      %select_n3A_1334 = arith.select %ge3A_1332, %broadcast_in_dim3A_1222, %broadcast_in_dim3A_1224 : vector<16xi1>, vector<16xi32>
      %ge3A_1335 = arith.cmpf oge, %get3A_990, %get3A_996 : vector<16xf32>
      %select_n3A_1336 = arith.select %ge3A_1335, %get3A_990, %get3A_996 : vector<16xi1>, vector<16xf32>
      %select_n3A_1337 = arith.select %ge3A_1335, %broadcast_in_dim3A_1226, %broadcast_in_dim3A_1228 : vector<16xi1>, vector<16xi32>
      %ge3A_1338 = arith.cmpf oge, %get3A_1002, %get3A_1008 : vector<16xf32>
      %select_n3A_1339 = arith.select %ge3A_1338, %get3A_1002, %get3A_1008 : vector<16xi1>, vector<16xf32>
      %select_n3A_1340 = arith.select %ge3A_1338, %broadcast_in_dim3A_1230, %broadcast_in_dim3A_1232 : vector<16xi1>, vector<16xi32>
      %ge3A_1341 = arith.cmpf oge, %get3A_1014, %get3A_1020 : vector<16xf32>
      %select_n3A_1342 = arith.select %ge3A_1341, %get3A_1014, %get3A_1020 : vector<16xi1>, vector<16xf32>
      %select_n3A_1343 = arith.select %ge3A_1341, %broadcast_in_dim3A_1234, %broadcast_in_dim3A_1236 : vector<16xi1>, vector<16xi32>
      %ge3A_1344 = arith.cmpf oge, %get3A_1026, %get3A_1032 : vector<16xf32>
      %select_n3A_1345 = arith.select %ge3A_1344, %get3A_1026, %get3A_1032 : vector<16xi1>, vector<16xf32>
      %select_n3A_1346 = arith.select %ge3A_1344, %broadcast_in_dim3A_1238, %broadcast_in_dim3A_1240 : vector<16xi1>, vector<16xi32>
      %ge3A_1347 = arith.cmpf oge, %get3A_1038, %get3A_1044 : vector<16xf32>
      %select_n3A_1348 = arith.select %ge3A_1347, %get3A_1038, %get3A_1044 : vector<16xi1>, vector<16xf32>
      %select_n3A_1349 = arith.select %ge3A_1347, %broadcast_in_dim3A_1242, %broadcast_in_dim3A_1244 : vector<16xi1>, vector<16xi32>
      %ge3A_1350 = arith.cmpf oge, %get3A_1050, %get3A_1056 : vector<16xf32>
      %select_n3A_1351 = arith.select %ge3A_1350, %get3A_1050, %get3A_1056 : vector<16xi1>, vector<16xf32>
      %select_n3A_1352 = arith.select %ge3A_1350, %broadcast_in_dim3A_1246, %broadcast_in_dim3A_1248 : vector<16xi1>, vector<16xi32>
      %ge3A_1353 = arith.cmpf oge, %get3A_1062, %get3A_1068 : vector<16xf32>
      %select_n3A_1354 = arith.select %ge3A_1353, %get3A_1062, %get3A_1068 : vector<16xi1>, vector<16xf32>
      %select_n3A_1355 = arith.select %ge3A_1353, %broadcast_in_dim3A_1250, %broadcast_in_dim3A_1252 : vector<16xi1>, vector<16xi32>
      %ge3A_1356 = arith.cmpf oge, %get3A_1074, %get3A_1080 : vector<16xf32>
      %select_n3A_1357 = arith.select %ge3A_1356, %get3A_1074, %get3A_1080 : vector<16xi1>, vector<16xf32>
      %select_n3A_1358 = arith.select %ge3A_1356, %broadcast_in_dim3A_1254, %broadcast_in_dim3A_1256 : vector<16xi1>, vector<16xi32>
      %ge3A_1359 = arith.cmpf oge, %get3A_1086, %get3A_1092 : vector<16xf32>
      %select_n3A_1360 = arith.select %ge3A_1359, %get3A_1086, %get3A_1092 : vector<16xi1>, vector<16xf32>
      %select_n3A_1361 = arith.select %ge3A_1359, %broadcast_in_dim3A_1258, %broadcast_in_dim3A_1260 : vector<16xi1>, vector<16xi32>
      %ge3A_1362 = arith.cmpf oge, %get3A_1098, %get3A_1104 : vector<16xf32>
      %select_n3A_1363 = arith.select %ge3A_1362, %get3A_1098, %get3A_1104 : vector<16xi1>, vector<16xf32>
      %select_n3A_1364 = arith.select %ge3A_1362, %broadcast_in_dim3A_1262, %broadcast_in_dim3A_1264 : vector<16xi1>, vector<16xi32>
      %ge3A_1365 = arith.cmpf oge, %get3A_1110, %get3A_1116 : vector<16xf32>
      %select_n3A_1366 = arith.select %ge3A_1365, %get3A_1110, %get3A_1116 : vector<16xi1>, vector<16xf32>
      %select_n3A_1367 = arith.select %ge3A_1365, %broadcast_in_dim3A_1266, %broadcast_in_dim3A_1268 : vector<16xi1>, vector<16xi32>
      %ge3A_1368 = arith.cmpf oge, %get3A_1122, %get3A_1128 : vector<16xf32>
      %select_n3A_1369 = arith.select %ge3A_1368, %get3A_1122, %get3A_1128 : vector<16xi1>, vector<16xf32>
      %select_n3A_1370 = arith.select %ge3A_1368, %broadcast_in_dim3A_1270, %broadcast_in_dim3A_1272 : vector<16xi1>, vector<16xi32>
      %ge3A_1371 = arith.cmpf oge, %get3A_1134, %get3A_1140 : vector<16xf32>
      %select_n3A_1372 = arith.select %ge3A_1371, %get3A_1134, %get3A_1140 : vector<16xi1>, vector<16xf32>
      %select_n3A_1373 = arith.select %ge3A_1371, %broadcast_in_dim3A_1274, %broadcast_in_dim3A_1276 : vector<16xi1>, vector<16xi32>
      %ge3A_1374 = arith.cmpf oge, %get3A_1146, %get3A_1152 : vector<16xf32>
      %select_n3A_1375 = arith.select %ge3A_1374, %get3A_1146, %get3A_1152 : vector<16xi1>, vector<16xf32>
      %select_n3A_1376 = arith.select %ge3A_1374, %broadcast_in_dim3A_1278, %broadcast_in_dim3A_1280 : vector<16xi1>, vector<16xi32>
      %ge3A_1377 = arith.cmpf oge, %select_n3A_1282, %select_n3A_1285 : vector<16xf32>
      %select_n3A_1378 = arith.select %ge3A_1377, %select_n3A_1282, %select_n3A_1285 : vector<16xi1>, vector<16xf32>
      %select_n3A_1379 = arith.select %ge3A_1377, %select_n3A_1283, %select_n3A_1286 : vector<16xi1>, vector<16xi32>
      %ge3A_1380 = arith.cmpf oge, %select_n3A_1288, %select_n3A_1291 : vector<16xf32>
      %select_n3A_1381 = arith.select %ge3A_1380, %select_n3A_1288, %select_n3A_1291 : vector<16xi1>, vector<16xf32>
      %select_n3A_1382 = arith.select %ge3A_1380, %select_n3A_1289, %select_n3A_1292 : vector<16xi1>, vector<16xi32>
      %ge3A_1383 = arith.cmpf oge, %select_n3A_1294, %select_n3A_1297 : vector<16xf32>
      %select_n3A_1384 = arith.select %ge3A_1383, %select_n3A_1294, %select_n3A_1297 : vector<16xi1>, vector<16xf32>
      %select_n3A_1385 = arith.select %ge3A_1383, %select_n3A_1295, %select_n3A_1298 : vector<16xi1>, vector<16xi32>
      %ge3A_1386 = arith.cmpf oge, %select_n3A_1300, %select_n3A_1303 : vector<16xf32>
      %select_n3A_1387 = arith.select %ge3A_1386, %select_n3A_1300, %select_n3A_1303 : vector<16xi1>, vector<16xf32>
      %select_n3A_1388 = arith.select %ge3A_1386, %select_n3A_1301, %select_n3A_1304 : vector<16xi1>, vector<16xi32>
      %ge3A_1389 = arith.cmpf oge, %select_n3A_1306, %select_n3A_1309 : vector<16xf32>
      %select_n3A_1390 = arith.select %ge3A_1389, %select_n3A_1306, %select_n3A_1309 : vector<16xi1>, vector<16xf32>
      %select_n3A_1391 = arith.select %ge3A_1389, %select_n3A_1307, %select_n3A_1310 : vector<16xi1>, vector<16xi32>
      %ge3A_1392 = arith.cmpf oge, %select_n3A_1312, %select_n3A_1315 : vector<16xf32>
      %select_n3A_1393 = arith.select %ge3A_1392, %select_n3A_1312, %select_n3A_1315 : vector<16xi1>, vector<16xf32>
      %select_n3A_1394 = arith.select %ge3A_1392, %select_n3A_1313, %select_n3A_1316 : vector<16xi1>, vector<16xi32>
      %ge3A_1395 = arith.cmpf oge, %select_n3A_1318, %select_n3A_1321 : vector<16xf32>
      %select_n3A_1396 = arith.select %ge3A_1395, %select_n3A_1318, %select_n3A_1321 : vector<16xi1>, vector<16xf32>
      %select_n3A_1397 = arith.select %ge3A_1395, %select_n3A_1319, %select_n3A_1322 : vector<16xi1>, vector<16xi32>
      %ge3A_1398 = arith.cmpf oge, %select_n3A_1324, %select_n3A_1327 : vector<16xf32>
      %select_n3A_1399 = arith.select %ge3A_1398, %select_n3A_1324, %select_n3A_1327 : vector<16xi1>, vector<16xf32>
      %select_n3A_1400 = arith.select %ge3A_1398, %select_n3A_1325, %select_n3A_1328 : vector<16xi1>, vector<16xi32>
      %ge3A_1401 = arith.cmpf oge, %select_n3A_1330, %select_n3A_1333 : vector<16xf32>
      %select_n3A_1402 = arith.select %ge3A_1401, %select_n3A_1330, %select_n3A_1333 : vector<16xi1>, vector<16xf32>
      %select_n3A_1403 = arith.select %ge3A_1401, %select_n3A_1331, %select_n3A_1334 : vector<16xi1>, vector<16xi32>
      %ge3A_1404 = arith.cmpf oge, %select_n3A_1336, %select_n3A_1339 : vector<16xf32>
      %select_n3A_1405 = arith.select %ge3A_1404, %select_n3A_1336, %select_n3A_1339 : vector<16xi1>, vector<16xf32>
      %select_n3A_1406 = arith.select %ge3A_1404, %select_n3A_1337, %select_n3A_1340 : vector<16xi1>, vector<16xi32>
      %ge3A_1407 = arith.cmpf oge, %select_n3A_1342, %select_n3A_1345 : vector<16xf32>
      %select_n3A_1408 = arith.select %ge3A_1407, %select_n3A_1342, %select_n3A_1345 : vector<16xi1>, vector<16xf32>
      %select_n3A_1409 = arith.select %ge3A_1407, %select_n3A_1343, %select_n3A_1346 : vector<16xi1>, vector<16xi32>
      %ge3A_1410 = arith.cmpf oge, %select_n3A_1348, %select_n3A_1351 : vector<16xf32>
      %select_n3A_1411 = arith.select %ge3A_1410, %select_n3A_1348, %select_n3A_1351 : vector<16xi1>, vector<16xf32>
      %select_n3A_1412 = arith.select %ge3A_1410, %select_n3A_1349, %select_n3A_1352 : vector<16xi1>, vector<16xi32>
      %ge3A_1413 = arith.cmpf oge, %select_n3A_1354, %select_n3A_1357 : vector<16xf32>
      %select_n3A_1414 = arith.select %ge3A_1413, %select_n3A_1354, %select_n3A_1357 : vector<16xi1>, vector<16xf32>
      %select_n3A_1415 = arith.select %ge3A_1413, %select_n3A_1355, %select_n3A_1358 : vector<16xi1>, vector<16xi32>
      %ge3A_1416 = arith.cmpf oge, %select_n3A_1360, %select_n3A_1363 : vector<16xf32>
      %select_n3A_1417 = arith.select %ge3A_1416, %select_n3A_1360, %select_n3A_1363 : vector<16xi1>, vector<16xf32>
      %select_n3A_1418 = arith.select %ge3A_1416, %select_n3A_1361, %select_n3A_1364 : vector<16xi1>, vector<16xi32>
      %ge3A_1419 = arith.cmpf oge, %select_n3A_1366, %select_n3A_1369 : vector<16xf32>
      %select_n3A_1420 = arith.select %ge3A_1419, %select_n3A_1366, %select_n3A_1369 : vector<16xi1>, vector<16xf32>
      %select_n3A_1421 = arith.select %ge3A_1419, %select_n3A_1367, %select_n3A_1370 : vector<16xi1>, vector<16xi32>
      %ge3A_1422 = arith.cmpf oge, %select_n3A_1372, %select_n3A_1375 : vector<16xf32>
      %select_n3A_1423 = arith.select %ge3A_1422, %select_n3A_1372, %select_n3A_1375 : vector<16xi1>, vector<16xf32>
      %select_n3A_1424 = arith.select %ge3A_1422, %select_n3A_1373, %select_n3A_1376 : vector<16xi1>, vector<16xi32>
      %ge3A_1425 = arith.cmpf oge, %select_n3A_1378, %select_n3A_1381 : vector<16xf32>
      %select_n3A_1426 = arith.select %ge3A_1425, %select_n3A_1378, %select_n3A_1381 : vector<16xi1>, vector<16xf32>
      %select_n3A_1427 = arith.select %ge3A_1425, %select_n3A_1379, %select_n3A_1382 : vector<16xi1>, vector<16xi32>
      %ge3A_1428 = arith.cmpf oge, %select_n3A_1384, %select_n3A_1387 : vector<16xf32>
      %select_n3A_1429 = arith.select %ge3A_1428, %select_n3A_1384, %select_n3A_1387 : vector<16xi1>, vector<16xf32>
      %select_n3A_1430 = arith.select %ge3A_1428, %select_n3A_1385, %select_n3A_1388 : vector<16xi1>, vector<16xi32>
      %ge3A_1431 = arith.cmpf oge, %select_n3A_1390, %select_n3A_1393 : vector<16xf32>
      %select_n3A_1432 = arith.select %ge3A_1431, %select_n3A_1390, %select_n3A_1393 : vector<16xi1>, vector<16xf32>
      %select_n3A_1433 = arith.select %ge3A_1431, %select_n3A_1391, %select_n3A_1394 : vector<16xi1>, vector<16xi32>
      %ge3A_1434 = arith.cmpf oge, %select_n3A_1396, %select_n3A_1399 : vector<16xf32>
      %select_n3A_1435 = arith.select %ge3A_1434, %select_n3A_1396, %select_n3A_1399 : vector<16xi1>, vector<16xf32>
      %select_n3A_1436 = arith.select %ge3A_1434, %select_n3A_1397, %select_n3A_1400 : vector<16xi1>, vector<16xi32>
      %ge3A_1437 = arith.cmpf oge, %select_n3A_1402, %select_n3A_1405 : vector<16xf32>
      %select_n3A_1438 = arith.select %ge3A_1437, %select_n3A_1402, %select_n3A_1405 : vector<16xi1>, vector<16xf32>
      %select_n3A_1439 = arith.select %ge3A_1437, %select_n3A_1403, %select_n3A_1406 : vector<16xi1>, vector<16xi32>
      %ge3A_1440 = arith.cmpf oge, %select_n3A_1408, %select_n3A_1411 : vector<16xf32>
      %select_n3A_1441 = arith.select %ge3A_1440, %select_n3A_1408, %select_n3A_1411 : vector<16xi1>, vector<16xf32>
      %select_n3A_1442 = arith.select %ge3A_1440, %select_n3A_1409, %select_n3A_1412 : vector<16xi1>, vector<16xi32>
      %ge3A_1443 = arith.cmpf oge, %select_n3A_1414, %select_n3A_1417 : vector<16xf32>
      %select_n3A_1444 = arith.select %ge3A_1443, %select_n3A_1414, %select_n3A_1417 : vector<16xi1>, vector<16xf32>
      %select_n3A_1445 = arith.select %ge3A_1443, %select_n3A_1415, %select_n3A_1418 : vector<16xi1>, vector<16xi32>
      %ge3A_1446 = arith.cmpf oge, %select_n3A_1420, %select_n3A_1423 : vector<16xf32>
      %select_n3A_1447 = arith.select %ge3A_1446, %select_n3A_1420, %select_n3A_1423 : vector<16xi1>, vector<16xf32>
      %select_n3A_1448 = arith.select %ge3A_1446, %select_n3A_1421, %select_n3A_1424 : vector<16xi1>, vector<16xi32>
      %ge3A_1449 = arith.cmpf oge, %select_n3A_1426, %select_n3A_1429 : vector<16xf32>
      %select_n3A_1450 = arith.select %ge3A_1449, %select_n3A_1426, %select_n3A_1429 : vector<16xi1>, vector<16xf32>
      %select_n3A_1451 = arith.select %ge3A_1449, %select_n3A_1427, %select_n3A_1430 : vector<16xi1>, vector<16xi32>
      %ge3A_1452 = arith.cmpf oge, %select_n3A_1432, %select_n3A_1435 : vector<16xf32>
      %select_n3A_1453 = arith.select %ge3A_1452, %select_n3A_1432, %select_n3A_1435 : vector<16xi1>, vector<16xf32>
      %select_n3A_1454 = arith.select %ge3A_1452, %select_n3A_1433, %select_n3A_1436 : vector<16xi1>, vector<16xi32>
      %ge3A_1455 = arith.cmpf oge, %select_n3A_1438, %select_n3A_1441 : vector<16xf32>
      %select_n3A_1456 = arith.select %ge3A_1455, %select_n3A_1438, %select_n3A_1441 : vector<16xi1>, vector<16xf32>
      %select_n3A_1457 = arith.select %ge3A_1455, %select_n3A_1439, %select_n3A_1442 : vector<16xi1>, vector<16xi32>
      %ge3A_1458 = arith.cmpf oge, %select_n3A_1444, %select_n3A_1447 : vector<16xf32>
      %select_n3A_1459 = arith.select %ge3A_1458, %select_n3A_1444, %select_n3A_1447 : vector<16xi1>, vector<16xf32>
      %select_n3A_1460 = arith.select %ge3A_1458, %select_n3A_1445, %select_n3A_1448 : vector<16xi1>, vector<16xi32>
      %ge3A_1461 = arith.cmpf oge, %select_n3A_1450, %select_n3A_1453 : vector<16xf32>
      %select_n3A_1462 = arith.select %ge3A_1461, %select_n3A_1450, %select_n3A_1453 : vector<16xi1>, vector<16xf32>
      %select_n3A_1463 = arith.select %ge3A_1461, %select_n3A_1451, %select_n3A_1454 : vector<16xi1>, vector<16xi32>
      %ge3A_1464 = arith.cmpf oge, %select_n3A_1456, %select_n3A_1459 : vector<16xf32>
      %select_n3A_1465 = arith.select %ge3A_1464, %select_n3A_1456, %select_n3A_1459 : vector<16xi1>, vector<16xf32>
      %select_n3A_1466 = arith.select %ge3A_1464, %select_n3A_1457, %select_n3A_1460 : vector<16xi1>, vector<16xi32>
      %ge3A_1467 = arith.cmpf oge, %select_n3A_1462, %select_n3A_1465 : vector<16xf32>
      %select_n3A_1468 = arith.select %ge3A_1467, %select_n3A_1462, %select_n3A_1465 : vector<16xi1>, vector<16xf32>
      %select_n3A_1469 = arith.select %ge3A_1467, %select_n3A_1463, %select_n3A_1466 : vector<16xi1>, vector<16xi32>
      tpu.vector_store_idx %arg5[%select_n3A_1469], %broadcast_in_dim3A_26 {add = true} : memref<64xf32, #tpu.memory_space<vmem>>[vector<16xi32>], vector<16xf32>,
    }
    %scan3A_47 = arith.constant 8 : i32
    %dma_wait3A_48 = arith.constant 0 : i32
    %dma_wait3A_49 = arith.constant 256 : i32
    %dma_wait3A_50 = tpu.memref_slice %arg4[%dma_wait3A_48, %dma_wait3A_49] : memref<64x512xf32, #tpu.memory_space<vmem>> -> memref<64x256xf32, #tpu.memory_space<vmem>>
    %dma_wait3A_51 = arith.constant 0 : i32
    %dma_wait3A_52 = tpu.memref_slice %arg2[%dma_wait3A_51, %add3A_13] : memref<64x16384xf32, #tpu.memory_space<hbm>> -> memref<64x256xf32, #tpu.memory_space<hbm>>
    %dma_wait3A_53 = arith.constant 0 : i32
    %dma_wait3A_54 = arith.constant 256 : i32
    %dma_wait3A_55 = tpu.memref_slice %arg4[%dma_wait3A_53, %dma_wait3A_54] : memref<64x512xf32, #tpu.memory_space<vmem>> -> memref<64x256xf32, #tpu.memory_space<vmem>>
    %dma_wait3A_56 = arith.constant 0 : i32
    %dma_wait3A_57 = tpu.memref_slice %arg2[%dma_wait3A_56, %add3A_13] : memref<64x16384xf32, #tpu.memory_space<hbm>> -> memref<64x256xf32, #tpu.memory_space<hbm>>
    tpu.wait_dma2 semaphore(%arg7 : memref<!tpu.dma_semaphore, #tpu.memory_space<semaphore_mem>>) src(%dma_wait3A_57 : memref<64x256xf32, #tpu.memory_space<hbm>>) dst(%dma_wait3A_55 : memref<64x256xf32, #tpu.memory_space<vmem>>)
    %scan3A_58 = arith.constant 0 : i32
    %scan3A_59 = arith.constant 8 : i32
    %scan3A_60 = arith.constant 8 : i32
    %scan3A_61 = arith.addi %scan3A_59, %scan3A_60 : i32
    %scan3A_62 = arith.constant 1 : i32
    scf.for %scan3A_64 = %scan3A_59 to %scan3A_61 step %scan3A_62  : i32 {
      %mul3A_65 = arith.constant 2 : i32
      %mul3A_66 = arith.muli %mul3A_65, %scan3A_64 : i32
      %mul3A_67 = arith.constant 16 : i32
      %mul3A_68 = arith.muli %mul3A_66, %mul3A_67 : i32
      %get3A = arith.constant 0 : i32
      %get3A_69 = arith.index_cast %get3A : i32 to index
      %get3A_70 = arith.index_cast %mul3A_68 : i32 to index
      %get3A_71 = tpu.vector_load %arg4[%get3A_69, %get3A_70] {strides = array<i32>} : memref<64x512xf32, #tpu.memory_space<vmem>>, vector<16xf32>,
      %mul3A_72 = arith.constant 16 : i32
      %mul3A_73 = arith.muli %mul3A_66, %mul3A_72 : i32
      %get3A_74 = arith.constant 1 : i32
      %get3A_75 = arith.index_cast %get3A_74 : i32 to index
      %get3A_76 = arith.index_cast %mul3A_73 : i32 to index
      %get3A_77 = tpu.vector_load %arg4[%get3A_75, %get3A_76] {strides = array<i32>} : memref<64x512xf32, #tpu.memory_space<vmem>>, vector<16xf32>,
      %mul3A_78 = arith.constant 16 : i32
      %mul3A_79 = arith.muli %mul3A_66, %mul3A_78 : i32
      %get3A_80 = arith.constant 2 : i32
      %get3A_81 = arith.index_cast %get3A_80 : i32 to index
      %get3A_82 = arith.index_cast %mul3A_79 : i32 to index
      %get3A_83 = tpu.vector_load %arg4[%get3A_81, %get3A_82] {strides = array<i32>} : memref<64x512xf32, #tpu.memory_space<vmem>>, vector<16xf32>,
      %mul3A_84 = arith.constant 16 : i32
      %mul3A_85 = arith.muli %mul3A_66, %mul3A_84 : i32
      %get3A_86 = arith.constant 3 : i32
      %get3A_87 = arith.index_cast %get3A_86 : i32 to index
      %get3A_88 = arith.index_cast %mul3A_85 : i32 to index
      %get3A_89 = tpu.vector_load %arg4[%get3A_87, %get3A_88] {strides = array<i32>} : memref<64x512xf32, #tpu.memory_space<vmem>>, vector<16xf32>,
      %mul3A_90 = arith.constant 16 : i32
      %mul3A_91 = arith.muli %mul3A_66, %mul3A_90 : i32
      %get3A_92 = arith.constant 4 : i32
      %get3A_93 = arith.index_cast %get3A_92 : i32 to index
      %get3A_94 = arith.index_cast %mul3A_91 : i32 to index
      %get3A_95 = tpu.vector_load %arg4[%get3A_93, %get3A_94] {strides = array<i32>} : memref<64x512xf32, #tpu.memory_space<vmem>>, vector<16xf32>,
      %mul3A_96 = arith.constant 16 : i32
      %mul3A_97 = arith.muli %mul3A_66, %mul3A_96 : i32
      %get3A_98 = arith.constant 5 : i32
      %get3A_99 = arith.index_cast %get3A_98 : i32 to index
      %get3A_100 = arith.index_cast %mul3A_97 : i32 to index
      %get3A_101 = tpu.vector_load %arg4[%get3A_99, %get3A_100] {strides = array<i32>} : memref<64x512xf32, #tpu.memory_space<vmem>>, vector<16xf32>,
      %mul3A_102 = arith.constant 16 : i32
      %mul3A_103 = arith.muli %mul3A_66, %mul3A_102 : i32
      %get3A_104 = arith.constant 6 : i32
      %get3A_105 = arith.index_cast %get3A_104 : i32 to index
      %get3A_106 = arith.index_cast %mul3A_103 : i32 to index
      %get3A_107 = tpu.vector_load %arg4[%get3A_105, %get3A_106] {strides = array<i32>} : memref<64x512xf32, #tpu.memory_space<vmem>>, vector<16xf32>,
      %mul3A_108 = arith.constant 16 : i32
      %mul3A_109 = arith.muli %mul3A_66, %mul3A_108 : i32
      %get3A_110 = arith.constant 7 : i32
      %get3A_111 = arith.index_cast %get3A_110 : i32 to index
      %get3A_112 = arith.index_cast %mul3A_109 : i32 to index
      %get3A_113 = tpu.vector_load %arg4[%get3A_111, %get3A_112] {strides = array<i32>} : memref<64x512xf32, #tpu.memory_space<vmem>>, vector<16xf32>,
      %mul3A_114 = arith.constant 16 : i32
      %mul3A_115 = arith.muli %mul3A_66, %mul3A_114 : i32
      %get3A_116 = arith.constant 8 : i32
      %get3A_117 = arith.index_cast %get3A_116 : i32 to index
      %get3A_118 = arith.index_cast %mul3A_115 : i32 to index
      %get3A_119 = tpu.vector_load %arg4[%get3A_117, %get3A_118] {strides = array<i32>} : memref<64x512xf32, #tpu.memory_space<vmem>>, vector<16xf32>,
      %mul3A_120 = arith.constant 16 : i32
      %mul3A_121 = arith.muli %mul3A_66, %mul3A_120 : i32
      %get3A_122 = arith.constant 9 : i32
      %get3A_123 = arith.index_cast %get3A_122 : i32 to index
      %get3A_124 = arith.index_cast %mul3A_121 : i32 to index
      %get3A_125 = tpu.vector_load %arg4[%get3A_123, %get3A_124] {strides = array<i32>} : memref<64x512xf32, #tpu.memory_space<vmem>>, vector<16xf32>,
      %mul3A_126 = arith.constant 16 : i32
      %mul3A_127 = arith.muli %mul3A_66, %mul3A_126 : i32
      %get3A_128 = arith.constant 10 : i32
      %get3A_129 = arith.index_cast %get3A_128 : i32 to index
      %get3A_130 = arith.index_cast %mul3A_127 : i32 to index
      %get3A_131 = tpu.vector_load %arg4[%get3A_129, %get3A_130] {strides = array<i32>} : memref<64x512xf32, #tpu.memory_space<vmem>>, vector<16xf32>,
      %mul3A_132 = arith.constant 16 : i32
      %mul3A_133 = arith.muli %mul3A_66, %mul3A_132 : i32
      %get3A_134 = arith.constant 11 : i32
      %get3A_135 = arith.index_cast %get3A_134 : i32 to index
      %get3A_136 = arith.index_cast %mul3A_133 : i32 to index
      %get3A_137 = tpu.vector_load %arg4[%get3A_135, %get3A_136] {strides = array<i32>} : memref<64x512xf32, #tpu.memory_space<vmem>>, vector<16xf32>,
      %mul3A_138 = arith.constant 16 : i32
      %mul3A_139 = arith.muli %mul3A_66, %mul3A_138 : i32
      %get3A_140 = arith.constant 12 : i32
      %get3A_141 = arith.index_cast %get3A_140 : i32 to index
      %get3A_142 = arith.index_cast %mul3A_139 : i32 to index
      %get3A_143 = tpu.vector_load %arg4[%get3A_141, %get3A_142] {strides = array<i32>} : memref<64x512xf32, #tpu.memory_space<vmem>>, vector<16xf32>,
      %mul3A_144 = arith.constant 16 : i32
      %mul3A_145 = arith.muli %mul3A_66, %mul3A_144 : i32
      %get3A_146 = arith.constant 13 : i32
      %get3A_147 = arith.index_cast %get3A_146 : i32 to index
      %get3A_148 = arith.index_cast %mul3A_145 : i32 to index
      %get3A_149 = tpu.vector_load %arg4[%get3A_147, %get3A_148] {strides = array<i32>} : memref<64x512xf32, #tpu.memory_space<vmem>>, vector<16xf32>,
      %mul3A_150 = arith.constant 16 : i32
      %mul3A_151 = arith.muli %mul3A_66, %mul3A_150 : i32
      %get3A_152 = arith.constant 14 : i32
      %get3A_153 = arith.index_cast %get3A_152 : i32 to index
      %get3A_154 = arith.index_cast %mul3A_151 : i32 to index
      %get3A_155 = tpu.vector_load %arg4[%get3A_153, %get3A_154] {strides = array<i32>} : memref<64x512xf32, #tpu.memory_space<vmem>>, vector<16xf32>,
      %mul3A_156 = arith.constant 16 : i32
      %mul3A_157 = arith.muli %mul3A_66, %mul3A_156 : i32
      %get3A_158 = arith.constant 15 : i32
      %get3A_159 = arith.index_cast %get3A_158 : i32 to index
      %get3A_160 = arith.index_cast %mul3A_157 : i32 to index
      %get3A_161 = tpu.vector_load %arg4[%get3A_159, %get3A_160] {strides = array<i32>} : memref<64x512xf32, #tpu.memory_space<vmem>>, vector<16xf32>,
      %mul3A_162 = arith.constant 16 : i32
      %mul3A_163 = arith.muli %mul3A_66, %mul3A_162 : i32
      %get3A_164 = arith.constant 16 : i32
      %get3A_165 = arith.index_cast %get3A_164 : i32 to index
      %get3A_166 = arith.index_cast %mul3A_163 : i32 to index
      %get3A_167 = tpu.vector_load %arg4[%get3A_165, %get3A_166] {strides = array<i32>} : memref<64x512xf32, #tpu.memory_space<vmem>>, vector<16xf32>,
      %mul3A_168 = arith.constant 16 : i32
      %mul3A_169 = arith.muli %mul3A_66, %mul3A_168 : i32
      %get3A_170 = arith.constant 17 : i32
      %get3A_171 = arith.index_cast %get3A_170 : i32 to index
      %get3A_172 = arith.index_cast %mul3A_169 : i32 to index
      %get3A_173 = tpu.vector_load %arg4[%get3A_171, %get3A_172] {strides = array<i32>} : memref<64x512xf32, #tpu.memory_space<vmem>>, vector<16xf32>,
      %mul3A_174 = arith.constant 16 : i32
      %mul3A_175 = arith.muli %mul3A_66, %mul3A_174 : i32
      %get3A_176 = arith.constant 18 : i32
      %get3A_177 = arith.index_cast %get3A_176 : i32 to index
      %get3A_178 = arith.index_cast %mul3A_175 : i32 to index
      %get3A_179 = tpu.vector_load %arg4[%get3A_177, %get3A_178] {strides = array<i32>} : memref<64x512xf32, #tpu.memory_space<vmem>>, vector<16xf32>,
      %mul3A_180 = arith.constant 16 : i32
      %mul3A_181 = arith.muli %mul3A_66, %mul3A_180 : i32
      %get3A_182 = arith.constant 19 : i32
      %get3A_183 = arith.index_cast %get3A_182 : i32 to index
      %get3A_184 = arith.index_cast %mul3A_181 : i32 to index
      %get3A_185 = tpu.vector_load %arg4[%get3A_183, %get3A_184] {strides = array<i32>} : memref<64x512xf32, #tpu.memory_space<vmem>>, vector<16xf32>,
      %mul3A_186 = arith.constant 16 : i32
      %mul3A_187 = arith.muli %mul3A_66, %mul3A_186 : i32
      %get3A_188 = arith.constant 20 : i32
      %get3A_189 = arith.index_cast %get3A_188 : i32 to index
      %get3A_190 = arith.index_cast %mul3A_187 : i32 to index
      %get3A_191 = tpu.vector_load %arg4[%get3A_189, %get3A_190] {strides = array<i32>} : memref<64x512xf32, #tpu.memory_space<vmem>>, vector<16xf32>,
      %mul3A_192 = arith.constant 16 : i32
      %mul3A_193 = arith.muli %mul3A_66, %mul3A_192 : i32
      %get3A_194 = arith.constant 21 : i32
      %get3A_195 = arith.index_cast %get3A_194 : i32 to index
      %get3A_196 = arith.index_cast %mul3A_193 : i32 to index
      %get3A_197 = tpu.vector_load %arg4[%get3A_195, %get3A_196] {strides = array<i32>} : memref<64x512xf32, #tpu.memory_space<vmem>>, vector<16xf32>,
      %mul3A_198 = arith.constant 16 : i32
      %mul3A_199 = arith.muli %mul3A_66, %mul3A_198 : i32
      %get3A_200 = arith.constant 22 : i32
      %get3A_201 = arith.index_cast %get3A_200 : i32 to index
      %get3A_202 = arith.index_cast %mul3A_199 : i32 to index
      %get3A_203 = tpu.vector_load %arg4[%get3A_201, %get3A_202] {strides = array<i32>} : memref<64x512xf32, #tpu.memory_space<vmem>>, vector<16xf32>,
      %mul3A_204 = arith.constant 16 : i32
      %mul3A_205 = arith.muli %mul3A_66, %mul3A_204 : i32
      %get3A_206 = arith.constant 23 : i32
      %get3A_207 = arith.index_cast %get3A_206 : i32 to index
      %get3A_208 = arith.index_cast %mul3A_205 : i32 to index
      %get3A_209 = tpu.vector_load %arg4[%get3A_207, %get3A_208] {strides = array<i32>} : memref<64x512xf32, #tpu.memory_space<vmem>>, vector<16xf32>,
      %mul3A_210 = arith.constant 16 : i32
      %mul3A_211 = arith.muli %mul3A_66, %mul3A_210 : i32
      %get3A_212 = arith.constant 24 : i32
      %get3A_213 = arith.index_cast %get3A_212 : i32 to index
      %get3A_214 = arith.index_cast %mul3A_211 : i32 to index
      %get3A_215 = tpu.vector_load %arg4[%get3A_213, %get3A_214] {strides = array<i32>} : memref<64x512xf32, #tpu.memory_space<vmem>>, vector<16xf32>,
      %mul3A_216 = arith.constant 16 : i32
      %mul3A_217 = arith.muli %mul3A_66, %mul3A_216 : i32
      %get3A_218 = arith.constant 25 : i32
      %get3A_219 = arith.index_cast %get3A_218 : i32 to index
      %get3A_220 = arith.index_cast %mul3A_217 : i32 to index
      %get3A_221 = tpu.vector_load %arg4[%get3A_219, %get3A_220] {strides = array<i32>} : memref<64x512xf32, #tpu.memory_space<vmem>>, vector<16xf32>,
      %mul3A_222 = arith.constant 16 : i32
      %mul3A_223 = arith.muli %mul3A_66, %mul3A_222 : i32
      %get3A_224 = arith.constant 26 : i32
      %get3A_225 = arith.index_cast %get3A_224 : i32 to index
      %get3A_226 = arith.index_cast %mul3A_223 : i32 to index
      %get3A_227 = tpu.vector_load %arg4[%get3A_225, %get3A_226] {strides = array<i32>} : memref<64x512xf32, #tpu.memory_space<vmem>>, vector<16xf32>,
      %mul3A_228 = arith.constant 16 : i32
      %mul3A_229 = arith.muli %mul3A_66, %mul3A_228 : i32
      %get3A_230 = arith.constant 27 : i32
      %get3A_231 = arith.index_cast %get3A_230 : i32 to index
      %get3A_232 = arith.index_cast %mul3A_229 : i32 to index
      %get3A_233 = tpu.vector_load %arg4[%get3A_231, %get3A_232] {strides = array<i32>} : memref<64x512xf32, #tpu.memory_space<vmem>>, vector<16xf32>,
      %mul3A_234 = arith.constant 16 : i32
      %mul3A_235 = arith.muli %mul3A_66, %mul3A_234 : i32
      %get3A_236 = arith.constant 28 : i32
      %get3A_237 = arith.index_cast %get3A_236 : i32 to index
      %get3A_238 = arith.index_cast %mul3A_235 : i32 to index
      %get3A_239 = tpu.vector_load %arg4[%get3A_237, %get3A_238] {strides = array<i32>} : memref<64x512xf32, #tpu.memory_space<vmem>>, vector<16xf32>,
      %mul3A_240 = arith.constant 16 : i32
      %mul3A_241 = arith.muli %mul3A_66, %mul3A_240 : i32
      %get3A_242 = arith.constant 29 : i32
      %get3A_243 = arith.index_cast %get3A_242 : i32 to index
      %get3A_244 = arith.index_cast %mul3A_241 : i32 to index
      %get3A_245 = tpu.vector_load %arg4[%get3A_243, %get3A_244] {strides = array<i32>} : memref<64x512xf32, #tpu.memory_space<vmem>>, vector<16xf32>,
      %mul3A_246 = arith.constant 16 : i32
      %mul3A_247 = arith.muli %mul3A_66, %mul3A_246 : i32
      %get3A_248 = arith.constant 30 : i32
      %get3A_249 = arith.index_cast %get3A_248 : i32 to index
      %get3A_250 = arith.index_cast %mul3A_247 : i32 to index
      %get3A_251 = tpu.vector_load %arg4[%get3A_249, %get3A_250] {strides = array<i32>} : memref<64x512xf32, #tpu.memory_space<vmem>>, vector<16xf32>,
      %mul3A_252 = arith.constant 16 : i32
      %mul3A_253 = arith.muli %mul3A_66, %mul3A_252 : i32
      %get3A_254 = arith.constant 31 : i32
      %get3A_255 = arith.index_cast %get3A_254 : i32 to index
      %get3A_256 = arith.index_cast %mul3A_253 : i32 to index
      %get3A_257 = tpu.vector_load %arg4[%get3A_255, %get3A_256] {strides = array<i32>} : memref<64x512xf32, #tpu.memory_space<vmem>>, vector<16xf32>,
      %mul3A_258 = arith.constant 16 : i32
      %mul3A_259 = arith.muli %mul3A_66, %mul3A_258 : i32
      %get3A_260 = arith.constant 32 : i32
      %get3A_261 = arith.index_cast %get3A_260 : i32 to index
      %get3A_262 = arith.index_cast %mul3A_259 : i32 to index
      %get3A_263 = tpu.vector_load %arg4[%get3A_261, %get3A_262] {strides = array<i32>} : memref<64x512xf32, #tpu.memory_space<vmem>>, vector<16xf32>,
      %mul3A_264 = arith.constant 16 : i32
      %mul3A_265 = arith.muli %mul3A_66, %mul3A_264 : i32
      %get3A_266 = arith.constant 33 : i32
      %get3A_267 = arith.index_cast %get3A_266 : i32 to index
      %get3A_268 = arith.index_cast %mul3A_265 : i32 to index
      %get3A_269 = tpu.vector_load %arg4[%get3A_267, %get3A_268] {strides = array<i32>} : memref<64x512xf32, #tpu.memory_space<vmem>>, vector<16xf32>,
      %mul3A_270 = arith.constant 16 : i32
      %mul3A_271 = arith.muli %mul3A_66, %mul3A_270 : i32
      %get3A_272 = arith.constant 34 : i32
      %get3A_273 = arith.index_cast %get3A_272 : i32 to index
      %get3A_274 = arith.index_cast %mul3A_271 : i32 to index
      %get3A_275 = tpu.vector_load %arg4[%get3A_273, %get3A_274] {strides = array<i32>} : memref<64x512xf32, #tpu.memory_space<vmem>>, vector<16xf32>,
      %mul3A_276 = arith.constant 16 : i32
      %mul3A_277 = arith.muli %mul3A_66, %mul3A_276 : i32
      %get3A_278 = arith.constant 35 : i32
      %get3A_279 = arith.index_cast %get3A_278 : i32 to index
      %get3A_280 = arith.index_cast %mul3A_277 : i32 to index
      %get3A_281 = tpu.vector_load %arg4[%get3A_279, %get3A_280] {strides = array<i32>} : memref<64x512xf32, #tpu.memory_space<vmem>>, vector<16xf32>,
      %mul3A_282 = arith.constant 16 : i32
      %mul3A_283 = arith.muli %mul3A_66, %mul3A_282 : i32
      %get3A_284 = arith.constant 36 : i32
      %get3A_285 = arith.index_cast %get3A_284 : i32 to index
      %get3A_286 = arith.index_cast %mul3A_283 : i32 to index
      %get3A_287 = tpu.vector_load %arg4[%get3A_285, %get3A_286] {strides = array<i32>} : memref<64x512xf32, #tpu.memory_space<vmem>>, vector<16xf32>,
      %mul3A_288 = arith.constant 16 : i32
      %mul3A_289 = arith.muli %mul3A_66, %mul3A_288 : i32
      %get3A_290 = arith.constant 37 : i32
      %get3A_291 = arith.index_cast %get3A_290 : i32 to index
      %get3A_292 = arith.index_cast %mul3A_289 : i32 to index
      %get3A_293 = tpu.vector_load %arg4[%get3A_291, %get3A_292] {strides = array<i32>} : memref<64x512xf32, #tpu.memory_space<vmem>>, vector<16xf32>,
      %mul3A_294 = arith.constant 16 : i32
      %mul3A_295 = arith.muli %mul3A_66, %mul3A_294 : i32
      %get3A_296 = arith.constant 38 : i32
      %get3A_297 = arith.index_cast %get3A_296 : i32 to index
      %get3A_298 = arith.index_cast %mul3A_295 : i32 to index
      %get3A_299 = tpu.vector_load %arg4[%get3A_297, %get3A_298] {strides = array<i32>} : memref<64x512xf32, #tpu.memory_space<vmem>>, vector<16xf32>,
      %mul3A_300 = arith.constant 16 : i32
      %mul3A_301 = arith.muli %mul3A_66, %mul3A_300 : i32
      %get3A_302 = arith.constant 39 : i32
      %get3A_303 = arith.index_cast %get3A_302 : i32 to index
      %get3A_304 = arith.index_cast %mul3A_301 : i32 to index
      %get3A_305 = tpu.vector_load %arg4[%get3A_303, %get3A_304] {strides = array<i32>} : memref<64x512xf32, #tpu.memory_space<vmem>>, vector<16xf32>,
      %mul3A_306 = arith.constant 16 : i32
      %mul3A_307 = arith.muli %mul3A_66, %mul3A_306 : i32
      %get3A_308 = arith.constant 40 : i32
      %get3A_309 = arith.index_cast %get3A_308 : i32 to index
      %get3A_310 = arith.index_cast %mul3A_307 : i32 to index
      %get3A_311 = tpu.vector_load %arg4[%get3A_309, %get3A_310] {strides = array<i32>} : memref<64x512xf32, #tpu.memory_space<vmem>>, vector<16xf32>,
      %mul3A_312 = arith.constant 16 : i32
      %mul3A_313 = arith.muli %mul3A_66, %mul3A_312 : i32
      %get3A_314 = arith.constant 41 : i32
      %get3A_315 = arith.index_cast %get3A_314 : i32 to index
      %get3A_316 = arith.index_cast %mul3A_313 : i32 to index
      %get3A_317 = tpu.vector_load %arg4[%get3A_315, %get3A_316] {strides = array<i32>} : memref<64x512xf32, #tpu.memory_space<vmem>>, vector<16xf32>,
      %mul3A_318 = arith.constant 16 : i32
      %mul3A_319 = arith.muli %mul3A_66, %mul3A_318 : i32
      %get3A_320 = arith.constant 42 : i32
      %get3A_321 = arith.index_cast %get3A_320 : i32 to index
      %get3A_322 = arith.index_cast %mul3A_319 : i32 to index
      %get3A_323 = tpu.vector_load %arg4[%get3A_321, %get3A_322] {strides = array<i32>} : memref<64x512xf32, #tpu.memory_space<vmem>>, vector<16xf32>,
      %mul3A_324 = arith.constant 16 : i32
      %mul3A_325 = arith.muli %mul3A_66, %mul3A_324 : i32
      %get3A_326 = arith.constant 43 : i32
      %get3A_327 = arith.index_cast %get3A_326 : i32 to index
      %get3A_328 = arith.index_cast %mul3A_325 : i32 to index
      %get3A_329 = tpu.vector_load %arg4[%get3A_327, %get3A_328] {strides = array<i32>} : memref<64x512xf32, #tpu.memory_space<vmem>>, vector<16xf32>,
      %mul3A_330 = arith.constant 16 : i32
      %mul3A_331 = arith.muli %mul3A_66, %mul3A_330 : i32
      %get3A_332 = arith.constant 44 : i32
      %get3A_333 = arith.index_cast %get3A_332 : i32 to index
      %get3A_334 = arith.index_cast %mul3A_331 : i32 to index
      %get3A_335 = tpu.vector_load %arg4[%get3A_333, %get3A_334] {strides = array<i32>} : memref<64x512xf32, #tpu.memory_space<vmem>>, vector<16xf32>,
      %mul3A_336 = arith.constant 16 : i32
      %mul3A_337 = arith.muli %mul3A_66, %mul3A_336 : i32
      %get3A_338 = arith.constant 45 : i32
      %get3A_339 = arith.index_cast %get3A_338 : i32 to index
      %get3A_340 = arith.index_cast %mul3A_337 : i32 to index
      %get3A_341 = tpu.vector_load %arg4[%get3A_339, %get3A_340] {strides = array<i32>} : memref<64x512xf32, #tpu.memory_space<vmem>>, vector<16xf32>,
      %mul3A_342 = arith.constant 16 : i32
      %mul3A_343 = arith.muli %mul3A_66, %mul3A_342 : i32
      %get3A_344 = arith.constant 46 : i32
      %get3A_345 = arith.index_cast %get3A_344 : i32 to index
      %get3A_346 = arith.index_cast %mul3A_343 : i32 to index
      %get3A_347 = tpu.vector_load %arg4[%get3A_345, %get3A_346] {strides = array<i32>} : memref<64x512xf32, #tpu.memory_space<vmem>>, vector<16xf32>,
      %mul3A_348 = arith.constant 16 : i32
      %mul3A_349 = arith.muli %mul3A_66, %mul3A_348 : i32
      %get3A_350 = arith.constant 47 : i32
      %get3A_351 = arith.index_cast %get3A_350 : i32 to index
      %get3A_352 = arith.index_cast %mul3A_349 : i32 to index
      %get3A_353 = tpu.vector_load %arg4[%get3A_351, %get3A_352] {strides = array<i32>} : memref<64x512xf32, #tpu.memory_space<vmem>>, vector<16xf32>,
      %mul3A_354 = arith.constant 16 : i32
      %mul3A_355 = arith.muli %mul3A_66, %mul3A_354 : i32
      %get3A_356 = arith.constant 48 : i32
      %get3A_357 = arith.index_cast %get3A_356 : i32 to index
      %get3A_358 = arith.index_cast %mul3A_355 : i32 to index
      %get3A_359 = tpu.vector_load %arg4[%get3A_357, %get3A_358] {strides = array<i32>} : memref<64x512xf32, #tpu.memory_space<vmem>>, vector<16xf32>,
      %mul3A_360 = arith.constant 16 : i32
      %mul3A_361 = arith.muli %mul3A_66, %mul3A_360 : i32
      %get3A_362 = arith.constant 49 : i32
      %get3A_363 = arith.index_cast %get3A_362 : i32 to index
      %get3A_364 = arith.index_cast %mul3A_361 : i32 to index
      %get3A_365 = tpu.vector_load %arg4[%get3A_363, %get3A_364] {strides = array<i32>} : memref<64x512xf32, #tpu.memory_space<vmem>>, vector<16xf32>,
      %mul3A_366 = arith.constant 16 : i32
      %mul3A_367 = arith.muli %mul3A_66, %mul3A_366 : i32
      %get3A_368 = arith.constant 50 : i32
      %get3A_369 = arith.index_cast %get3A_368 : i32 to index
      %get3A_370 = arith.index_cast %mul3A_367 : i32 to index
      %get3A_371 = tpu.vector_load %arg4[%get3A_369, %get3A_370] {strides = array<i32>} : memref<64x512xf32, #tpu.memory_space<vmem>>, vector<16xf32>,
      %mul3A_372 = arith.constant 16 : i32
      %mul3A_373 = arith.muli %mul3A_66, %mul3A_372 : i32
      %get3A_374 = arith.constant 51 : i32
      %get3A_375 = arith.index_cast %get3A_374 : i32 to index
      %get3A_376 = arith.index_cast %mul3A_373 : i32 to index
      %get3A_377 = tpu.vector_load %arg4[%get3A_375, %get3A_376] {strides = array<i32>} : memref<64x512xf32, #tpu.memory_space<vmem>>, vector<16xf32>,
      %mul3A_378 = arith.constant 16 : i32
      %mul3A_379 = arith.muli %mul3A_66, %mul3A_378 : i32
      %get3A_380 = arith.constant 52 : i32
      %get3A_381 = arith.index_cast %get3A_380 : i32 to index
      %get3A_382 = arith.index_cast %mul3A_379 : i32 to index
      %get3A_383 = tpu.vector_load %arg4[%get3A_381, %get3A_382] {strides = array<i32>} : memref<64x512xf32, #tpu.memory_space<vmem>>, vector<16xf32>,
      %mul3A_384 = arith.constant 16 : i32
      %mul3A_385 = arith.muli %mul3A_66, %mul3A_384 : i32
      %get3A_386 = arith.constant 53 : i32
      %get3A_387 = arith.index_cast %get3A_386 : i32 to index
      %get3A_388 = arith.index_cast %mul3A_385 : i32 to index
      %get3A_389 = tpu.vector_load %arg4[%get3A_387, %get3A_388] {strides = array<i32>} : memref<64x512xf32, #tpu.memory_space<vmem>>, vector<16xf32>,
      %mul3A_390 = arith.constant 16 : i32
      %mul3A_391 = arith.muli %mul3A_66, %mul3A_390 : i32
      %get3A_392 = arith.constant 54 : i32
      %get3A_393 = arith.index_cast %get3A_392 : i32 to index
      %get3A_394 = arith.index_cast %mul3A_391 : i32 to index
      %get3A_395 = tpu.vector_load %arg4[%get3A_393, %get3A_394] {strides = array<i32>} : memref<64x512xf32, #tpu.memory_space<vmem>>, vector<16xf32>,
      %mul3A_396 = arith.constant 16 : i32
      %mul3A_397 = arith.muli %mul3A_66, %mul3A_396 : i32
      %get3A_398 = arith.constant 55 : i32
      %get3A_399 = arith.index_cast %get3A_398 : i32 to index
      %get3A_400 = arith.index_cast %mul3A_397 : i32 to index
      %get3A_401 = tpu.vector_load %arg4[%get3A_399, %get3A_400] {strides = array<i32>} : memref<64x512xf32, #tpu.memory_space<vmem>>, vector<16xf32>,
      %mul3A_402 = arith.constant 16 : i32
      %mul3A_403 = arith.muli %mul3A_66, %mul3A_402 : i32
      %get3A_404 = arith.constant 56 : i32
      %get3A_405 = arith.index_cast %get3A_404 : i32 to index
      %get3A_406 = arith.index_cast %mul3A_403 : i32 to index
      %get3A_407 = tpu.vector_load %arg4[%get3A_405, %get3A_406] {strides = array<i32>} : memref<64x512xf32, #tpu.memory_space<vmem>>, vector<16xf32>,
      %mul3A_408 = arith.constant 16 : i32
      %mul3A_409 = arith.muli %mul3A_66, %mul3A_408 : i32
      %get3A_410 = arith.constant 57 : i32
      %get3A_411 = arith.index_cast %get3A_410 : i32 to index
      %get3A_412 = arith.index_cast %mul3A_409 : i32 to index
      %get3A_413 = tpu.vector_load %arg4[%get3A_411, %get3A_412] {strides = array<i32>} : memref<64x512xf32, #tpu.memory_space<vmem>>, vector<16xf32>,
      %mul3A_414 = arith.constant 16 : i32
      %mul3A_415 = arith.muli %mul3A_66, %mul3A_414 : i32
      %get3A_416 = arith.constant 58 : i32
      %get3A_417 = arith.index_cast %get3A_416 : i32 to index
      %get3A_418 = arith.index_cast %mul3A_415 : i32 to index
      %get3A_419 = tpu.vector_load %arg4[%get3A_417, %get3A_418] {strides = array<i32>} : memref<64x512xf32, #tpu.memory_space<vmem>>, vector<16xf32>,
      %mul3A_420 = arith.constant 16 : i32
      %mul3A_421 = arith.muli %mul3A_66, %mul3A_420 : i32
      %get3A_422 = arith.constant 59 : i32
      %get3A_423 = arith.index_cast %get3A_422 : i32 to index
      %get3A_424 = arith.index_cast %mul3A_421 : i32 to index
      %get3A_425 = tpu.vector_load %arg4[%get3A_423, %get3A_424] {strides = array<i32>} : memref<64x512xf32, #tpu.memory_space<vmem>>, vector<16xf32>,
      %mul3A_426 = arith.constant 16 : i32
      %mul3A_427 = arith.muli %mul3A_66, %mul3A_426 : i32
      %get3A_428 = arith.constant 60 : i32
      %get3A_429 = arith.index_cast %get3A_428 : i32 to index
      %get3A_430 = arith.index_cast %mul3A_427 : i32 to index
      %get3A_431 = tpu.vector_load %arg4[%get3A_429, %get3A_430] {strides = array<i32>} : memref<64x512xf32, #tpu.memory_space<vmem>>, vector<16xf32>,
      %mul3A_432 = arith.constant 16 : i32
      %mul3A_433 = arith.muli %mul3A_66, %mul3A_432 : i32
      %get3A_434 = arith.constant 61 : i32
      %get3A_435 = arith.index_cast %get3A_434 : i32 to index
      %get3A_436 = arith.index_cast %mul3A_433 : i32 to index
      %get3A_437 = tpu.vector_load %arg4[%get3A_435, %get3A_436] {strides = array<i32>} : memref<64x512xf32, #tpu.memory_space<vmem>>, vector<16xf32>,
      %mul3A_438 = arith.constant 16 : i32
      %mul3A_439 = arith.muli %mul3A_66, %mul3A_438 : i32
      %get3A_440 = arith.constant 62 : i32
      %get3A_441 = arith.index_cast %get3A_440 : i32 to index
      %get3A_442 = arith.index_cast %mul3A_439 : i32 to index
      %get3A_443 = tpu.vector_load %arg4[%get3A_441, %get3A_442] {strides = array<i32>} : memref<64x512xf32, #tpu.memory_space<vmem>>, vector<16xf32>,
      %mul3A_444 = arith.constant 16 : i32
      %mul3A_445 = arith.muli %mul3A_66, %mul3A_444 : i32
      %get3A_446 = arith.constant 63 : i32
      %get3A_447 = arith.index_cast %get3A_446 : i32 to index
      %get3A_448 = arith.index_cast %mul3A_445 : i32 to index
      %get3A_449 = tpu.vector_load %arg4[%get3A_447, %get3A_448] {strides = array<i32>} : memref<64x512xf32, #tpu.memory_space<vmem>>, vector<16xf32>,
      %broadcast_in_dim3A_450 = arith.constant 0 : i32
      %broadcast_in_dim3A_451 = vector.broadcast %broadcast_in_dim3A_450 : i32 to vector<16xi32>
      %broadcast_in_dim3A_452 = arith.constant 1 : i32
      %broadcast_in_dim3A_453 = vector.broadcast %broadcast_in_dim3A_452 : i32 to vector<16xi32>
      %broadcast_in_dim3A_454 = arith.constant 2 : i32
      %broadcast_in_dim3A_455 = vector.broadcast %broadcast_in_dim3A_454 : i32 to vector<16xi32>
      %broadcast_in_dim3A_456 = arith.constant 3 : i32
      %broadcast_in_dim3A_457 = vector.broadcast %broadcast_in_dim3A_456 : i32 to vector<16xi32>
      %broadcast_in_dim3A_458 = arith.constant 4 : i32
      %broadcast_in_dim3A_459 = vector.broadcast %broadcast_in_dim3A_458 : i32 to vector<16xi32>
      %broadcast_in_dim3A_460 = arith.constant 5 : i32
      %broadcast_in_dim3A_461 = vector.broadcast %broadcast_in_dim3A_460 : i32 to vector<16xi32>
      %broadcast_in_dim3A_462 = arith.constant 6 : i32
      %broadcast_in_dim3A_463 = vector.broadcast %broadcast_in_dim3A_462 : i32 to vector<16xi32>
      %broadcast_in_dim3A_464 = arith.constant 7 : i32
      %broadcast_in_dim3A_465 = vector.broadcast %broadcast_in_dim3A_464 : i32 to vector<16xi32>
      %broadcast_in_dim3A_466 = arith.constant 8 : i32
      %broadcast_in_dim3A_467 = vector.broadcast %broadcast_in_dim3A_466 : i32 to vector<16xi32>
      %broadcast_in_dim3A_468 = arith.constant 9 : i32
      %broadcast_in_dim3A_469 = vector.broadcast %broadcast_in_dim3A_468 : i32 to vector<16xi32>
      %broadcast_in_dim3A_470 = arith.constant 10 : i32
      %broadcast_in_dim3A_471 = vector.broadcast %broadcast_in_dim3A_470 : i32 to vector<16xi32>
      %broadcast_in_dim3A_472 = arith.constant 11 : i32
      %broadcast_in_dim3A_473 = vector.broadcast %broadcast_in_dim3A_472 : i32 to vector<16xi32>
      %broadcast_in_dim3A_474 = arith.constant 12 : i32
      %broadcast_in_dim3A_475 = vector.broadcast %broadcast_in_dim3A_474 : i32 to vector<16xi32>
      %broadcast_in_dim3A_476 = arith.constant 13 : i32
      %broadcast_in_dim3A_477 = vector.broadcast %broadcast_in_dim3A_476 : i32 to vector<16xi32>
      %broadcast_in_dim3A_478 = arith.constant 14 : i32
      %broadcast_in_dim3A_479 = vector.broadcast %broadcast_in_dim3A_478 : i32 to vector<16xi32>
      %broadcast_in_dim3A_480 = arith.constant 15 : i32
      %broadcast_in_dim3A_481 = vector.broadcast %broadcast_in_dim3A_480 : i32 to vector<16xi32>
      %broadcast_in_dim3A_482 = arith.constant 16 : i32
      %broadcast_in_dim3A_483 = vector.broadcast %broadcast_in_dim3A_482 : i32 to vector<16xi32>
      %broadcast_in_dim3A_484 = arith.constant 17 : i32
      %broadcast_in_dim3A_485 = vector.broadcast %broadcast_in_dim3A_484 : i32 to vector<16xi32>
      %broadcast_in_dim3A_486 = arith.constant 18 : i32
      %broadcast_in_dim3A_487 = vector.broadcast %broadcast_in_dim3A_486 : i32 to vector<16xi32>
      %broadcast_in_dim3A_488 = arith.constant 19 : i32
      %broadcast_in_dim3A_489 = vector.broadcast %broadcast_in_dim3A_488 : i32 to vector<16xi32>
      %broadcast_in_dim3A_490 = arith.constant 20 : i32
      %broadcast_in_dim3A_491 = vector.broadcast %broadcast_in_dim3A_490 : i32 to vector<16xi32>
      %broadcast_in_dim3A_492 = arith.constant 21 : i32
      %broadcast_in_dim3A_493 = vector.broadcast %broadcast_in_dim3A_492 : i32 to vector<16xi32>
      %broadcast_in_dim3A_494 = arith.constant 22 : i32
      %broadcast_in_dim3A_495 = vector.broadcast %broadcast_in_dim3A_494 : i32 to vector<16xi32>
      %broadcast_in_dim3A_496 = arith.constant 23 : i32
      %broadcast_in_dim3A_497 = vector.broadcast %broadcast_in_dim3A_496 : i32 to vector<16xi32>
      %broadcast_in_dim3A_498 = arith.constant 24 : i32
      %broadcast_in_dim3A_499 = vector.broadcast %broadcast_in_dim3A_498 : i32 to vector<16xi32>
      %broadcast_in_dim3A_500 = arith.constant 25 : i32
      %broadcast_in_dim3A_501 = vector.broadcast %broadcast_in_dim3A_500 : i32 to vector<16xi32>
      %broadcast_in_dim3A_502 = arith.constant 26 : i32
      %broadcast_in_dim3A_503 = vector.broadcast %broadcast_in_dim3A_502 : i32 to vector<16xi32>
      %broadcast_in_dim3A_504 = arith.constant 27 : i32
      %broadcast_in_dim3A_505 = vector.broadcast %broadcast_in_dim3A_504 : i32 to vector<16xi32>
      %broadcast_in_dim3A_506 = arith.constant 28 : i32
      %broadcast_in_dim3A_507 = vector.broadcast %broadcast_in_dim3A_506 : i32 to vector<16xi32>
      %broadcast_in_dim3A_508 = arith.constant 29 : i32
      %broadcast_in_dim3A_509 = vector.broadcast %broadcast_in_dim3A_508 : i32 to vector<16xi32>
      %broadcast_in_dim3A_510 = arith.constant 30 : i32
      %broadcast_in_dim3A_511 = vector.broadcast %broadcast_in_dim3A_510 : i32 to vector<16xi32>
      %broadcast_in_dim3A_512 = arith.constant 31 : i32
      %broadcast_in_dim3A_513 = vector.broadcast %broadcast_in_dim3A_512 : i32 to vector<16xi32>
      %broadcast_in_dim3A_514 = arith.constant 32 : i32
      %broadcast_in_dim3A_515 = vector.broadcast %broadcast_in_dim3A_514 : i32 to vector<16xi32>
      %broadcast_in_dim3A_516 = arith.constant 33 : i32
      %broadcast_in_dim3A_517 = vector.broadcast %broadcast_in_dim3A_516 : i32 to vector<16xi32>
      %broadcast_in_dim3A_518 = arith.constant 34 : i32
      %broadcast_in_dim3A_519 = vector.broadcast %broadcast_in_dim3A_518 : i32 to vector<16xi32>
      %broadcast_in_dim3A_520 = arith.constant 35 : i32
      %broadcast_in_dim3A_521 = vector.broadcast %broadcast_in_dim3A_520 : i32 to vector<16xi32>
      %broadcast_in_dim3A_522 = arith.constant 36 : i32
      %broadcast_in_dim3A_523 = vector.broadcast %broadcast_in_dim3A_522 : i32 to vector<16xi32>
      %broadcast_in_dim3A_524 = arith.constant 37 : i32
      %broadcast_in_dim3A_525 = vector.broadcast %broadcast_in_dim3A_524 : i32 to vector<16xi32>
      %broadcast_in_dim3A_526 = arith.constant 38 : i32
      %broadcast_in_dim3A_527 = vector.broadcast %broadcast_in_dim3A_526 : i32 to vector<16xi32>
      %broadcast_in_dim3A_528 = arith.constant 39 : i32
      %broadcast_in_dim3A_529 = vector.broadcast %broadcast_in_dim3A_528 : i32 to vector<16xi32>
      %broadcast_in_dim3A_530 = arith.constant 40 : i32
      %broadcast_in_dim3A_531 = vector.broadcast %broadcast_in_dim3A_530 : i32 to vector<16xi32>
      %broadcast_in_dim3A_532 = arith.constant 41 : i32
      %broadcast_in_dim3A_533 = vector.broadcast %broadcast_in_dim3A_532 : i32 to vector<16xi32>
      %broadcast_in_dim3A_534 = arith.constant 42 : i32
      %broadcast_in_dim3A_535 = vector.broadcast %broadcast_in_dim3A_534 : i32 to vector<16xi32>
      %broadcast_in_dim3A_536 = arith.constant 43 : i32
      %broadcast_in_dim3A_537 = vector.broadcast %broadcast_in_dim3A_536 : i32 to vector<16xi32>
      %broadcast_in_dim3A_538 = arith.constant 44 : i32
      %broadcast_in_dim3A_539 = vector.broadcast %broadcast_in_dim3A_538 : i32 to vector<16xi32>
      %broadcast_in_dim3A_540 = arith.constant 45 : i32
      %broadcast_in_dim3A_541 = vector.broadcast %broadcast_in_dim3A_540 : i32 to vector<16xi32>
      %broadcast_in_dim3A_542 = arith.constant 46 : i32
      %broadcast_in_dim3A_543 = vector.broadcast %broadcast_in_dim3A_542 : i32 to vector<16xi32>
      %broadcast_in_dim3A_544 = arith.constant 47 : i32
      %broadcast_in_dim3A_545 = vector.broadcast %broadcast_in_dim3A_544 : i32 to vector<16xi32>
      %broadcast_in_dim3A_546 = arith.constant 48 : i32
      %broadcast_in_dim3A_547 = vector.broadcast %broadcast_in_dim3A_546 : i32 to vector<16xi32>
      %broadcast_in_dim3A_548 = arith.constant 49 : i32
      %broadcast_in_dim3A_549 = vector.broadcast %broadcast_in_dim3A_548 : i32 to vector<16xi32>
      %broadcast_in_dim3A_550 = arith.constant 50 : i32
      %broadcast_in_dim3A_551 = vector.broadcast %broadcast_in_dim3A_550 : i32 to vector<16xi32>
      %broadcast_in_dim3A_552 = arith.constant 51 : i32
      %broadcast_in_dim3A_553 = vector.broadcast %broadcast_in_dim3A_552 : i32 to vector<16xi32>
      %broadcast_in_dim3A_554 = arith.constant 52 : i32
      %broadcast_in_dim3A_555 = vector.broadcast %broadcast_in_dim3A_554 : i32 to vector<16xi32>
      %broadcast_in_dim3A_556 = arith.constant 53 : i32
      %broadcast_in_dim3A_557 = vector.broadcast %broadcast_in_dim3A_556 : i32 to vector<16xi32>
      %broadcast_in_dim3A_558 = arith.constant 54 : i32
      %broadcast_in_dim3A_559 = vector.broadcast %broadcast_in_dim3A_558 : i32 to vector<16xi32>
      %broadcast_in_dim3A_560 = arith.constant 55 : i32
      %broadcast_in_dim3A_561 = vector.broadcast %broadcast_in_dim3A_560 : i32 to vector<16xi32>
      %broadcast_in_dim3A_562 = arith.constant 56 : i32
      %broadcast_in_dim3A_563 = vector.broadcast %broadcast_in_dim3A_562 : i32 to vector<16xi32>
      %broadcast_in_dim3A_564 = arith.constant 57 : i32
      %broadcast_in_dim3A_565 = vector.broadcast %broadcast_in_dim3A_564 : i32 to vector<16xi32>
      %broadcast_in_dim3A_566 = arith.constant 58 : i32
      %broadcast_in_dim3A_567 = vector.broadcast %broadcast_in_dim3A_566 : i32 to vector<16xi32>
      %broadcast_in_dim3A_568 = arith.constant 59 : i32
      %broadcast_in_dim3A_569 = vector.broadcast %broadcast_in_dim3A_568 : i32 to vector<16xi32>
      %broadcast_in_dim3A_570 = arith.constant 60 : i32
      %broadcast_in_dim3A_571 = vector.broadcast %broadcast_in_dim3A_570 : i32 to vector<16xi32>
      %broadcast_in_dim3A_572 = arith.constant 61 : i32
      %broadcast_in_dim3A_573 = vector.broadcast %broadcast_in_dim3A_572 : i32 to vector<16xi32>
      %broadcast_in_dim3A_574 = arith.constant 62 : i32
      %broadcast_in_dim3A_575 = vector.broadcast %broadcast_in_dim3A_574 : i32 to vector<16xi32>
      %broadcast_in_dim3A_576 = arith.constant 63 : i32
      %broadcast_in_dim3A_577 = vector.broadcast %broadcast_in_dim3A_576 : i32 to vector<16xi32>
      %ge3A = arith.cmpf oge, %get3A_71, %get3A_77 : vector<16xf32>
      %select_n3A = arith.select %ge3A, %get3A_71, %get3A_77 : vector<16xi1>, vector<16xf32>
      %select_n3A_578 = arith.select %ge3A, %broadcast_in_dim3A_451, %broadcast_in_dim3A_453 : vector<16xi1>, vector<16xi32>
      %ge3A_579 = arith.cmpf oge, %get3A_83, %get3A_89 : vector<16xf32>
      %select_n3A_580 = arith.select %ge3A_579, %get3A_83, %get3A_89 : vector<16xi1>, vector<16xf32>
      %select_n3A_581 = arith.select %ge3A_579, %broadcast_in_dim3A_455, %broadcast_in_dim3A_457 : vector<16xi1>, vector<16xi32>
      %ge3A_582 = arith.cmpf oge, %get3A_95, %get3A_101 : vector<16xf32>
      %select_n3A_583 = arith.select %ge3A_582, %get3A_95, %get3A_101 : vector<16xi1>, vector<16xf32>
      %select_n3A_584 = arith.select %ge3A_582, %broadcast_in_dim3A_459, %broadcast_in_dim3A_461 : vector<16xi1>, vector<16xi32>
      %ge3A_585 = arith.cmpf oge, %get3A_107, %get3A_113 : vector<16xf32>
      %select_n3A_586 = arith.select %ge3A_585, %get3A_107, %get3A_113 : vector<16xi1>, vector<16xf32>
      %select_n3A_587 = arith.select %ge3A_585, %broadcast_in_dim3A_463, %broadcast_in_dim3A_465 : vector<16xi1>, vector<16xi32>
      %ge3A_588 = arith.cmpf oge, %get3A_119, %get3A_125 : vector<16xf32>
      %select_n3A_589 = arith.select %ge3A_588, %get3A_119, %get3A_125 : vector<16xi1>, vector<16xf32>
      %select_n3A_590 = arith.select %ge3A_588, %broadcast_in_dim3A_467, %broadcast_in_dim3A_469 : vector<16xi1>, vector<16xi32>
      %ge3A_591 = arith.cmpf oge, %get3A_131, %get3A_137 : vector<16xf32>
      %select_n3A_592 = arith.select %ge3A_591, %get3A_131, %get3A_137 : vector<16xi1>, vector<16xf32>
      %select_n3A_593 = arith.select %ge3A_591, %broadcast_in_dim3A_471, %broadcast_in_dim3A_473 : vector<16xi1>, vector<16xi32>
      %ge3A_594 = arith.cmpf oge, %get3A_143, %get3A_149 : vector<16xf32>
      %select_n3A_595 = arith.select %ge3A_594, %get3A_143, %get3A_149 : vector<16xi1>, vector<16xf32>
      %select_n3A_596 = arith.select %ge3A_594, %broadcast_in_dim3A_475, %broadcast_in_dim3A_477 : vector<16xi1>, vector<16xi32>
      %ge3A_597 = arith.cmpf oge, %get3A_155, %get3A_161 : vector<16xf32>
      %select_n3A_598 = arith.select %ge3A_597, %get3A_155, %get3A_161 : vector<16xi1>, vector<16xf32>
      %select_n3A_599 = arith.select %ge3A_597, %broadcast_in_dim3A_479, %broadcast_in_dim3A_481 : vector<16xi1>, vector<16xi32>
      %ge3A_600 = arith.cmpf oge, %get3A_167, %get3A_173 : vector<16xf32>
      %select_n3A_601 = arith.select %ge3A_600, %get3A_167, %get3A_173 : vector<16xi1>, vector<16xf32>
      %select_n3A_602 = arith.select %ge3A_600, %broadcast_in_dim3A_483, %broadcast_in_dim3A_485 : vector<16xi1>, vector<16xi32>
      %ge3A_603 = arith.cmpf oge, %get3A_179, %get3A_185 : vector<16xf32>
      %select_n3A_604 = arith.select %ge3A_603, %get3A_179, %get3A_185 : vector<16xi1>, vector<16xf32>
      %select_n3A_605 = arith.select %ge3A_603, %broadcast_in_dim3A_487, %broadcast_in_dim3A_489 : vector<16xi1>, vector<16xi32>
      %ge3A_606 = arith.cmpf oge, %get3A_191, %get3A_197 : vector<16xf32>
      %select_n3A_607 = arith.select %ge3A_606, %get3A_191, %get3A_197 : vector<16xi1>, vector<16xf32>
      %select_n3A_608 = arith.select %ge3A_606, %broadcast_in_dim3A_491, %broadcast_in_dim3A_493 : vector<16xi1>, vector<16xi32>
      %ge3A_609 = arith.cmpf oge, %get3A_203, %get3A_209 : vector<16xf32>
      %select_n3A_610 = arith.select %ge3A_609, %get3A_203, %get3A_209 : vector<16xi1>, vector<16xf32>
      %select_n3A_611 = arith.select %ge3A_609, %broadcast_in_dim3A_495, %broadcast_in_dim3A_497 : vector<16xi1>, vector<16xi32>
      %ge3A_612 = arith.cmpf oge, %get3A_215, %get3A_221 : vector<16xf32>
      %select_n3A_613 = arith.select %ge3A_612, %get3A_215, %get3A_221 : vector<16xi1>, vector<16xf32>
      %select_n3A_614 = arith.select %ge3A_612, %broadcast_in_dim3A_499, %broadcast_in_dim3A_501 : vector<16xi1>, vector<16xi32>
      %ge3A_615 = arith.cmpf oge, %get3A_227, %get3A_233 : vector<16xf32>
      %select_n3A_616 = arith.select %ge3A_615, %get3A_227, %get3A_233 : vector<16xi1>, vector<16xf32>
      %select_n3A_617 = arith.select %ge3A_615, %broadcast_in_dim3A_503, %broadcast_in_dim3A_505 : vector<16xi1>, vector<16xi32>
      %ge3A_618 = arith.cmpf oge, %get3A_239, %get3A_245 : vector<16xf32>
      %select_n3A_619 = arith.select %ge3A_618, %get3A_239, %get3A_245 : vector<16xi1>, vector<16xf32>
      %select_n3A_620 = arith.select %ge3A_618, %broadcast_in_dim3A_507, %broadcast_in_dim3A_509 : vector<16xi1>, vector<16xi32>
      %ge3A_621 = arith.cmpf oge, %get3A_251, %get3A_257 : vector<16xf32>
      %select_n3A_622 = arith.select %ge3A_621, %get3A_251, %get3A_257 : vector<16xi1>, vector<16xf32>
      %select_n3A_623 = arith.select %ge3A_621, %broadcast_in_dim3A_511, %broadcast_in_dim3A_513 : vector<16xi1>, vector<16xi32>
      %ge3A_624 = arith.cmpf oge, %get3A_263, %get3A_269 : vector<16xf32>
      %select_n3A_625 = arith.select %ge3A_624, %get3A_263, %get3A_269 : vector<16xi1>, vector<16xf32>
      %select_n3A_626 = arith.select %ge3A_624, %broadcast_in_dim3A_515, %broadcast_in_dim3A_517 : vector<16xi1>, vector<16xi32>
      %ge3A_627 = arith.cmpf oge, %get3A_275, %get3A_281 : vector<16xf32>
      %select_n3A_628 = arith.select %ge3A_627, %get3A_275, %get3A_281 : vector<16xi1>, vector<16xf32>
      %select_n3A_629 = arith.select %ge3A_627, %broadcast_in_dim3A_519, %broadcast_in_dim3A_521 : vector<16xi1>, vector<16xi32>
      %ge3A_630 = arith.cmpf oge, %get3A_287, %get3A_293 : vector<16xf32>
      %select_n3A_631 = arith.select %ge3A_630, %get3A_287, %get3A_293 : vector<16xi1>, vector<16xf32>
      %select_n3A_632 = arith.select %ge3A_630, %broadcast_in_dim3A_523, %broadcast_in_dim3A_525 : vector<16xi1>, vector<16xi32>
      %ge3A_633 = arith.cmpf oge, %get3A_299, %get3A_305 : vector<16xf32>
      %select_n3A_634 = arith.select %ge3A_633, %get3A_299, %get3A_305 : vector<16xi1>, vector<16xf32>
      %select_n3A_635 = arith.select %ge3A_633, %broadcast_in_dim3A_527, %broadcast_in_dim3A_529 : vector<16xi1>, vector<16xi32>
      %ge3A_636 = arith.cmpf oge, %get3A_311, %get3A_317 : vector<16xf32>
      %select_n3A_637 = arith.select %ge3A_636, %get3A_311, %get3A_317 : vector<16xi1>, vector<16xf32>
      %select_n3A_638 = arith.select %ge3A_636, %broadcast_in_dim3A_531, %broadcast_in_dim3A_533 : vector<16xi1>, vector<16xi32>
      %ge3A_639 = arith.cmpf oge, %get3A_323, %get3A_329 : vector<16xf32>
      %select_n3A_640 = arith.select %ge3A_639, %get3A_323, %get3A_329 : vector<16xi1>, vector<16xf32>
      %select_n3A_641 = arith.select %ge3A_639, %broadcast_in_dim3A_535, %broadcast_in_dim3A_537 : vector<16xi1>, vector<16xi32>
      %ge3A_642 = arith.cmpf oge, %get3A_335, %get3A_341 : vector<16xf32>
      %select_n3A_643 = arith.select %ge3A_642, %get3A_335, %get3A_341 : vector<16xi1>, vector<16xf32>
      %select_n3A_644 = arith.select %ge3A_642, %broadcast_in_dim3A_539, %broadcast_in_dim3A_541 : vector<16xi1>, vector<16xi32>
      %ge3A_645 = arith.cmpf oge, %get3A_347, %get3A_353 : vector<16xf32>
      %select_n3A_646 = arith.select %ge3A_645, %get3A_347, %get3A_353 : vector<16xi1>, vector<16xf32>
      %select_n3A_647 = arith.select %ge3A_645, %broadcast_in_dim3A_543, %broadcast_in_dim3A_545 : vector<16xi1>, vector<16xi32>
      %ge3A_648 = arith.cmpf oge, %get3A_359, %get3A_365 : vector<16xf32>
      %select_n3A_649 = arith.select %ge3A_648, %get3A_359, %get3A_365 : vector<16xi1>, vector<16xf32>
      %select_n3A_650 = arith.select %ge3A_648, %broadcast_in_dim3A_547, %broadcast_in_dim3A_549 : vector<16xi1>, vector<16xi32>
      %ge3A_651 = arith.cmpf oge, %get3A_371, %get3A_377 : vector<16xf32>
      %select_n3A_652 = arith.select %ge3A_651, %get3A_371, %get3A_377 : vector<16xi1>, vector<16xf32>
      %select_n3A_653 = arith.select %ge3A_651, %broadcast_in_dim3A_551, %broadcast_in_dim3A_553 : vector<16xi1>, vector<16xi32>
      %ge3A_654 = arith.cmpf oge, %get3A_383, %get3A_389 : vector<16xf32>
      %select_n3A_655 = arith.select %ge3A_654, %get3A_383, %get3A_389 : vector<16xi1>, vector<16xf32>
      %select_n3A_656 = arith.select %ge3A_654, %broadcast_in_dim3A_555, %broadcast_in_dim3A_557 : vector<16xi1>, vector<16xi32>
      %ge3A_657 = arith.cmpf oge, %get3A_395, %get3A_401 : vector<16xf32>
      %select_n3A_658 = arith.select %ge3A_657, %get3A_395, %get3A_401 : vector<16xi1>, vector<16xf32>
      %select_n3A_659 = arith.select %ge3A_657, %broadcast_in_dim3A_559, %broadcast_in_dim3A_561 : vector<16xi1>, vector<16xi32>
      %ge3A_660 = arith.cmpf oge, %get3A_407, %get3A_413 : vector<16xf32>
      %select_n3A_661 = arith.select %ge3A_660, %get3A_407, %get3A_413 : vector<16xi1>, vector<16xf32>
      %select_n3A_662 = arith.select %ge3A_660, %broadcast_in_dim3A_563, %broadcast_in_dim3A_565 : vector<16xi1>, vector<16xi32>
      %ge3A_663 = arith.cmpf oge, %get3A_419, %get3A_425 : vector<16xf32>
      %select_n3A_664 = arith.select %ge3A_663, %get3A_419, %get3A_425 : vector<16xi1>, vector<16xf32>
      %select_n3A_665 = arith.select %ge3A_663, %broadcast_in_dim3A_567, %broadcast_in_dim3A_569 : vector<16xi1>, vector<16xi32>
      %ge3A_666 = arith.cmpf oge, %get3A_431, %get3A_437 : vector<16xf32>
      %select_n3A_667 = arith.select %ge3A_666, %get3A_431, %get3A_437 : vector<16xi1>, vector<16xf32>
      %select_n3A_668 = arith.select %ge3A_666, %broadcast_in_dim3A_571, %broadcast_in_dim3A_573 : vector<16xi1>, vector<16xi32>
      %ge3A_669 = arith.cmpf oge, %get3A_443, %get3A_449 : vector<16xf32>
      %select_n3A_670 = arith.select %ge3A_669, %get3A_443, %get3A_449 : vector<16xi1>, vector<16xf32>
      %select_n3A_671 = arith.select %ge3A_669, %broadcast_in_dim3A_575, %broadcast_in_dim3A_577 : vector<16xi1>, vector<16xi32>
      %ge3A_672 = arith.cmpf oge, %select_n3A, %select_n3A_580 : vector<16xf32>
      %select_n3A_673 = arith.select %ge3A_672, %select_n3A, %select_n3A_580 : vector<16xi1>, vector<16xf32>
      %select_n3A_674 = arith.select %ge3A_672, %select_n3A_578, %select_n3A_581 : vector<16xi1>, vector<16xi32>
      %ge3A_675 = arith.cmpf oge, %select_n3A_583, %select_n3A_586 : vector<16xf32>
      %select_n3A_676 = arith.select %ge3A_675, %select_n3A_583, %select_n3A_586 : vector<16xi1>, vector<16xf32>
      %select_n3A_677 = arith.select %ge3A_675, %select_n3A_584, %select_n3A_587 : vector<16xi1>, vector<16xi32>
      %ge3A_678 = arith.cmpf oge, %select_n3A_589, %select_n3A_592 : vector<16xf32>
      %select_n3A_679 = arith.select %ge3A_678, %select_n3A_589, %select_n3A_592 : vector<16xi1>, vector<16xf32>
      %select_n3A_680 = arith.select %ge3A_678, %select_n3A_590, %select_n3A_593 : vector<16xi1>, vector<16xi32>
      %ge3A_681 = arith.cmpf oge, %select_n3A_595, %select_n3A_598 : vector<16xf32>
      %select_n3A_682 = arith.select %ge3A_681, %select_n3A_595, %select_n3A_598 : vector<16xi1>, vector<16xf32>
      %select_n3A_683 = arith.select %ge3A_681, %select_n3A_596, %select_n3A_599 : vector<16xi1>, vector<16xi32>
      %ge3A_684 = arith.cmpf oge, %select_n3A_601, %select_n3A_604 : vector<16xf32>
      %select_n3A_685 = arith.select %ge3A_684, %select_n3A_601, %select_n3A_604 : vector<16xi1>, vector<16xf32>
      %select_n3A_686 = arith.select %ge3A_684, %select_n3A_602, %select_n3A_605 : vector<16xi1>, vector<16xi32>
      %ge3A_687 = arith.cmpf oge, %select_n3A_607, %select_n3A_610 : vector<16xf32>
      %select_n3A_688 = arith.select %ge3A_687, %select_n3A_607, %select_n3A_610 : vector<16xi1>, vector<16xf32>
      %select_n3A_689 = arith.select %ge3A_687, %select_n3A_608, %select_n3A_611 : vector<16xi1>, vector<16xi32>
      %ge3A_690 = arith.cmpf oge, %select_n3A_613, %select_n3A_616 : vector<16xf32>
      %select_n3A_691 = arith.select %ge3A_690, %select_n3A_613, %select_n3A_616 : vector<16xi1>, vector<16xf32>
      %select_n3A_692 = arith.select %ge3A_690, %select_n3A_614, %select_n3A_617 : vector<16xi1>, vector<16xi32>
      %ge3A_693 = arith.cmpf oge, %select_n3A_619, %select_n3A_622 : vector<16xf32>
      %select_n3A_694 = arith.select %ge3A_693, %select_n3A_619, %select_n3A_622 : vector<16xi1>, vector<16xf32>
      %select_n3A_695 = arith.select %ge3A_693, %select_n3A_620, %select_n3A_623 : vector<16xi1>, vector<16xi32>
      %ge3A_696 = arith.cmpf oge, %select_n3A_625, %select_n3A_628 : vector<16xf32>
      %select_n3A_697 = arith.select %ge3A_696, %select_n3A_625, %select_n3A_628 : vector<16xi1>, vector<16xf32>
      %select_n3A_698 = arith.select %ge3A_696, %select_n3A_626, %select_n3A_629 : vector<16xi1>, vector<16xi32>
      %ge3A_699 = arith.cmpf oge, %select_n3A_631, %select_n3A_634 : vector<16xf32>
      %select_n3A_700 = arith.select %ge3A_699, %select_n3A_631, %select_n3A_634 : vector<16xi1>, vector<16xf32>
      %select_n3A_701 = arith.select %ge3A_699, %select_n3A_632, %select_n3A_635 : vector<16xi1>, vector<16xi32>
      %ge3A_702 = arith.cmpf oge, %select_n3A_637, %select_n3A_640 : vector<16xf32>
      %select_n3A_703 = arith.select %ge3A_702, %select_n3A_637, %select_n3A_640 : vector<16xi1>, vector<16xf32>
      %select_n3A_704 = arith.select %ge3A_702, %select_n3A_638, %select_n3A_641 : vector<16xi1>, vector<16xi32>
      %ge3A_705 = arith.cmpf oge, %select_n3A_643, %select_n3A_646 : vector<16xf32>
      %select_n3A_706 = arith.select %ge3A_705, %select_n3A_643, %select_n3A_646 : vector<16xi1>, vector<16xf32>
      %select_n3A_707 = arith.select %ge3A_705, %select_n3A_644, %select_n3A_647 : vector<16xi1>, vector<16xi32>
      %ge3A_708 = arith.cmpf oge, %select_n3A_649, %select_n3A_652 : vector<16xf32>
      %select_n3A_709 = arith.select %ge3A_708, %select_n3A_649, %select_n3A_652 : vector<16xi1>, vector<16xf32>
      %select_n3A_710 = arith.select %ge3A_708, %select_n3A_650, %select_n3A_653 : vector<16xi1>, vector<16xi32>
      %ge3A_711 = arith.cmpf oge, %select_n3A_655, %select_n3A_658 : vector<16xf32>
      %select_n3A_712 = arith.select %ge3A_711, %select_n3A_655, %select_n3A_658 : vector<16xi1>, vector<16xf32>
      %select_n3A_713 = arith.select %ge3A_711, %select_n3A_656, %select_n3A_659 : vector<16xi1>, vector<16xi32>
      %ge3A_714 = arith.cmpf oge, %select_n3A_661, %select_n3A_664 : vector<16xf32>
      %select_n3A_715 = arith.select %ge3A_714, %select_n3A_661, %select_n3A_664 : vector<16xi1>, vector<16xf32>
      %select_n3A_716 = arith.select %ge3A_714, %select_n3A_662, %select_n3A_665 : vector<16xi1>, vector<16xi32>
      %ge3A_717 = arith.cmpf oge, %select_n3A_667, %select_n3A_670 : vector<16xf32>
      %select_n3A_718 = arith.select %ge3A_717, %select_n3A_667, %select_n3A_670 : vector<16xi1>, vector<16xf32>
      %select_n3A_719 = arith.select %ge3A_717, %select_n3A_668, %select_n3A_671 : vector<16xi1>, vector<16xi32>
      %ge3A_720 = arith.cmpf oge, %select_n3A_673, %select_n3A_676 : vector<16xf32>
      %select_n3A_721 = arith.select %ge3A_720, %select_n3A_673, %select_n3A_676 : vector<16xi1>, vector<16xf32>
      %select_n3A_722 = arith.select %ge3A_720, %select_n3A_674, %select_n3A_677 : vector<16xi1>, vector<16xi32>
      %ge3A_723 = arith.cmpf oge, %select_n3A_679, %select_n3A_682 : vector<16xf32>
      %select_n3A_724 = arith.select %ge3A_723, %select_n3A_679, %select_n3A_682 : vector<16xi1>, vector<16xf32>
      %select_n3A_725 = arith.select %ge3A_723, %select_n3A_680, %select_n3A_683 : vector<16xi1>, vector<16xi32>
      %ge3A_726 = arith.cmpf oge, %select_n3A_685, %select_n3A_688 : vector<16xf32>
      %select_n3A_727 = arith.select %ge3A_726, %select_n3A_685, %select_n3A_688 : vector<16xi1>, vector<16xf32>
      %select_n3A_728 = arith.select %ge3A_726, %select_n3A_686, %select_n3A_689 : vector<16xi1>, vector<16xi32>
      %ge3A_729 = arith.cmpf oge, %select_n3A_691, %select_n3A_694 : vector<16xf32>
      %select_n3A_730 = arith.select %ge3A_729, %select_n3A_691, %select_n3A_694 : vector<16xi1>, vector<16xf32>
      %select_n3A_731 = arith.select %ge3A_729, %select_n3A_692, %select_n3A_695 : vector<16xi1>, vector<16xi32>
      %ge3A_732 = arith.cmpf oge, %select_n3A_697, %select_n3A_700 : vector<16xf32>
      %select_n3A_733 = arith.select %ge3A_732, %select_n3A_697, %select_n3A_700 : vector<16xi1>, vector<16xf32>
      %select_n3A_734 = arith.select %ge3A_732, %select_n3A_698, %select_n3A_701 : vector<16xi1>, vector<16xi32>
      %ge3A_735 = arith.cmpf oge, %select_n3A_703, %select_n3A_706 : vector<16xf32>
      %select_n3A_736 = arith.select %ge3A_735, %select_n3A_703, %select_n3A_706 : vector<16xi1>, vector<16xf32>
      %select_n3A_737 = arith.select %ge3A_735, %select_n3A_704, %select_n3A_707 : vector<16xi1>, vector<16xi32>
      %ge3A_738 = arith.cmpf oge, %select_n3A_709, %select_n3A_712 : vector<16xf32>
      %select_n3A_739 = arith.select %ge3A_738, %select_n3A_709, %select_n3A_712 : vector<16xi1>, vector<16xf32>
      %select_n3A_740 = arith.select %ge3A_738, %select_n3A_710, %select_n3A_713 : vector<16xi1>, vector<16xi32>
      %ge3A_741 = arith.cmpf oge, %select_n3A_715, %select_n3A_718 : vector<16xf32>
      %select_n3A_742 = arith.select %ge3A_741, %select_n3A_715, %select_n3A_718 : vector<16xi1>, vector<16xf32>
      %select_n3A_743 = arith.select %ge3A_741, %select_n3A_716, %select_n3A_719 : vector<16xi1>, vector<16xi32>
      %ge3A_744 = arith.cmpf oge, %select_n3A_721, %select_n3A_724 : vector<16xf32>
      %select_n3A_745 = arith.select %ge3A_744, %select_n3A_721, %select_n3A_724 : vector<16xi1>, vector<16xf32>
      %select_n3A_746 = arith.select %ge3A_744, %select_n3A_722, %select_n3A_725 : vector<16xi1>, vector<16xi32>
      %ge3A_747 = arith.cmpf oge, %select_n3A_727, %select_n3A_730 : vector<16xf32>
      %select_n3A_748 = arith.select %ge3A_747, %select_n3A_727, %select_n3A_730 : vector<16xi1>, vector<16xf32>
      %select_n3A_749 = arith.select %ge3A_747, %select_n3A_728, %select_n3A_731 : vector<16xi1>, vector<16xi32>
      %ge3A_750 = arith.cmpf oge, %select_n3A_733, %select_n3A_736 : vector<16xf32>
      %select_n3A_751 = arith.select %ge3A_750, %select_n3A_733, %select_n3A_736 : vector<16xi1>, vector<16xf32>
      %select_n3A_752 = arith.select %ge3A_750, %select_n3A_734, %select_n3A_737 : vector<16xi1>, vector<16xi32>
      %ge3A_753 = arith.cmpf oge, %select_n3A_739, %select_n3A_742 : vector<16xf32>
      %select_n3A_754 = arith.select %ge3A_753, %select_n3A_739, %select_n3A_742 : vector<16xi1>, vector<16xf32>
      %select_n3A_755 = arith.select %ge3A_753, %select_n3A_740, %select_n3A_743 : vector<16xi1>, vector<16xi32>
      %ge3A_756 = arith.cmpf oge, %select_n3A_745, %select_n3A_748 : vector<16xf32>
      %select_n3A_757 = arith.select %ge3A_756, %select_n3A_745, %select_n3A_748 : vector<16xi1>, vector<16xf32>
      %select_n3A_758 = arith.select %ge3A_756, %select_n3A_746, %select_n3A_749 : vector<16xi1>, vector<16xi32>
      %ge3A_759 = arith.cmpf oge, %select_n3A_751, %select_n3A_754 : vector<16xf32>
      %select_n3A_760 = arith.select %ge3A_759, %select_n3A_751, %select_n3A_754 : vector<16xi1>, vector<16xf32>
      %select_n3A_761 = arith.select %ge3A_759, %select_n3A_752, %select_n3A_755 : vector<16xi1>, vector<16xi32>
      %ge3A_762 = arith.cmpf oge, %select_n3A_757, %select_n3A_760 : vector<16xf32>
      %select_n3A_763 = arith.select %ge3A_762, %select_n3A_757, %select_n3A_760 : vector<16xi1>, vector<16xf32>
      %select_n3A_764 = arith.select %ge3A_762, %select_n3A_758, %select_n3A_761 : vector<16xi1>, vector<16xi32>
      tpu.vector_store_idx %arg5[%select_n3A_764], %broadcast_in_dim3A_26 {add = true} : memref<64xf32, #tpu.memory_space<vmem>>[vector<16xi32>], vector<16xf32>,
      %mul3A_765 = arith.constant 2 : i32
      %mul3A_766 = arith.muli %mul3A_765, %scan3A_64 : i32
      %add3A_767 = arith.constant 1 : i32
      %add3A_768 = arith.addi %mul3A_766, %add3A_767 : i32
      %mul3A_769 = arith.constant 16 : i32
      %mul3A_770 = arith.muli %add3A_768, %mul3A_769 : i32
      %get3A_771 = arith.constant 0 : i32
      %get3A_772 = arith.index_cast %get3A_771 : i32 to index
      %get3A_773 = arith.index_cast %mul3A_770 : i32 to index
      %get3A_774 = tpu.vector_load %arg4[%get3A_772, %get3A_773] {strides = array<i32>} : memref<64x512xf32, #tpu.memory_space<vmem>>, vector<16xf32>,
      %mul3A_775 = arith.constant 16 : i32
      %mul3A_776 = arith.muli %add3A_768, %mul3A_775 : i32
      %get3A_777 = arith.constant 1 : i32
      %get3A_778 = arith.index_cast %get3A_777 : i32 to index
      %get3A_779 = arith.index_cast %mul3A_776 : i32 to index
      %get3A_780 = tpu.vector_load %arg4[%get3A_778, %get3A_779] {strides = array<i32>} : memref<64x512xf32, #tpu.memory_space<vmem>>, vector<16xf32>,
      %mul3A_781 = arith.constant 16 : i32
      %mul3A_782 = arith.muli %add3A_768, %mul3A_781 : i32
      %get3A_783 = arith.constant 2 : i32
      %get3A_784 = arith.index_cast %get3A_783 : i32 to index
      %get3A_785 = arith.index_cast %mul3A_782 : i32 to index
      %get3A_786 = tpu.vector_load %arg4[%get3A_784, %get3A_785] {strides = array<i32>} : memref<64x512xf32, #tpu.memory_space<vmem>>, vector<16xf32>,
      %mul3A_787 = arith.constant 16 : i32
      %mul3A_788 = arith.muli %add3A_768, %mul3A_787 : i32
      %get3A_789 = arith.constant 3 : i32
      %get3A_790 = arith.index_cast %get3A_789 : i32 to index
      %get3A_791 = arith.index_cast %mul3A_788 : i32 to index
      %get3A_792 = tpu.vector_load %arg4[%get3A_790, %get3A_791] {strides = array<i32>} : memref<64x512xf32, #tpu.memory_space<vmem>>, vector<16xf32>,
      %mul3A_793 = arith.constant 16 : i32
      %mul3A_794 = arith.muli %add3A_768, %mul3A_793 : i32
      %get3A_795 = arith.constant 4 : i32
      %get3A_796 = arith.index_cast %get3A_795 : i32 to index
      %get3A_797 = arith.index_cast %mul3A_794 : i32 to index
      %get3A_798 = tpu.vector_load %arg4[%get3A_796, %get3A_797] {strides = array<i32>} : memref<64x512xf32, #tpu.memory_space<vmem>>, vector<16xf32>,
      %mul3A_799 = arith.constant 16 : i32
      %mul3A_800 = arith.muli %add3A_768, %mul3A_799 : i32
      %get3A_801 = arith.constant 5 : i32
      %get3A_802 = arith.index_cast %get3A_801 : i32 to index
      %get3A_803 = arith.index_cast %mul3A_800 : i32 to index
      %get3A_804 = tpu.vector_load %arg4[%get3A_802, %get3A_803] {strides = array<i32>} : memref<64x512xf32, #tpu.memory_space<vmem>>, vector<16xf32>,
      %mul3A_805 = arith.constant 16 : i32
      %mul3A_806 = arith.muli %add3A_768, %mul3A_805 : i32
      %get3A_807 = arith.constant 6 : i32
      %get3A_808 = arith.index_cast %get3A_807 : i32 to index
      %get3A_809 = arith.index_cast %mul3A_806 : i32 to index
      %get3A_810 = tpu.vector_load %arg4[%get3A_808, %get3A_809] {strides = array<i32>} : memref<64x512xf32, #tpu.memory_space<vmem>>, vector<16xf32>,
      %mul3A_811 = arith.constant 16 : i32
      %mul3A_812 = arith.muli %add3A_768, %mul3A_811 : i32
      %get3A_813 = arith.constant 7 : i32
      %get3A_814 = arith.index_cast %get3A_813 : i32 to index
      %get3A_815 = arith.index_cast %mul3A_812 : i32 to index
      %get3A_816 = tpu.vector_load %arg4[%get3A_814, %get3A_815] {strides = array<i32>} : memref<64x512xf32, #tpu.memory_space<vmem>>, vector<16xf32>,
      %mul3A_817 = arith.constant 16 : i32
      %mul3A_818 = arith.muli %add3A_768, %mul3A_817 : i32
      %get3A_819 = arith.constant 8 : i32
      %get3A_820 = arith.index_cast %get3A_819 : i32 to index
      %get3A_821 = arith.index_cast %mul3A_818 : i32 to index
      %get3A_822 = tpu.vector_load %arg4[%get3A_820, %get3A_821] {strides = array<i32>} : memref<64x512xf32, #tpu.memory_space<vmem>>, vector<16xf32>,
      %mul3A_823 = arith.constant 16 : i32
      %mul3A_824 = arith.muli %add3A_768, %mul3A_823 : i32
      %get3A_825 = arith.constant 9 : i32
      %get3A_826 = arith.index_cast %get3A_825 : i32 to index
      %get3A_827 = arith.index_cast %mul3A_824 : i32 to index
      %get3A_828 = tpu.vector_load %arg4[%get3A_826, %get3A_827] {strides = array<i32>} : memref<64x512xf32, #tpu.memory_space<vmem>>, vector<16xf32>,
      %mul3A_829 = arith.constant 16 : i32
      %mul3A_830 = arith.muli %add3A_768, %mul3A_829 : i32
      %get3A_831 = arith.constant 10 : i32
      %get3A_832 = arith.index_cast %get3A_831 : i32 to index
      %get3A_833 = arith.index_cast %mul3A_830 : i32 to index
      %get3A_834 = tpu.vector_load %arg4[%get3A_832, %get3A_833] {strides = array<i32>} : memref<64x512xf32, #tpu.memory_space<vmem>>, vector<16xf32>,
      %mul3A_835 = arith.constant 16 : i32
      %mul3A_836 = arith.muli %add3A_768, %mul3A_835 : i32
      %get3A_837 = arith.constant 11 : i32
      %get3A_838 = arith.index_cast %get3A_837 : i32 to index
      %get3A_839 = arith.index_cast %mul3A_836 : i32 to index
      %get3A_840 = tpu.vector_load %arg4[%get3A_838, %get3A_839] {strides = array<i32>} : memref<64x512xf32, #tpu.memory_space<vmem>>, vector<16xf32>,
      %mul3A_841 = arith.constant 16 : i32
      %mul3A_842 = arith.muli %add3A_768, %mul3A_841 : i32
      %get3A_843 = arith.constant 12 : i32
      %get3A_844 = arith.index_cast %get3A_843 : i32 to index
      %get3A_845 = arith.index_cast %mul3A_842 : i32 to index
      %get3A_846 = tpu.vector_load %arg4[%get3A_844, %get3A_845] {strides = array<i32>} : memref<64x512xf32, #tpu.memory_space<vmem>>, vector<16xf32>,
      %mul3A_847 = arith.constant 16 : i32
      %mul3A_848 = arith.muli %add3A_768, %mul3A_847 : i32
      %get3A_849 = arith.constant 13 : i32
      %get3A_850 = arith.index_cast %get3A_849 : i32 to index
      %get3A_851 = arith.index_cast %mul3A_848 : i32 to index
      %get3A_852 = tpu.vector_load %arg4[%get3A_850, %get3A_851] {strides = array<i32>} : memref<64x512xf32, #tpu.memory_space<vmem>>, vector<16xf32>,
      %mul3A_853 = arith.constant 16 : i32
      %mul3A_854 = arith.muli %add3A_768, %mul3A_853 : i32
      %get3A_855 = arith.constant 14 : i32
      %get3A_856 = arith.index_cast %get3A_855 : i32 to index
      %get3A_857 = arith.index_cast %mul3A_854 : i32 to index
      %get3A_858 = tpu.vector_load %arg4[%get3A_856, %get3A_857] {strides = array<i32>} : memref<64x512xf32, #tpu.memory_space<vmem>>, vector<16xf32>,
      %mul3A_859 = arith.constant 16 : i32
      %mul3A_860 = arith.muli %add3A_768, %mul3A_859 : i32
      %get3A_861 = arith.constant 15 : i32
      %get3A_862 = arith.index_cast %get3A_861 : i32 to index
      %get3A_863 = arith.index_cast %mul3A_860 : i32 to index
      %get3A_864 = tpu.vector_load %arg4[%get3A_862, %get3A_863] {strides = array<i32>} : memref<64x512xf32, #tpu.memory_space<vmem>>, vector<16xf32>,
      %mul3A_865 = arith.constant 16 : i32
      %mul3A_866 = arith.muli %add3A_768, %mul3A_865 : i32
      %get3A_867 = arith.constant 16 : i32
      %get3A_868 = arith.index_cast %get3A_867 : i32 to index
      %get3A_869 = arith.index_cast %mul3A_866 : i32 to index
      %get3A_870 = tpu.vector_load %arg4[%get3A_868, %get3A_869] {strides = array<i32>} : memref<64x512xf32, #tpu.memory_space<vmem>>, vector<16xf32>,
      %mul3A_871 = arith.constant 16 : i32
      %mul3A_872 = arith.muli %add3A_768, %mul3A_871 : i32
      %get3A_873 = arith.constant 17 : i32
      %get3A_874 = arith.index_cast %get3A_873 : i32 to index
      %get3A_875 = arith.index_cast %mul3A_872 : i32 to index
      %get3A_876 = tpu.vector_load %arg4[%get3A_874, %get3A_875] {strides = array<i32>} : memref<64x512xf32, #tpu.memory_space<vmem>>, vector<16xf32>,
      %mul3A_877 = arith.constant 16 : i32
      %mul3A_878 = arith.muli %add3A_768, %mul3A_877 : i32
      %get3A_879 = arith.constant 18 : i32
      %get3A_880 = arith.index_cast %get3A_879 : i32 to index
      %get3A_881 = arith.index_cast %mul3A_878 : i32 to index
      %get3A_882 = tpu.vector_load %arg4[%get3A_880, %get3A_881] {strides = array<i32>} : memref<64x512xf32, #tpu.memory_space<vmem>>, vector<16xf32>,
      %mul3A_883 = arith.constant 16 : i32
      %mul3A_884 = arith.muli %add3A_768, %mul3A_883 : i32
      %get3A_885 = arith.constant 19 : i32
      %get3A_886 = arith.index_cast %get3A_885 : i32 to index
      %get3A_887 = arith.index_cast %mul3A_884 : i32 to index
      %get3A_888 = tpu.vector_load %arg4[%get3A_886, %get3A_887] {strides = array<i32>} : memref<64x512xf32, #tpu.memory_space<vmem>>, vector<16xf32>,
      %mul3A_889 = arith.constant 16 : i32
      %mul3A_890 = arith.muli %add3A_768, %mul3A_889 : i32
      %get3A_891 = arith.constant 20 : i32
      %get3A_892 = arith.index_cast %get3A_891 : i32 to index
      %get3A_893 = arith.index_cast %mul3A_890 : i32 to index
      %get3A_894 = tpu.vector_load %arg4[%get3A_892, %get3A_893] {strides = array<i32>} : memref<64x512xf32, #tpu.memory_space<vmem>>, vector<16xf32>,
      %mul3A_895 = arith.constant 16 : i32
      %mul3A_896 = arith.muli %add3A_768, %mul3A_895 : i32
      %get3A_897 = arith.constant 21 : i32
      %get3A_898 = arith.index_cast %get3A_897 : i32 to index
      %get3A_899 = arith.index_cast %mul3A_896 : i32 to index
      %get3A_900 = tpu.vector_load %arg4[%get3A_898, %get3A_899] {strides = array<i32>} : memref<64x512xf32, #tpu.memory_space<vmem>>, vector<16xf32>,
      %mul3A_901 = arith.constant 16 : i32
      %mul3A_902 = arith.muli %add3A_768, %mul3A_901 : i32
      %get3A_903 = arith.constant 22 : i32
      %get3A_904 = arith.index_cast %get3A_903 : i32 to index
      %get3A_905 = arith.index_cast %mul3A_902 : i32 to index
      %get3A_906 = tpu.vector_load %arg4[%get3A_904, %get3A_905] {strides = array<i32>} : memref<64x512xf32, #tpu.memory_space<vmem>>, vector<16xf32>,
      %mul3A_907 = arith.constant 16 : i32
      %mul3A_908 = arith.muli %add3A_768, %mul3A_907 : i32
      %get3A_909 = arith.constant 23 : i32
      %get3A_910 = arith.index_cast %get3A_909 : i32 to index
      %get3A_911 = arith.index_cast %mul3A_908 : i32 to index
      %get3A_912 = tpu.vector_load %arg4[%get3A_910, %get3A_911] {strides = array<i32>} : memref<64x512xf32, #tpu.memory_space<vmem>>, vector<16xf32>,
      %mul3A_913 = arith.constant 16 : i32
      %mul3A_914 = arith.muli %add3A_768, %mul3A_913 : i32
      %get3A_915 = arith.constant 24 : i32
      %get3A_916 = arith.index_cast %get3A_915 : i32 to index
      %get3A_917 = arith.index_cast %mul3A_914 : i32 to index
      %get3A_918 = tpu.vector_load %arg4[%get3A_916, %get3A_917] {strides = array<i32>} : memref<64x512xf32, #tpu.memory_space<vmem>>, vector<16xf32>,
      %mul3A_919 = arith.constant 16 : i32
      %mul3A_920 = arith.muli %add3A_768, %mul3A_919 : i32
      %get3A_921 = arith.constant 25 : i32
      %get3A_922 = arith.index_cast %get3A_921 : i32 to index
      %get3A_923 = arith.index_cast %mul3A_920 : i32 to index
      %get3A_924 = tpu.vector_load %arg4[%get3A_922, %get3A_923] {strides = array<i32>} : memref<64x512xf32, #tpu.memory_space<vmem>>, vector<16xf32>,
      %mul3A_925 = arith.constant 16 : i32
      %mul3A_926 = arith.muli %add3A_768, %mul3A_925 : i32
      %get3A_927 = arith.constant 26 : i32
      %get3A_928 = arith.index_cast %get3A_927 : i32 to index
      %get3A_929 = arith.index_cast %mul3A_926 : i32 to index
      %get3A_930 = tpu.vector_load %arg4[%get3A_928, %get3A_929] {strides = array<i32>} : memref<64x512xf32, #tpu.memory_space<vmem>>, vector<16xf32>,
      %mul3A_931 = arith.constant 16 : i32
      %mul3A_932 = arith.muli %add3A_768, %mul3A_931 : i32
      %get3A_933 = arith.constant 27 : i32
      %get3A_934 = arith.index_cast %get3A_933 : i32 to index
      %get3A_935 = arith.index_cast %mul3A_932 : i32 to index
      %get3A_936 = tpu.vector_load %arg4[%get3A_934, %get3A_935] {strides = array<i32>} : memref<64x512xf32, #tpu.memory_space<vmem>>, vector<16xf32>,
      %mul3A_937 = arith.constant 16 : i32
      %mul3A_938 = arith.muli %add3A_768, %mul3A_937 : i32
      %get3A_939 = arith.constant 28 : i32
      %get3A_940 = arith.index_cast %get3A_939 : i32 to index
      %get3A_941 = arith.index_cast %mul3A_938 : i32 to index
      %get3A_942 = tpu.vector_load %arg4[%get3A_940, %get3A_941] {strides = array<i32>} : memref<64x512xf32, #tpu.memory_space<vmem>>, vector<16xf32>,
      %mul3A_943 = arith.constant 16 : i32
      %mul3A_944 = arith.muli %add3A_768, %mul3A_943 : i32
      %get3A_945 = arith.constant 29 : i32
      %get3A_946 = arith.index_cast %get3A_945 : i32 to index
      %get3A_947 = arith.index_cast %mul3A_944 : i32 to index
      %get3A_948 = tpu.vector_load %arg4[%get3A_946, %get3A_947] {strides = array<i32>} : memref<64x512xf32, #tpu.memory_space<vmem>>, vector<16xf32>,
      %mul3A_949 = arith.constant 16 : i32
      %mul3A_950 = arith.muli %add3A_768, %mul3A_949 : i32
      %get3A_951 = arith.constant 30 : i32
      %get3A_952 = arith.index_cast %get3A_951 : i32 to index
      %get3A_953 = arith.index_cast %mul3A_950 : i32 to index
      %get3A_954 = tpu.vector_load %arg4[%get3A_952, %get3A_953] {strides = array<i32>} : memref<64x512xf32, #tpu.memory_space<vmem>>, vector<16xf32>,
      %mul3A_955 = arith.constant 16 : i32
      %mul3A_956 = arith.muli %add3A_768, %mul3A_955 : i32
      %get3A_957 = arith.constant 31 : i32
      %get3A_958 = arith.index_cast %get3A_957 : i32 to index
      %get3A_959 = arith.index_cast %mul3A_956 : i32 to index
      %get3A_960 = tpu.vector_load %arg4[%get3A_958, %get3A_959] {strides = array<i32>} : memref<64x512xf32, #tpu.memory_space<vmem>>, vector<16xf32>,
      %mul3A_961 = arith.constant 16 : i32
      %mul3A_962 = arith.muli %add3A_768, %mul3A_961 : i32
      %get3A_963 = arith.constant 32 : i32
      %get3A_964 = arith.index_cast %get3A_963 : i32 to index
      %get3A_965 = arith.index_cast %mul3A_962 : i32 to index
      %get3A_966 = tpu.vector_load %arg4[%get3A_964, %get3A_965] {strides = array<i32>} : memref<64x512xf32, #tpu.memory_space<vmem>>, vector<16xf32>,
      %mul3A_967 = arith.constant 16 : i32
      %mul3A_968 = arith.muli %add3A_768, %mul3A_967 : i32
      %get3A_969 = arith.constant 33 : i32
      %get3A_970 = arith.index_cast %get3A_969 : i32 to index
      %get3A_971 = arith.index_cast %mul3A_968 : i32 to index
      %get3A_972 = tpu.vector_load %arg4[%get3A_970, %get3A_971] {strides = array<i32>} : memref<64x512xf32, #tpu.memory_space<vmem>>, vector<16xf32>,
      %mul3A_973 = arith.constant 16 : i32
      %mul3A_974 = arith.muli %add3A_768, %mul3A_973 : i32
      %get3A_975 = arith.constant 34 : i32
      %get3A_976 = arith.index_cast %get3A_975 : i32 to index
      %get3A_977 = arith.index_cast %mul3A_974 : i32 to index
      %get3A_978 = tpu.vector_load %arg4[%get3A_976, %get3A_977] {strides = array<i32>} : memref<64x512xf32, #tpu.memory_space<vmem>>, vector<16xf32>,
      %mul3A_979 = arith.constant 16 : i32
      %mul3A_980 = arith.muli %add3A_768, %mul3A_979 : i32
      %get3A_981 = arith.constant 35 : i32
      %get3A_982 = arith.index_cast %get3A_981 : i32 to index
      %get3A_983 = arith.index_cast %mul3A_980 : i32 to index
      %get3A_984 = tpu.vector_load %arg4[%get3A_982, %get3A_983] {strides = array<i32>} : memref<64x512xf32, #tpu.memory_space<vmem>>, vector<16xf32>,
      %mul3A_985 = arith.constant 16 : i32
      %mul3A_986 = arith.muli %add3A_768, %mul3A_985 : i32
      %get3A_987 = arith.constant 36 : i32
      %get3A_988 = arith.index_cast %get3A_987 : i32 to index
      %get3A_989 = arith.index_cast %mul3A_986 : i32 to index
      %get3A_990 = tpu.vector_load %arg4[%get3A_988, %get3A_989] {strides = array<i32>} : memref<64x512xf32, #tpu.memory_space<vmem>>, vector<16xf32>,
      %mul3A_991 = arith.constant 16 : i32
      %mul3A_992 = arith.muli %add3A_768, %mul3A_991 : i32
      %get3A_993 = arith.constant 37 : i32
      %get3A_994 = arith.index_cast %get3A_993 : i32 to index
      %get3A_995 = arith.index_cast %mul3A_992 : i32 to index
      %get3A_996 = tpu.vector_load %arg4[%get3A_994, %get3A_995] {strides = array<i32>} : memref<64x512xf32, #tpu.memory_space<vmem>>, vector<16xf32>,
      %mul3A_997 = arith.constant 16 : i32
      %mul3A_998 = arith.muli %add3A_768, %mul3A_997 : i32
      %get3A_999 = arith.constant 38 : i32
      %get3A_1000 = arith.index_cast %get3A_999 : i32 to index
      %get3A_1001 = arith.index_cast %mul3A_998 : i32 to index
      %get3A_1002 = tpu.vector_load %arg4[%get3A_1000, %get3A_1001] {strides = array<i32>} : memref<64x512xf32, #tpu.memory_space<vmem>>, vector<16xf32>,
      %mul3A_1003 = arith.constant 16 : i32
      %mul3A_1004 = arith.muli %add3A_768, %mul3A_1003 : i32
      %get3A_1005 = arith.constant 39 : i32
      %get3A_1006 = arith.index_cast %get3A_1005 : i32 to index
      %get3A_1007 = arith.index_cast %mul3A_1004 : i32 to index
      %get3A_1008 = tpu.vector_load %arg4[%get3A_1006, %get3A_1007] {strides = array<i32>} : memref<64x512xf32, #tpu.memory_space<vmem>>, vector<16xf32>,
      %mul3A_1009 = arith.constant 16 : i32
      %mul3A_1010 = arith.muli %add3A_768, %mul3A_1009 : i32
      %get3A_1011 = arith.constant 40 : i32
      %get3A_1012 = arith.index_cast %get3A_1011 : i32 to index
      %get3A_1013 = arith.index_cast %mul3A_1010 : i32 to index
      %get3A_1014 = tpu.vector_load %arg4[%get3A_1012, %get3A_1013] {strides = array<i32>} : memref<64x512xf32, #tpu.memory_space<vmem>>, vector<16xf32>,
      %mul3A_1015 = arith.constant 16 : i32
      %mul3A_1016 = arith.muli %add3A_768, %mul3A_1015 : i32
      %get3A_1017 = arith.constant 41 : i32
      %get3A_1018 = arith.index_cast %get3A_1017 : i32 to index
      %get3A_1019 = arith.index_cast %mul3A_1016 : i32 to index
      %get3A_1020 = tpu.vector_load %arg4[%get3A_1018, %get3A_1019] {strides = array<i32>} : memref<64x512xf32, #tpu.memory_space<vmem>>, vector<16xf32>,
      %mul3A_1021 = arith.constant 16 : i32
      %mul3A_1022 = arith.muli %add3A_768, %mul3A_1021 : i32
      %get3A_1023 = arith.constant 42 : i32
      %get3A_1024 = arith.index_cast %get3A_1023 : i32 to index
      %get3A_1025 = arith.index_cast %mul3A_1022 : i32 to index
      %get3A_1026 = tpu.vector_load %arg4[%get3A_1024, %get3A_1025] {strides = array<i32>} : memref<64x512xf32, #tpu.memory_space<vmem>>, vector<16xf32>,
      %mul3A_1027 = arith.constant 16 : i32
      %mul3A_1028 = arith.muli %add3A_768, %mul3A_1027 : i32
      %get3A_1029 = arith.constant 43 : i32
      %get3A_1030 = arith.index_cast %get3A_1029 : i32 to index
      %get3A_1031 = arith.index_cast %mul3A_1028 : i32 to index
      %get3A_1032 = tpu.vector_load %arg4[%get3A_1030, %get3A_1031] {strides = array<i32>} : memref<64x512xf32, #tpu.memory_space<vmem>>, vector<16xf32>,
      %mul3A_1033 = arith.constant 16 : i32
      %mul3A_1034 = arith.muli %add3A_768, %mul3A_1033 : i32
      %get3A_1035 = arith.constant 44 : i32
      %get3A_1036 = arith.index_cast %get3A_1035 : i32 to index
      %get3A_1037 = arith.index_cast %mul3A_1034 : i32 to index
      %get3A_1038 = tpu.vector_load %arg4[%get3A_1036, %get3A_1037] {strides = array<i32>} : memref<64x512xf32, #tpu.memory_space<vmem>>, vector<16xf32>,
      %mul3A_1039 = arith.constant 16 : i32
      %mul3A_1040 = arith.muli %add3A_768, %mul3A_1039 : i32
      %get3A_1041 = arith.constant 45 : i32
      %get3A_1042 = arith.index_cast %get3A_1041 : i32 to index
      %get3A_1043 = arith.index_cast %mul3A_1040 : i32 to index
      %get3A_1044 = tpu.vector_load %arg4[%get3A_1042, %get3A_1043] {strides = array<i32>} : memref<64x512xf32, #tpu.memory_space<vmem>>, vector<16xf32>,
      %mul3A_1045 = arith.constant 16 : i32
      %mul3A_1046 = arith.muli %add3A_768, %mul3A_1045 : i32
      %get3A_1047 = arith.constant 46 : i32
      %get3A_1048 = arith.index_cast %get3A_1047 : i32 to index
      %get3A_1049 = arith.index_cast %mul3A_1046 : i32 to index
      %get3A_1050 = tpu.vector_load %arg4[%get3A_1048, %get3A_1049] {strides = array<i32>} : memref<64x512xf32, #tpu.memory_space<vmem>>, vector<16xf32>,
      %mul3A_1051 = arith.constant 16 : i32
      %mul3A_1052 = arith.muli %add3A_768, %mul3A_1051 : i32
      %get3A_1053 = arith.constant 47 : i32
      %get3A_1054 = arith.index_cast %get3A_1053 : i32 to index
      %get3A_1055 = arith.index_cast %mul3A_1052 : i32 to index
      %get3A_1056 = tpu.vector_load %arg4[%get3A_1054, %get3A_1055] {strides = array<i32>} : memref<64x512xf32, #tpu.memory_space<vmem>>, vector<16xf32>,
      %mul3A_1057 = arith.constant 16 : i32
      %mul3A_1058 = arith.muli %add3A_768, %mul3A_1057 : i32
      %get3A_1059 = arith.constant 48 : i32
      %get3A_1060 = arith.index_cast %get3A_1059 : i32 to index
      %get3A_1061 = arith.index_cast %mul3A_1058 : i32 to index
      %get3A_1062 = tpu.vector_load %arg4[%get3A_1060, %get3A_1061] {strides = array<i32>} : memref<64x512xf32, #tpu.memory_space<vmem>>, vector<16xf32>,
      %mul3A_1063 = arith.constant 16 : i32
      %mul3A_1064 = arith.muli %add3A_768, %mul3A_1063 : i32
      %get3A_1065 = arith.constant 49 : i32
      %get3A_1066 = arith.index_cast %get3A_1065 : i32 to index
      %get3A_1067 = arith.index_cast %mul3A_1064 : i32 to index
      %get3A_1068 = tpu.vector_load %arg4[%get3A_1066, %get3A_1067] {strides = array<i32>} : memref<64x512xf32, #tpu.memory_space<vmem>>, vector<16xf32>,
      %mul3A_1069 = arith.constant 16 : i32
      %mul3A_1070 = arith.muli %add3A_768, %mul3A_1069 : i32
      %get3A_1071 = arith.constant 50 : i32
      %get3A_1072 = arith.index_cast %get3A_1071 : i32 to index
      %get3A_1073 = arith.index_cast %mul3A_1070 : i32 to index
      %get3A_1074 = tpu.vector_load %arg4[%get3A_1072, %get3A_1073] {strides = array<i32>} : memref<64x512xf32, #tpu.memory_space<vmem>>, vector<16xf32>,
      %mul3A_1075 = arith.constant 16 : i32
      %mul3A_1076 = arith.muli %add3A_768, %mul3A_1075 : i32
      %get3A_1077 = arith.constant 51 : i32
      %get3A_1078 = arith.index_cast %get3A_1077 : i32 to index
      %get3A_1079 = arith.index_cast %mul3A_1076 : i32 to index
      %get3A_1080 = tpu.vector_load %arg4[%get3A_1078, %get3A_1079] {strides = array<i32>} : memref<64x512xf32, #tpu.memory_space<vmem>>, vector<16xf32>,
      %mul3A_1081 = arith.constant 16 : i32
      %mul3A_1082 = arith.muli %add3A_768, %mul3A_1081 : i32
      %get3A_1083 = arith.constant 52 : i32
      %get3A_1084 = arith.index_cast %get3A_1083 : i32 to index
      %get3A_1085 = arith.index_cast %mul3A_1082 : i32 to index
      %get3A_1086 = tpu.vector_load %arg4[%get3A_1084, %get3A_1085] {strides = array<i32>} : memref<64x512xf32, #tpu.memory_space<vmem>>, vector<16xf32>,
      %mul3A_1087 = arith.constant 16 : i32
      %mul3A_1088 = arith.muli %add3A_768, %mul3A_1087 : i32
      %get3A_1089 = arith.constant 53 : i32
      %get3A_1090 = arith.index_cast %get3A_1089 : i32 to index
      %get3A_1091 = arith.index_cast %mul3A_1088 : i32 to index
      %get3A_1092 = tpu.vector_load %arg4[%get3A_1090, %get3A_1091] {strides = array<i32>} : memref<64x512xf32, #tpu.memory_space<vmem>>, vector<16xf32>,
      %mul3A_1093 = arith.constant 16 : i32
      %mul3A_1094 = arith.muli %add3A_768, %mul3A_1093 : i32
      %get3A_1095 = arith.constant 54 : i32
      %get3A_1096 = arith.index_cast %get3A_1095 : i32 to index
      %get3A_1097 = arith.index_cast %mul3A_1094 : i32 to index
      %get3A_1098 = tpu.vector_load %arg4[%get3A_1096, %get3A_1097] {strides = array<i32>} : memref<64x512xf32, #tpu.memory_space<vmem>>, vector<16xf32>,
      %mul3A_1099 = arith.constant 16 : i32
      %mul3A_1100 = arith.muli %add3A_768, %mul3A_1099 : i32
      %get3A_1101 = arith.constant 55 : i32
      %get3A_1102 = arith.index_cast %get3A_1101 : i32 to index
      %get3A_1103 = arith.index_cast %mul3A_1100 : i32 to index
      %get3A_1104 = tpu.vector_load %arg4[%get3A_1102, %get3A_1103] {strides = array<i32>} : memref<64x512xf32, #tpu.memory_space<vmem>>, vector<16xf32>,
      %mul3A_1105 = arith.constant 16 : i32
      %mul3A_1106 = arith.muli %add3A_768, %mul3A_1105 : i32
      %get3A_1107 = arith.constant 56 : i32
      %get3A_1108 = arith.index_cast %get3A_1107 : i32 to index
      %get3A_1109 = arith.index_cast %mul3A_1106 : i32 to index
      %get3A_1110 = tpu.vector_load %arg4[%get3A_1108, %get3A_1109] {strides = array<i32>} : memref<64x512xf32, #tpu.memory_space<vmem>>, vector<16xf32>,
      %mul3A_1111 = arith.constant 16 : i32
      %mul3A_1112 = arith.muli %add3A_768, %mul3A_1111 : i32
      %get3A_1113 = arith.constant 57 : i32
      %get3A_1114 = arith.index_cast %get3A_1113 : i32 to index
      %get3A_1115 = arith.index_cast %mul3A_1112 : i32 to index
      %get3A_1116 = tpu.vector_load %arg4[%get3A_1114, %get3A_1115] {strides = array<i32>} : memref<64x512xf32, #tpu.memory_space<vmem>>, vector<16xf32>,
      %mul3A_1117 = arith.constant 16 : i32
      %mul3A_1118 = arith.muli %add3A_768, %mul3A_1117 : i32
      %get3A_1119 = arith.constant 58 : i32
      %get3A_1120 = arith.index_cast %get3A_1119 : i32 to index
      %get3A_1121 = arith.index_cast %mul3A_1118 : i32 to index
      %get3A_1122 = tpu.vector_load %arg4[%get3A_1120, %get3A_1121] {strides = array<i32>} : memref<64x512xf32, #tpu.memory_space<vmem>>, vector<16xf32>,
      %mul3A_1123 = arith.constant 16 : i32
      %mul3A_1124 = arith.muli %add3A_768, %mul3A_1123 : i32
      %get3A_1125 = arith.constant 59 : i32
      %get3A_1126 = arith.index_cast %get3A_1125 : i32 to index
      %get3A_1127 = arith.index_cast %mul3A_1124 : i32 to index
      %get3A_1128 = tpu.vector_load %arg4[%get3A_1126, %get3A_1127] {strides = array<i32>} : memref<64x512xf32, #tpu.memory_space<vmem>>, vector<16xf32>,
      %mul3A_1129 = arith.constant 16 : i32
      %mul3A_1130 = arith.muli %add3A_768, %mul3A_1129 : i32
      %get3A_1131 = arith.constant 60 : i32
      %get3A_1132 = arith.index_cast %get3A_1131 : i32 to index
      %get3A_1133 = arith.index_cast %mul3A_1130 : i32 to index
      %get3A_1134 = tpu.vector_load %arg4[%get3A_1132, %get3A_1133] {strides = array<i32>} : memref<64x512xf32, #tpu.memory_space<vmem>>, vector<16xf32>,
      %mul3A_1135 = arith.constant 16 : i32
      %mul3A_1136 = arith.muli %add3A_768, %mul3A_1135 : i32
      %get3A_1137 = arith.constant 61 : i32
      %get3A_1138 = arith.index_cast %get3A_1137 : i32 to index
      %get3A_1139 = arith.index_cast %mul3A_1136 : i32 to index
      %get3A_1140 = tpu.vector_load %arg4[%get3A_1138, %get3A_1139] {strides = array<i32>} : memref<64x512xf32, #tpu.memory_space<vmem>>, vector<16xf32>,
      %mul3A_1141 = arith.constant 16 : i32
      %mul3A_1142 = arith.muli %add3A_768, %mul3A_1141 : i32
      %get3A_1143 = arith.constant 62 : i32
      %get3A_1144 = arith.index_cast %get3A_1143 : i32 to index
      %get3A_1145 = arith.index_cast %mul3A_1142 : i32 to index
      %get3A_1146 = tpu.vector_load %arg4[%get3A_1144, %get3A_1145] {strides = array<i32>} : memref<64x512xf32, #tpu.memory_space<vmem>>, vector<16xf32>,
      %mul3A_1147 = arith.constant 16 : i32
      %mul3A_1148 = arith.muli %add3A_768, %mul3A_1147 : i32
      %get3A_1149 = arith.constant 63 : i32
      %get3A_1150 = arith.index_cast %get3A_1149 : i32 to index
      %get3A_1151 = arith.index_cast %mul3A_1148 : i32 to index
      %get3A_1152 = tpu.vector_load %arg4[%get3A_1150, %get3A_1151] {strides = array<i32>} : memref<64x512xf32, #tpu.memory_space<vmem>>, vector<16xf32>,
      %broadcast_in_dim3A_1153 = arith.constant 0 : i32
      %broadcast_in_dim3A_1154 = vector.broadcast %broadcast_in_dim3A_1153 : i32 to vector<16xi32>
      %broadcast_in_dim3A_1155 = arith.constant 1 : i32
      %broadcast_in_dim3A_1156 = vector.broadcast %broadcast_in_dim3A_1155 : i32 to vector<16xi32>
      %broadcast_in_dim3A_1157 = arith.constant 2 : i32
      %broadcast_in_dim3A_1158 = vector.broadcast %broadcast_in_dim3A_1157 : i32 to vector<16xi32>
      %broadcast_in_dim3A_1159 = arith.constant 3 : i32
      %broadcast_in_dim3A_1160 = vector.broadcast %broadcast_in_dim3A_1159 : i32 to vector<16xi32>
      %broadcast_in_dim3A_1161 = arith.constant 4 : i32
      %broadcast_in_dim3A_1162 = vector.broadcast %broadcast_in_dim3A_1161 : i32 to vector<16xi32>
      %broadcast_in_dim3A_1163 = arith.constant 5 : i32
      %broadcast_in_dim3A_1164 = vector.broadcast %broadcast_in_dim3A_1163 : i32 to vector<16xi32>
      %broadcast_in_dim3A_1165 = arith.constant 6 : i32
      %broadcast_in_dim3A_1166 = vector.broadcast %broadcast_in_dim3A_1165 : i32 to vector<16xi32>
      %broadcast_in_dim3A_1167 = arith.constant 7 : i32
      %broadcast_in_dim3A_1168 = vector.broadcast %broadcast_in_dim3A_1167 : i32 to vector<16xi32>
      %broadcast_in_dim3A_1169 = arith.constant 8 : i32
      %broadcast_in_dim3A_1170 = vector.broadcast %broadcast_in_dim3A_1169 : i32 to vector<16xi32>
      %broadcast_in_dim3A_1171 = arith.constant 9 : i32
      %broadcast_in_dim3A_1172 = vector.broadcast %broadcast_in_dim3A_1171 : i32 to vector<16xi32>
      %broadcast_in_dim3A_1173 = arith.constant 10 : i32
      %broadcast_in_dim3A_1174 = vector.broadcast %broadcast_in_dim3A_1173 : i32 to vector<16xi32>
      %broadcast_in_dim3A_1175 = arith.constant 11 : i32
      %broadcast_in_dim3A_1176 = vector.broadcast %broadcast_in_dim3A_1175 : i32 to vector<16xi32>
      %broadcast_in_dim3A_1177 = arith.constant 12 : i32
      %broadcast_in_dim3A_1178 = vector.broadcast %broadcast_in_dim3A_1177 : i32 to vector<16xi32>
      %broadcast_in_dim3A_1179 = arith.constant 13 : i32
      %broadcast_in_dim3A_1180 = vector.broadcast %broadcast_in_dim3A_1179 : i32 to vector<16xi32>
      %broadcast_in_dim3A_1181 = arith.constant 14 : i32
      %broadcast_in_dim3A_1182 = vector.broadcast %broadcast_in_dim3A_1181 : i32 to vector<16xi32>
      %broadcast_in_dim3A_1183 = arith.constant 15 : i32
      %broadcast_in_dim3A_1184 = vector.broadcast %broadcast_in_dim3A_1183 : i32 to vector<16xi32>
      %broadcast_in_dim3A_1185 = arith.constant 16 : i32
      %broadcast_in_dim3A_1186 = vector.broadcast %broadcast_in_dim3A_1185 : i32 to vector<16xi32>
      %broadcast_in_dim3A_1187 = arith.constant 17 : i32
      %broadcast_in_dim3A_1188 = vector.broadcast %broadcast_in_dim3A_1187 : i32 to vector<16xi32>
      %broadcast_in_dim3A_1189 = arith.constant 18 : i32
      %broadcast_in_dim3A_1190 = vector.broadcast %broadcast_in_dim3A_1189 : i32 to vector<16xi32>
      %broadcast_in_dim3A_1191 = arith.constant 19 : i32
      %broadcast_in_dim3A_1192 = vector.broadcast %broadcast_in_dim3A_1191 : i32 to vector<16xi32>
      %broadcast_in_dim3A_1193 = arith.constant 20 : i32
      %broadcast_in_dim3A_1194 = vector.broadcast %broadcast_in_dim3A_1193 : i32 to vector<16xi32>
      %broadcast_in_dim3A_1195 = arith.constant 21 : i32
      %broadcast_in_dim3A_1196 = vector.broadcast %broadcast_in_dim3A_1195 : i32 to vector<16xi32>
      %broadcast_in_dim3A_1197 = arith.constant 22 : i32
      %broadcast_in_dim3A_1198 = vector.broadcast %broadcast_in_dim3A_1197 : i32 to vector<16xi32>
      %broadcast_in_dim3A_1199 = arith.constant 23 : i32
      %broadcast_in_dim3A_1200 = vector.broadcast %broadcast_in_dim3A_1199 : i32 to vector<16xi32>
      %broadcast_in_dim3A_1201 = arith.constant 24 : i32
      %broadcast_in_dim3A_1202 = vector.broadcast %broadcast_in_dim3A_1201 : i32 to vector<16xi32>
      %broadcast_in_dim3A_1203 = arith.constant 25 : i32
      %broadcast_in_dim3A_1204 = vector.broadcast %broadcast_in_dim3A_1203 : i32 to vector<16xi32>
      %broadcast_in_dim3A_1205 = arith.constant 26 : i32
      %broadcast_in_dim3A_1206 = vector.broadcast %broadcast_in_dim3A_1205 : i32 to vector<16xi32>
      %broadcast_in_dim3A_1207 = arith.constant 27 : i32
      %broadcast_in_dim3A_1208 = vector.broadcast %broadcast_in_dim3A_1207 : i32 to vector<16xi32>
      %broadcast_in_dim3A_1209 = arith.constant 28 : i32
      %broadcast_in_dim3A_1210 = vector.broadcast %broadcast_in_dim3A_1209 : i32 to vector<16xi32>
      %broadcast_in_dim3A_1211 = arith.constant 29 : i32
      %broadcast_in_dim3A_1212 = vector.broadcast %broadcast_in_dim3A_1211 : i32 to vector<16xi32>
      %broadcast_in_dim3A_1213 = arith.constant 30 : i32
      %broadcast_in_dim3A_1214 = vector.broadcast %broadcast_in_dim3A_1213 : i32 to vector<16xi32>
      %broadcast_in_dim3A_1215 = arith.constant 31 : i32
      %broadcast_in_dim3A_1216 = vector.broadcast %broadcast_in_dim3A_1215 : i32 to vector<16xi32>
      %broadcast_in_dim3A_1217 = arith.constant 32 : i32
      %broadcast_in_dim3A_1218 = vector.broadcast %broadcast_in_dim3A_1217 : i32 to vector<16xi32>
      %broadcast_in_dim3A_1219 = arith.constant 33 : i32
      %broadcast_in_dim3A_1220 = vector.broadcast %broadcast_in_dim3A_1219 : i32 to vector<16xi32>
      %broadcast_in_dim3A_1221 = arith.constant 34 : i32
      %broadcast_in_dim3A_1222 = vector.broadcast %broadcast_in_dim3A_1221 : i32 to vector<16xi32>
      %broadcast_in_dim3A_1223 = arith.constant 35 : i32
      %broadcast_in_dim3A_1224 = vector.broadcast %broadcast_in_dim3A_1223 : i32 to vector<16xi32>
      %broadcast_in_dim3A_1225 = arith.constant 36 : i32
      %broadcast_in_dim3A_1226 = vector.broadcast %broadcast_in_dim3A_1225 : i32 to vector<16xi32>
      %broadcast_in_dim3A_1227 = arith.constant 37 : i32
      %broadcast_in_dim3A_1228 = vector.broadcast %broadcast_in_dim3A_1227 : i32 to vector<16xi32>
      %broadcast_in_dim3A_1229 = arith.constant 38 : i32
      %broadcast_in_dim3A_1230 = vector.broadcast %broadcast_in_dim3A_1229 : i32 to vector<16xi32>
      %broadcast_in_dim3A_1231 = arith.constant 39 : i32
      %broadcast_in_dim3A_1232 = vector.broadcast %broadcast_in_dim3A_1231 : i32 to vector<16xi32>
      %broadcast_in_dim3A_1233 = arith.constant 40 : i32
      %broadcast_in_dim3A_1234 = vector.broadcast %broadcast_in_dim3A_1233 : i32 to vector<16xi32>
      %broadcast_in_dim3A_1235 = arith.constant 41 : i32
      %broadcast_in_dim3A_1236 = vector.broadcast %broadcast_in_dim3A_1235 : i32 to vector<16xi32>
      %broadcast_in_dim3A_1237 = arith.constant 42 : i32
      %broadcast_in_dim3A_1238 = vector.broadcast %broadcast_in_dim3A_1237 : i32 to vector<16xi32>
      %broadcast_in_dim3A_1239 = arith.constant 43 : i32
      %broadcast_in_dim3A_1240 = vector.broadcast %broadcast_in_dim3A_1239 : i32 to vector<16xi32>
      %broadcast_in_dim3A_1241 = arith.constant 44 : i32
      %broadcast_in_dim3A_1242 = vector.broadcast %broadcast_in_dim3A_1241 : i32 to vector<16xi32>
      %broadcast_in_dim3A_1243 = arith.constant 45 : i32
      %broadcast_in_dim3A_1244 = vector.broadcast %broadcast_in_dim3A_1243 : i32 to vector<16xi32>
      %broadcast_in_dim3A_1245 = arith.constant 46 : i32
      %broadcast_in_dim3A_1246 = vector.broadcast %broadcast_in_dim3A_1245 : i32 to vector<16xi32>
      %broadcast_in_dim3A_1247 = arith.constant 47 : i32
      %broadcast_in_dim3A_1248 = vector.broadcast %broadcast_in_dim3A_1247 : i32 to vector<16xi32>
      %broadcast_in_dim3A_1249 = arith.constant 48 : i32
      %broadcast_in_dim3A_1250 = vector.broadcast %broadcast_in_dim3A_1249 : i32 to vector<16xi32>
      %broadcast_in_dim3A_1251 = arith.constant 49 : i32
      %broadcast_in_dim3A_1252 = vector.broadcast %broadcast_in_dim3A_1251 : i32 to vector<16xi32>
      %broadcast_in_dim3A_1253 = arith.constant 50 : i32
      %broadcast_in_dim3A_1254 = vector.broadcast %broadcast_in_dim3A_1253 : i32 to vector<16xi32>
      %broadcast_in_dim3A_1255 = arith.constant 51 : i32
      %broadcast_in_dim3A_1256 = vector.broadcast %broadcast_in_dim3A_1255 : i32 to vector<16xi32>
      %broadcast_in_dim3A_1257 = arith.constant 52 : i32
      %broadcast_in_dim3A_1258 = vector.broadcast %broadcast_in_dim3A_1257 : i32 to vector<16xi32>
      %broadcast_in_dim3A_1259 = arith.constant 53 : i32
      %broadcast_in_dim3A_1260 = vector.broadcast %broadcast_in_dim3A_1259 : i32 to vector<16xi32>
      %broadcast_in_dim3A_1261 = arith.constant 54 : i32
      %broadcast_in_dim3A_1262 = vector.broadcast %broadcast_in_dim3A_1261 : i32 to vector<16xi32>
      %broadcast_in_dim3A_1263 = arith.constant 55 : i32
      %broadcast_in_dim3A_1264 = vector.broadcast %broadcast_in_dim3A_1263 : i32 to vector<16xi32>
      %broadcast_in_dim3A_1265 = arith.constant 56 : i32
      %broadcast_in_dim3A_1266 = vector.broadcast %broadcast_in_dim3A_1265 : i32 to vector<16xi32>
      %broadcast_in_dim3A_1267 = arith.constant 57 : i32
      %broadcast_in_dim3A_1268 = vector.broadcast %broadcast_in_dim3A_1267 : i32 to vector<16xi32>
      %broadcast_in_dim3A_1269 = arith.constant 58 : i32
      %broadcast_in_dim3A_1270 = vector.broadcast %broadcast_in_dim3A_1269 : i32 to vector<16xi32>
      %broadcast_in_dim3A_1271 = arith.constant 59 : i32
      %broadcast_in_dim3A_1272 = vector.broadcast %broadcast_in_dim3A_1271 : i32 to vector<16xi32>
      %broadcast_in_dim3A_1273 = arith.constant 60 : i32
      %broadcast_in_dim3A_1274 = vector.broadcast %broadcast_in_dim3A_1273 : i32 to vector<16xi32>
      %broadcast_in_dim3A_1275 = arith.constant 61 : i32
      %broadcast_in_dim3A_1276 = vector.broadcast %broadcast_in_dim3A_1275 : i32 to vector<16xi32>
      %broadcast_in_dim3A_1277 = arith.constant 62 : i32
      %broadcast_in_dim3A_1278 = vector.broadcast %broadcast_in_dim3A_1277 : i32 to vector<16xi32>
      %broadcast_in_dim3A_1279 = arith.constant 63 : i32
      %broadcast_in_dim3A_1280 = vector.broadcast %broadcast_in_dim3A_1279 : i32 to vector<16xi32>
      %ge3A_1281 = arith.cmpf oge, %get3A_774, %get3A_780 : vector<16xf32>
      %select_n3A_1282 = arith.select %ge3A_1281, %get3A_774, %get3A_780 : vector<16xi1>, vector<16xf32>
      %select_n3A_1283 = arith.select %ge3A_1281, %broadcast_in_dim3A_1154, %broadcast_in_dim3A_1156 : vector<16xi1>, vector<16xi32>
      %ge3A_1284 = arith.cmpf oge, %get3A_786, %get3A_792 : vector<16xf32>
      %select_n3A_1285 = arith.select %ge3A_1284, %get3A_786, %get3A_792 : vector<16xi1>, vector<16xf32>
      %select_n3A_1286 = arith.select %ge3A_1284, %broadcast_in_dim3A_1158, %broadcast_in_dim3A_1160 : vector<16xi1>, vector<16xi32>
      %ge3A_1287 = arith.cmpf oge, %get3A_798, %get3A_804 : vector<16xf32>
      %select_n3A_1288 = arith.select %ge3A_1287, %get3A_798, %get3A_804 : vector<16xi1>, vector<16xf32>
      %select_n3A_1289 = arith.select %ge3A_1287, %broadcast_in_dim3A_1162, %broadcast_in_dim3A_1164 : vector<16xi1>, vector<16xi32>
      %ge3A_1290 = arith.cmpf oge, %get3A_810, %get3A_816 : vector<16xf32>
      %select_n3A_1291 = arith.select %ge3A_1290, %get3A_810, %get3A_816 : vector<16xi1>, vector<16xf32>
      %select_n3A_1292 = arith.select %ge3A_1290, %broadcast_in_dim3A_1166, %broadcast_in_dim3A_1168 : vector<16xi1>, vector<16xi32>
      %ge3A_1293 = arith.cmpf oge, %get3A_822, %get3A_828 : vector<16xf32>
      %select_n3A_1294 = arith.select %ge3A_1293, %get3A_822, %get3A_828 : vector<16xi1>, vector<16xf32>
      %select_n3A_1295 = arith.select %ge3A_1293, %broadcast_in_dim3A_1170, %broadcast_in_dim3A_1172 : vector<16xi1>, vector<16xi32>
      %ge3A_1296 = arith.cmpf oge, %get3A_834, %get3A_840 : vector<16xf32>
      %select_n3A_1297 = arith.select %ge3A_1296, %get3A_834, %get3A_840 : vector<16xi1>, vector<16xf32>
      %select_n3A_1298 = arith.select %ge3A_1296, %broadcast_in_dim3A_1174, %broadcast_in_dim3A_1176 : vector<16xi1>, vector<16xi32>
      %ge3A_1299 = arith.cmpf oge, %get3A_846, %get3A_852 : vector<16xf32>
      %select_n3A_1300 = arith.select %ge3A_1299, %get3A_846, %get3A_852 : vector<16xi1>, vector<16xf32>
      %select_n3A_1301 = arith.select %ge3A_1299, %broadcast_in_dim3A_1178, %broadcast_in_dim3A_1180 : vector<16xi1>, vector<16xi32>
      %ge3A_1302 = arith.cmpf oge, %get3A_858, %get3A_864 : vector<16xf32>
      %select_n3A_1303 = arith.select %ge3A_1302, %get3A_858, %get3A_864 : vector<16xi1>, vector<16xf32>
      %select_n3A_1304 = arith.select %ge3A_1302, %broadcast_in_dim3A_1182, %broadcast_in_dim3A_1184 : vector<16xi1>, vector<16xi32>
      %ge3A_1305 = arith.cmpf oge, %get3A_870, %get3A_876 : vector<16xf32>
      %select_n3A_1306 = arith.select %ge3A_1305, %get3A_870, %get3A_876 : vector<16xi1>, vector<16xf32>
      %select_n3A_1307 = arith.select %ge3A_1305, %broadcast_in_dim3A_1186, %broadcast_in_dim3A_1188 : vector<16xi1>, vector<16xi32>
      %ge3A_1308 = arith.cmpf oge, %get3A_882, %get3A_888 : vector<16xf32>
      %select_n3A_1309 = arith.select %ge3A_1308, %get3A_882, %get3A_888 : vector<16xi1>, vector<16xf32>
      %select_n3A_1310 = arith.select %ge3A_1308, %broadcast_in_dim3A_1190, %broadcast_in_dim3A_1192 : vector<16xi1>, vector<16xi32>
      %ge3A_1311 = arith.cmpf oge, %get3A_894, %get3A_900 : vector<16xf32>
      %select_n3A_1312 = arith.select %ge3A_1311, %get3A_894, %get3A_900 : vector<16xi1>, vector<16xf32>
      %select_n3A_1313 = arith.select %ge3A_1311, %broadcast_in_dim3A_1194, %broadcast_in_dim3A_1196 : vector<16xi1>, vector<16xi32>
      %ge3A_1314 = arith.cmpf oge, %get3A_906, %get3A_912 : vector<16xf32>
      %select_n3A_1315 = arith.select %ge3A_1314, %get3A_906, %get3A_912 : vector<16xi1>, vector<16xf32>
      %select_n3A_1316 = arith.select %ge3A_1314, %broadcast_in_dim3A_1198, %broadcast_in_dim3A_1200 : vector<16xi1>, vector<16xi32>
      %ge3A_1317 = arith.cmpf oge, %get3A_918, %get3A_924 : vector<16xf32>
      %select_n3A_1318 = arith.select %ge3A_1317, %get3A_918, %get3A_924 : vector<16xi1>, vector<16xf32>
      %select_n3A_1319 = arith.select %ge3A_1317, %broadcast_in_dim3A_1202, %broadcast_in_dim3A_1204 : vector<16xi1>, vector<16xi32>
      %ge3A_1320 = arith.cmpf oge, %get3A_930, %get3A_936 : vector<16xf32>
      %select_n3A_1321 = arith.select %ge3A_1320, %get3A_930, %get3A_936 : vector<16xi1>, vector<16xf32>
      %select_n3A_1322 = arith.select %ge3A_1320, %broadcast_in_dim3A_1206, %broadcast_in_dim3A_1208 : vector<16xi1>, vector<16xi32>
      %ge3A_1323 = arith.cmpf oge, %get3A_942, %get3A_948 : vector<16xf32>
      %select_n3A_1324 = arith.select %ge3A_1323, %get3A_942, %get3A_948 : vector<16xi1>, vector<16xf32>
      %select_n3A_1325 = arith.select %ge3A_1323, %broadcast_in_dim3A_1210, %broadcast_in_dim3A_1212 : vector<16xi1>, vector<16xi32>
      %ge3A_1326 = arith.cmpf oge, %get3A_954, %get3A_960 : vector<16xf32>
      %select_n3A_1327 = arith.select %ge3A_1326, %get3A_954, %get3A_960 : vector<16xi1>, vector<16xf32>
      %select_n3A_1328 = arith.select %ge3A_1326, %broadcast_in_dim3A_1214, %broadcast_in_dim3A_1216 : vector<16xi1>, vector<16xi32>
      %ge3A_1329 = arith.cmpf oge, %get3A_966, %get3A_972 : vector<16xf32>
      %select_n3A_1330 = arith.select %ge3A_1329, %get3A_966, %get3A_972 : vector<16xi1>, vector<16xf32>
      %select_n3A_1331 = arith.select %ge3A_1329, %broadcast_in_dim3A_1218, %broadcast_in_dim3A_1220 : vector<16xi1>, vector<16xi32>
      %ge3A_1332 = arith.cmpf oge, %get3A_978, %get3A_984 : vector<16xf32>
      %select_n3A_1333 = arith.select %ge3A_1332, %get3A_978, %get3A_984 : vector<16xi1>, vector<16xf32>
      %select_n3A_1334 = arith.select %ge3A_1332, %broadcast_in_dim3A_1222, %broadcast_in_dim3A_1224 : vector<16xi1>, vector<16xi32>
      %ge3A_1335 = arith.cmpf oge, %get3A_990, %get3A_996 : vector<16xf32>
      %select_n3A_1336 = arith.select %ge3A_1335, %get3A_990, %get3A_996 : vector<16xi1>, vector<16xf32>
      %select_n3A_1337 = arith.select %ge3A_1335, %broadcast_in_dim3A_1226, %broadcast_in_dim3A_1228 : vector<16xi1>, vector<16xi32>
      %ge3A_1338 = arith.cmpf oge, %get3A_1002, %get3A_1008 : vector<16xf32>
      %select_n3A_1339 = arith.select %ge3A_1338, %get3A_1002, %get3A_1008 : vector<16xi1>, vector<16xf32>
      %select_n3A_1340 = arith.select %ge3A_1338, %broadcast_in_dim3A_1230, %broadcast_in_dim3A_1232 : vector<16xi1>, vector<16xi32>
      %ge3A_1341 = arith.cmpf oge, %get3A_1014, %get3A_1020 : vector<16xf32>
      %select_n3A_1342 = arith.select %ge3A_1341, %get3A_1014, %get3A_1020 : vector<16xi1>, vector<16xf32>
      %select_n3A_1343 = arith.select %ge3A_1341, %broadcast_in_dim3A_1234, %broadcast_in_dim3A_1236 : vector<16xi1>, vector<16xi32>
      %ge3A_1344 = arith.cmpf oge, %get3A_1026, %get3A_1032 : vector<16xf32>
      %select_n3A_1345 = arith.select %ge3A_1344, %get3A_1026, %get3A_1032 : vector<16xi1>, vector<16xf32>
      %select_n3A_1346 = arith.select %ge3A_1344, %broadcast_in_dim3A_1238, %broadcast_in_dim3A_1240 : vector<16xi1>, vector<16xi32>
      %ge3A_1347 = arith.cmpf oge, %get3A_1038, %get3A_1044 : vector<16xf32>
      %select_n3A_1348 = arith.select %ge3A_1347, %get3A_1038, %get3A_1044 : vector<16xi1>, vector<16xf32>
      %select_n3A_1349 = arith.select %ge3A_1347, %broadcast_in_dim3A_1242, %broadcast_in_dim3A_1244 : vector<16xi1>, vector<16xi32>
      %ge3A_1350 = arith.cmpf oge, %get3A_1050, %get3A_1056 : vector<16xf32>
      %select_n3A_1351 = arith.select %ge3A_1350, %get3A_1050, %get3A_1056 : vector<16xi1>, vector<16xf32>
      %select_n3A_1352 = arith.select %ge3A_1350, %broadcast_in_dim3A_1246, %broadcast_in_dim3A_1248 : vector<16xi1>, vector<16xi32>
      %ge3A_1353 = arith.cmpf oge, %get3A_1062, %get3A_1068 : vector<16xf32>
      %select_n3A_1354 = arith.select %ge3A_1353, %get3A_1062, %get3A_1068 : vector<16xi1>, vector<16xf32>
      %select_n3A_1355 = arith.select %ge3A_1353, %broadcast_in_dim3A_1250, %broadcast_in_dim3A_1252 : vector<16xi1>, vector<16xi32>
      %ge3A_1356 = arith.cmpf oge, %get3A_1074, %get3A_1080 : vector<16xf32>
      %select_n3A_1357 = arith.select %ge3A_1356, %get3A_1074, %get3A_1080 : vector<16xi1>, vector<16xf32>
      %select_n3A_1358 = arith.select %ge3A_1356, %broadcast_in_dim3A_1254, %broadcast_in_dim3A_1256 : vector<16xi1>, vector<16xi32>
      %ge3A_1359 = arith.cmpf oge, %get3A_1086, %get3A_1092 : vector<16xf32>
      %select_n3A_1360 = arith.select %ge3A_1359, %get3A_1086, %get3A_1092 : vector<16xi1>, vector<16xf32>
      %select_n3A_1361 = arith.select %ge3A_1359, %broadcast_in_dim3A_1258, %broadcast_in_dim3A_1260 : vector<16xi1>, vector<16xi32>
      %ge3A_1362 = arith.cmpf oge, %get3A_1098, %get3A_1104 : vector<16xf32>
      %select_n3A_1363 = arith.select %ge3A_1362, %get3A_1098, %get3A_1104 : vector<16xi1>, vector<16xf32>
      %select_n3A_1364 = arith.select %ge3A_1362, %broadcast_in_dim3A_1262, %broadcast_in_dim3A_1264 : vector<16xi1>, vector<16xi32>
      %ge3A_1365 = arith.cmpf oge, %get3A_1110, %get3A_1116 : vector<16xf32>
      %select_n3A_1366 = arith.select %ge3A_1365, %get3A_1110, %get3A_1116 : vector<16xi1>, vector<16xf32>
      %select_n3A_1367 = arith.select %ge3A_1365, %broadcast_in_dim3A_1266, %broadcast_in_dim3A_1268 : vector<16xi1>, vector<16xi32>
      %ge3A_1368 = arith.cmpf oge, %get3A_1122, %get3A_1128 : vector<16xf32>
      %select_n3A_1369 = arith.select %ge3A_1368, %get3A_1122, %get3A_1128 : vector<16xi1>, vector<16xf32>
      %select_n3A_1370 = arith.select %ge3A_1368, %broadcast_in_dim3A_1270, %broadcast_in_dim3A_1272 : vector<16xi1>, vector<16xi32>
      %ge3A_1371 = arith.cmpf oge, %get3A_1134, %get3A_1140 : vector<16xf32>
      %select_n3A_1372 = arith.select %ge3A_1371, %get3A_1134, %get3A_1140 : vector<16xi1>, vector<16xf32>
      %select_n3A_1373 = arith.select %ge3A_1371, %broadcast_in_dim3A_1274, %broadcast_in_dim3A_1276 : vector<16xi1>, vector<16xi32>
      %ge3A_1374 = arith.cmpf oge, %get3A_1146, %get3A_1152 : vector<16xf32>
      %select_n3A_1375 = arith.select %ge3A_1374, %get3A_1146, %get3A_1152 : vector<16xi1>, vector<16xf32>
      %select_n3A_1376 = arith.select %ge3A_1374, %broadcast_in_dim3A_1278, %broadcast_in_dim3A_1280 : vector<16xi1>, vector<16xi32>
      %ge3A_1377 = arith.cmpf oge, %select_n3A_1282, %select_n3A_1285 : vector<16xf32>
      %select_n3A_1378 = arith.select %ge3A_1377, %select_n3A_1282, %select_n3A_1285 : vector<16xi1>, vector<16xf32>
      %select_n3A_1379 = arith.select %ge3A_1377, %select_n3A_1283, %select_n3A_1286 : vector<16xi1>, vector<16xi32>
      %ge3A_1380 = arith.cmpf oge, %select_n3A_1288, %select_n3A_1291 : vector<16xf32>
      %select_n3A_1381 = arith.select %ge3A_1380, %select_n3A_1288, %select_n3A_1291 : vector<16xi1>, vector<16xf32>
      %select_n3A_1382 = arith.select %ge3A_1380, %select_n3A_1289, %select_n3A_1292 : vector<16xi1>, vector<16xi32>
      %ge3A_1383 = arith.cmpf oge, %select_n3A_1294, %select_n3A_1297 : vector<16xf32>
      %select_n3A_1384 = arith.select %ge3A_1383, %select_n3A_1294, %select_n3A_1297 : vector<16xi1>, vector<16xf32>
      %select_n3A_1385 = arith.select %ge3A_1383, %select_n3A_1295, %select_n3A_1298 : vector<16xi1>, vector<16xi32>
      %ge3A_1386 = arith.cmpf oge, %select_n3A_1300, %select_n3A_1303 : vector<16xf32>
      %select_n3A_1387 = arith.select %ge3A_1386, %select_n3A_1300, %select_n3A_1303 : vector<16xi1>, vector<16xf32>
      %select_n3A_1388 = arith.select %ge3A_1386, %select_n3A_1301, %select_n3A_1304 : vector<16xi1>, vector<16xi32>
      %ge3A_1389 = arith.cmpf oge, %select_n3A_1306, %select_n3A_1309 : vector<16xf32>
      %select_n3A_1390 = arith.select %ge3A_1389, %select_n3A_1306, %select_n3A_1309 : vector<16xi1>, vector<16xf32>
      %select_n3A_1391 = arith.select %ge3A_1389, %select_n3A_1307, %select_n3A_1310 : vector<16xi1>, vector<16xi32>
      %ge3A_1392 = arith.cmpf oge, %select_n3A_1312, %select_n3A_1315 : vector<16xf32>
      %select_n3A_1393 = arith.select %ge3A_1392, %select_n3A_1312, %select_n3A_1315 : vector<16xi1>, vector<16xf32>
      %select_n3A_1394 = arith.select %ge3A_1392, %select_n3A_1313, %select_n3A_1316 : vector<16xi1>, vector<16xi32>
      %ge3A_1395 = arith.cmpf oge, %select_n3A_1318, %select_n3A_1321 : vector<16xf32>
      %select_n3A_1396 = arith.select %ge3A_1395, %select_n3A_1318, %select_n3A_1321 : vector<16xi1>, vector<16xf32>
      %select_n3A_1397 = arith.select %ge3A_1395, %select_n3A_1319, %select_n3A_1322 : vector<16xi1>, vector<16xi32>
      %ge3A_1398 = arith.cmpf oge, %select_n3A_1324, %select_n3A_1327 : vector<16xf32>
      %select_n3A_1399 = arith.select %ge3A_1398, %select_n3A_1324, %select_n3A_1327 : vector<16xi1>, vector<16xf32>
      %select_n3A_1400 = arith.select %ge3A_1398, %select_n3A_1325, %select_n3A_1328 : vector<16xi1>, vector<16xi32>
      %ge3A_1401 = arith.cmpf oge, %select_n3A_1330, %select_n3A_1333 : vector<16xf32>
      %select_n3A_1402 = arith.select %ge3A_1401, %select_n3A_1330, %select_n3A_1333 : vector<16xi1>, vector<16xf32>
      %select_n3A_1403 = arith.select %ge3A_1401, %select_n3A_1331, %select_n3A_1334 : vector<16xi1>, vector<16xi32>
      %ge3A_1404 = arith.cmpf oge, %select_n3A_1336, %select_n3A_1339 : vector<16xf32>
      %select_n3A_1405 = arith.select %ge3A_1404, %select_n3A_1336, %select_n3A_1339 : vector<16xi1>, vector<16xf32>
      %select_n3A_1406 = arith.select %ge3A_1404, %select_n3A_1337, %select_n3A_1340 : vector<16xi1>, vector<16xi32>
      %ge3A_1407 = arith.cmpf oge, %select_n3A_1342, %select_n3A_1345 : vector<16xf32>
      %select_n3A_1408 = arith.select %ge3A_1407, %select_n3A_1342, %select_n3A_1345 : vector<16xi1>, vector<16xf32>
      %select_n3A_1409 = arith.select %ge3A_1407, %select_n3A_1343, %select_n3A_1346 : vector<16xi1>, vector<16xi32>
      %ge3A_1410 = arith.cmpf oge, %select_n3A_1348, %select_n3A_1351 : vector<16xf32>
      %select_n3A_1411 = arith.select %ge3A_1410, %select_n3A_1348, %select_n3A_1351 : vector<16xi1>, vector<16xf32>
      %select_n3A_1412 = arith.select %ge3A_1410, %select_n3A_1349, %select_n3A_1352 : vector<16xi1>, vector<16xi32>
      %ge3A_1413 = arith.cmpf oge, %select_n3A_1354, %select_n3A_1357 : vector<16xf32>
      %select_n3A_1414 = arith.select %ge3A_1413, %select_n3A_1354, %select_n3A_1357 : vector<16xi1>, vector<16xf32>
      %select_n3A_1415 = arith.select %ge3A_1413, %select_n3A_1355, %select_n3A_1358 : vector<16xi1>, vector<16xi32>
      %ge3A_1416 = arith.cmpf oge, %select_n3A_1360, %select_n3A_1363 : vector<16xf32>
      %select_n3A_1417 = arith.select %ge3A_1416, %select_n3A_1360, %select_n3A_1363 : vector<16xi1>, vector<16xf32>
      %select_n3A_1418 = arith.select %ge3A_1416, %select_n3A_1361, %select_n3A_1364 : vector<16xi1>, vector<16xi32>
      %ge3A_1419 = arith.cmpf oge, %select_n3A_1366, %select_n3A_1369 : vector<16xf32>
      %select_n3A_1420 = arith.select %ge3A_1419, %select_n3A_1366, %select_n3A_1369 : vector<16xi1>, vector<16xf32>
      %select_n3A_1421 = arith.select %ge3A_1419, %select_n3A_1367, %select_n3A_1370 : vector<16xi1>, vector<16xi32>
      %ge3A_1422 = arith.cmpf oge, %select_n3A_1372, %select_n3A_1375 : vector<16xf32>
      %select_n3A_1423 = arith.select %ge3A_1422, %select_n3A_1372, %select_n3A_1375 : vector<16xi1>, vector<16xf32>
      %select_n3A_1424 = arith.select %ge3A_1422, %select_n3A_1373, %select_n3A_1376 : vector<16xi1>, vector<16xi32>
      %ge3A_1425 = arith.cmpf oge, %select_n3A_1378, %select_n3A_1381 : vector<16xf32>
      %select_n3A_1426 = arith.select %ge3A_1425, %select_n3A_1378, %select_n3A_1381 : vector<16xi1>, vector<16xf32>
      %select_n3A_1427 = arith.select %ge3A_1425, %select_n3A_1379, %select_n3A_1382 : vector<16xi1>, vector<16xi32>
      %ge3A_1428 = arith.cmpf oge, %select_n3A_1384, %select_n3A_1387 : vector<16xf32>
      %select_n3A_1429 = arith.select %ge3A_1428, %select_n3A_1384, %select_n3A_1387 : vector<16xi1>, vector<16xf32>
      %select_n3A_1430 = arith.select %ge3A_1428, %select_n3A_1385, %select_n3A_1388 : vector<16xi1>, vector<16xi32>
      %ge3A_1431 = arith.cmpf oge, %select_n3A_1390, %select_n3A_1393 : vector<16xf32>
      %select_n3A_1432 = arith.select %ge3A_1431, %select_n3A_1390, %select_n3A_1393 : vector<16xi1>, vector<16xf32>
      %select_n3A_1433 = arith.select %ge3A_1431, %select_n3A_1391, %select_n3A_1394 : vector<16xi1>, vector<16xi32>
      %ge3A_1434 = arith.cmpf oge, %select_n3A_1396, %select_n3A_1399 : vector<16xf32>
      %select_n3A_1435 = arith.select %ge3A_1434, %select_n3A_1396, %select_n3A_1399 : vector<16xi1>, vector<16xf32>
      %select_n3A_1436 = arith.select %ge3A_1434, %select_n3A_1397, %select_n3A_1400 : vector<16xi1>, vector<16xi32>
      %ge3A_1437 = arith.cmpf oge, %select_n3A_1402, %select_n3A_1405 : vector<16xf32>
      %select_n3A_1438 = arith.select %ge3A_1437, %select_n3A_1402, %select_n3A_1405 : vector<16xi1>, vector<16xf32>
      %select_n3A_1439 = arith.select %ge3A_1437, %select_n3A_1403, %select_n3A_1406 : vector<16xi1>, vector<16xi32>
      %ge3A_1440 = arith.cmpf oge, %select_n3A_1408, %select_n3A_1411 : vector<16xf32>
      %select_n3A_1441 = arith.select %ge3A_1440, %select_n3A_1408, %select_n3A_1411 : vector<16xi1>, vector<16xf32>
      %select_n3A_1442 = arith.select %ge3A_1440, %select_n3A_1409, %select_n3A_1412 : vector<16xi1>, vector<16xi32>
      %ge3A_1443 = arith.cmpf oge, %select_n3A_1414, %select_n3A_1417 : vector<16xf32>
      %select_n3A_1444 = arith.select %ge3A_1443, %select_n3A_1414, %select_n3A_1417 : vector<16xi1>, vector<16xf32>
      %select_n3A_1445 = arith.select %ge3A_1443, %select_n3A_1415, %select_n3A_1418 : vector<16xi1>, vector<16xi32>
      %ge3A_1446 = arith.cmpf oge, %select_n3A_1420, %select_n3A_1423 : vector<16xf32>
      %select_n3A_1447 = arith.select %ge3A_1446, %select_n3A_1420, %select_n3A_1423 : vector<16xi1>, vector<16xf32>
      %select_n3A_1448 = arith.select %ge3A_1446, %select_n3A_1421, %select_n3A_1424 : vector<16xi1>, vector<16xi32>
      %ge3A_1449 = arith.cmpf oge, %select_n3A_1426, %select_n3A_1429 : vector<16xf32>
      %select_n3A_1450 = arith.select %ge3A_1449, %select_n3A_1426, %select_n3A_1429 : vector<16xi1>, vector<16xf32>
      %select_n3A_1451 = arith.select %ge3A_1449, %select_n3A_1427, %select_n3A_1430 : vector<16xi1>, vector<16xi32>
      %ge3A_1452 = arith.cmpf oge, %select_n3A_1432, %select_n3A_1435 : vector<16xf32>
      %select_n3A_1453 = arith.select %ge3A_1452, %select_n3A_1432, %select_n3A_1435 : vector<16xi1>, vector<16xf32>
      %select_n3A_1454 = arith.select %ge3A_1452, %select_n3A_1433, %select_n3A_1436 : vector<16xi1>, vector<16xi32>
      %ge3A_1455 = arith.cmpf oge, %select_n3A_1438, %select_n3A_1441 : vector<16xf32>
      %select_n3A_1456 = arith.select %ge3A_1455, %select_n3A_1438, %select_n3A_1441 : vector<16xi1>, vector<16xf32>
      %select_n3A_1457 = arith.select %ge3A_1455, %select_n3A_1439, %select_n3A_1442 : vector<16xi1>, vector<16xi32>
      %ge3A_1458 = arith.cmpf oge, %select_n3A_1444, %select_n3A_1447 : vector<16xf32>
      %select_n3A_1459 = arith.select %ge3A_1458, %select_n3A_1444, %select_n3A_1447 : vector<16xi1>, vector<16xf32>
      %select_n3A_1460 = arith.select %ge3A_1458, %select_n3A_1445, %select_n3A_1448 : vector<16xi1>, vector<16xi32>
      %ge3A_1461 = arith.cmpf oge, %select_n3A_1450, %select_n3A_1453 : vector<16xf32>
      %select_n3A_1462 = arith.select %ge3A_1461, %select_n3A_1450, %select_n3A_1453 : vector<16xi1>, vector<16xf32>
      %select_n3A_1463 = arith.select %ge3A_1461, %select_n3A_1451, %select_n3A_1454 : vector<16xi1>, vector<16xi32>
      %ge3A_1464 = arith.cmpf oge, %select_n3A_1456, %select_n3A_1459 : vector<16xf32>
      %select_n3A_1465 = arith.select %ge3A_1464, %select_n3A_1456, %select_n3A_1459 : vector<16xi1>, vector<16xf32>
      %select_n3A_1466 = arith.select %ge3A_1464, %select_n3A_1457, %select_n3A_1460 : vector<16xi1>, vector<16xi32>
      %ge3A_1467 = arith.cmpf oge, %select_n3A_1462, %select_n3A_1465 : vector<16xf32>
      %select_n3A_1468 = arith.select %ge3A_1467, %select_n3A_1462, %select_n3A_1465 : vector<16xi1>, vector<16xf32>
      %select_n3A_1469 = arith.select %ge3A_1467, %select_n3A_1463, %select_n3A_1466 : vector<16xi1>, vector<16xi32>
      tpu.vector_store_idx %arg5[%select_n3A_1469], %broadcast_in_dim3A_26 {add = true} : memref<64xf32, #tpu.memory_space<vmem>>[vector<16xi32>], vector<16xf32>,
    }
    %scan3A_63 = arith.constant 8 : i32
    "tpu.region"() ({
      %run_scoped3A = tpu.sem_alloc : memref<!tpu.dma_semaphore, #tpu.memory_space<semaphore_mem>>
      %dma_start3A_64 = arith.constant 0 : i32
      %dma_start3A_65 = tpu.memref_slice %arg3[%add3A, %dma_start3A_64] : memref<32x64xf32, #tpu.memory_space<hbm>> -> memref<1x64xf32, #tpu.memory_space<hbm>>
      %dma_start3A_66 = tpu.memref_squeeze %dma_start3A_65 : memref<1x64xf32, #tpu.memory_space<hbm>> -> memref<64xf32, #tpu.memory_space<hbm>>
      %dma_start3A_67 = arith.constant 0 : i32
      %dma_start3A_68 = tpu.memref_slice %arg3[%add3A, %dma_start3A_67] : memref<32x64xf32, #tpu.memory_space<hbm>> -> memref<1x64xf32, #tpu.memory_space<hbm>>
      %dma_start3A_69 = tpu.memref_squeeze %dma_start3A_68 : memref<1x64xf32, #tpu.memory_space<hbm>> -> memref<64xf32, #tpu.memory_space<hbm>>
      tpu.enqueue_dma source(%arg5 : memref<64xf32, #tpu.memory_space<vmem>>) target(%dma_start3A_69 : memref<64xf32, #tpu.memory_space<hbm>>) target_semaphore(%run_scoped3A : memref<!tpu.dma_semaphore, #tpu.memory_space<semaphore_mem>>)
      %dma_wait3A_70 = arith.constant 0 : i32
      %dma_wait3A_71 = tpu.memref_slice %arg3[%add3A, %dma_wait3A_70] : memref<32x64xf32, #tpu.memory_space<hbm>> -> memref<1x64xf32, #tpu.memory_space<hbm>>
      %dma_wait3A_72 = tpu.memref_squeeze %dma_wait3A_71 : memref<1x64xf32, #tpu.memory_space<hbm>> -> memref<64xf32, #tpu.memory_space<hbm>>
      %dma_wait3A_73 = arith.constant 0 : i32
      %dma_wait3A_74 = tpu.memref_slice %arg3[%add3A, %dma_wait3A_73] : memref<32x64xf32, #tpu.memory_space<hbm>> -> memref<1x64xf32, #tpu.memory_space<hbm>>
      %dma_wait3A_75 = tpu.memref_squeeze %dma_wait3A_74 : memref<1x64xf32, #tpu.memory_space<hbm>> -> memref<64xf32, #tpu.memory_space<hbm>>
      tpu.wait_dma2 semaphore(%run_scoped3A : memref<!tpu.dma_semaphore, #tpu.memory_space<semaphore_mem>>) src(%arg5 : memref<64xf32, #tpu.memory_space<vmem>>) dst(%dma_wait3A_75 : memref<64xf32, #tpu.memory_space<hbm>>)
      tpu.yield
    }) : () -> ()
    return
  }
}

module attributes {stable_mosaic.version = 14 : i64} {
  func.func @_cs_body(%arg0: i32, %arg1: memref<64x2048xf32, #tpu.memory_space<vmem>>, %arg2: memref<1x64xf32, #tpu.memory_space<vmem>>, %arg3: memref<64x128xf32, #tpu.memory_space<vmem>>) attributes {dimension_semantics = [#tpu.dimension_semantics<arbitrary>], iteration_bounds = array<i64: 8>, scalar_prefetch = 0 : i64, scratch_operands = 1 : i64, tpu.core_type = #tpu.core_type<tc>, window_params = [{transform_indices = @transform_0, window_bounds = array<i64: 64, 2048>}, {pipeline_mode = #tpu.pipeline_mode<synchronous>, transform_indices = @transform_1, window_bounds = array<i64: 1, 64>}]} {
    %get3A = arith.constant 0 : index
    %get3A_0 = arith.constant 0 : index
    %get3A_1 = vector.load %arg1[%get3A, %get3A_0] : memref<64x2048xf32, #tpu.memory_space<vmem>>, vector<64x2048xf32>
    %reshape3A = vector.shape_cast %get3A_1 : vector<64x2048xf32> to vector<64x16x128xf32>
    %reduce_sum3A = arith.constant dense<0.000000e+00> : vector<64x128xf32>
    %reduce_sum3A_2 = vector.multi_reduction <add>, %reshape3A, %reduce_sum3A [1] : vector<64x16x128xf32> to vector<64x128xf32>
    %eq3A = arith.constant 0 : i32
    %eq3A_3 = arith.cmpi eq, %arg0, %eq3A : i32
    %convert_element_type3A = arith.extui %eq3A_3 : i1 to i32
    %cond3A = arith.constant 0 : i32
    %cond3A_4 = arith.cmpi ne, %convert_element_type3A, %cond3A : i32
    scf.if %cond3A_4 {
      %swap3A = arith.constant 0 : index
      %swap3A_14 = arith.constant 0 : index
      %swap3A_15 = vector.load %arg3[%swap3A, %swap3A_14] : memref<64x128xf32, #tpu.memory_space<vmem>>, vector<64x128xf32>
      tpu.vector_store %arg3[%swap3A, %swap3A_14], %reduce_sum3A_2 {strides = array<i32>} : memref<64x128xf32, #tpu.memory_space<vmem>>, vector<64x128xf32>,
    } else {
    }
    %ne3A = arith.constant 0 : i32
    %ne3A_5 = arith.cmpi ne, %arg0, %ne3A : i32
    %convert_element_type3A_6 = arith.extui %ne3A_5 : i1 to i32
    %cond3A_7 = arith.constant 0 : i32
    %cond3A_8 = arith.cmpi ne, %convert_element_type3A_6, %cond3A_7 : i32
    scf.if %cond3A_8 {
      %get3A_14 = arith.constant 0 : index
      %get3A_15 = arith.constant 0 : index
      %get3A_16 = vector.load %arg3[%get3A_14, %get3A_15] : memref<64x128xf32, #tpu.memory_space<vmem>>, vector<64x128xf32>
      %add3A = arith.addf %get3A_16, %reduce_sum3A_2 : vector<64x128xf32>
      %swap3A = arith.constant 0 : index
      %swap3A_17 = arith.constant 0 : index
      %swap3A_18 = vector.load %arg3[%swap3A, %swap3A_17] : memref<64x128xf32, #tpu.memory_space<vmem>>, vector<64x128xf32>
      tpu.vector_store %arg3[%swap3A, %swap3A_17], %add3A {strides = array<i32>} : memref<64x128xf32, #tpu.memory_space<vmem>>, vector<64x128xf32>,
    } else {
    }
    %eq3A_9 = arith.constant 7 : i32
    %eq3A_10 = arith.cmpi eq, %arg0, %eq3A_9 : i32
    %convert_element_type3A_11 = arith.extui %eq3A_10 : i1 to i32
    %cond3A_12 = arith.constant 0 : i32
    %cond3A_13 = arith.cmpi ne, %convert_element_type3A_11, %cond3A_12 : i32
    scf.if %cond3A_13 {
      %get3A_14 = arith.constant 0 : index
      %get3A_15 = arith.constant 0 : index
      %get3A_16 = vector.load %arg3[%get3A_14, %get3A_15] : memref<64x128xf32, #tpu.memory_space<vmem>>, vector<64x128xf32>
      %reduce_sum3A_17 = arith.constant dense<0.000000e+00> : vector<64xf32>
      %reduce_sum3A_18 = vector.multi_reduction <add>, %get3A_16, %reduce_sum3A_17 [1] : vector<64x128xf32> to vector<64xf32>
      %reshape3A_19 = vector.shape_cast %reduce_sum3A_18 : vector<64xf32> to vector<1x64xf32>
      %swap3A = arith.constant 0 : index
      %swap3A_20 = arith.constant 0 : index
      %swap3A_21 = vector.load %arg2[%swap3A, %swap3A_20] : memref<1x64xf32, #tpu.memory_space<vmem>>, vector<1x64xf32>
      tpu.vector_store %arg2[%swap3A, %swap3A_20], %reshape3A_19 {strides = array<i32>} : memref<1x64xf32, #tpu.memory_space<vmem>>, vector<1x64xf32>,
    } else {
    }
    return
  }
  func.func @transform_0(%arg0: i32) -> (i32, i32) {
    %c0_i32 = arith.constant 0 : i32
    %c0_i32_0 = arith.constant 0 : i32
    return %c0_i32, %arg0 : i32, i32
  }
  func.func @transform_1(%arg0: i32) -> (i32, i32) {
    %c0_i32 = arith.constant 0 : i32
    %c0_i32_0 = arith.constant 0 : i32
    %c0_i32_1 = arith.constant 0 : i32
    return %c0_i32, %c0_i32_0 : i32, i32
  }
}

module attributes {stable_mosaic.version = 14 : i64} {
  func.func @_fin_body(%arg0: memref<1x64xf32, #tpu.memory_space<vmem>>, %arg1: memref<32x64xf32, #tpu.memory_space<vmem>>, %arg2: memref<1x1xf32, #tpu.memory_space<vmem>>) attributes {dimension_semantics = [], scalar_prefetch = 0 : i64, scratch_operands = 0 : i64, tpu.core_type = #tpu.core_type<tc>} {
    %get3A = arith.constant 0 : index
    %get3A_0 = arith.constant 0 : index
    %get3A_1 = vector.load %arg1[%get3A, %get3A_0] : memref<32x64xf32, #tpu.memory_space<vmem>>, vector<32x64xf32>
    %reduce_sum3A = arith.constant dense<0.000000e+00> : vector<64xf32>
    %reduce_sum3A_2 = vector.multi_reduction <add>, %get3A_1, %reduce_sum3A [0] : vector<32x64xf32> to vector<64xf32>
    %get3A_3 = arith.constant 0 : index
    %get3A_4 = arith.constant 0 : index
    %get3A_5 = vector.load %arg0[%get3A_3, %get3A_4] : memref<1x64xf32, #tpu.memory_space<vmem>>, vector<1x64xf32>
    %get3A_6 = vector.shape_cast %get3A_5 : vector<1x64xf32> to vector<64xf32>
    %mul3A = arith.mulf %get3A_6, %reduce_sum3A_2 : vector<64xf32>
    %reduce_sum3A_7 = vector.shape_cast %mul3A : vector<64xf32> to vector<1x64xf32>
    %reduce_sum3A_8 = arith.constant dense<0.000000e+00> : vector<1xf32>
    %reduce_sum3A_9 = vector.multi_reduction <add>, %reduce_sum3A_7, %reduce_sum3A_8 [1] : vector<1x64xf32> to vector<1xf32>
    %reduce_sum3A_10 = vector.shape_cast %reduce_sum3A_9 : vector<1xf32> to vector<1x1xf32>
    %reduce_sum3A_11 = vector.extract %reduce_sum3A_10[0, 0] : f32 from vector<1x1xf32>
    %mul3A_12 = arith.constant 2.38418579E-7 : f32
    %mul3A_13 = arith.mulf %reduce_sum3A_11, %mul3A_12 : f32
    %reshape3A = vector.broadcast %mul3A_13 : f32 to vector<1x1xf32>
    %swap3A = arith.constant 0 : index
    %swap3A_14 = arith.constant 0 : index
    %swap3A_15 = vector.load %arg2[%swap3A, %swap3A_14] : memref<1x1xf32, #tpu.memory_space<vmem>>, vector<1x1xf32>
    tpu.vector_store %arg2[%swap3A, %swap3A_14], %reshape3A {strides = array<i32>} : memref<1x1xf32, #tpu.memory_space<vmem>>, vector<1x1xf32>,
    return
  }
}

</mosaic_0001>

<sc_bundles>
// kernel: kernel.5.cloned.1.call-start
scs
__scs_entry_jumppad:
0x0: {  	(pc) =	sbr.rel $0x88, $3  }
0x1: {  	(tag) =	ssettag $0x0;
	lr =	simm.s32 $0x1  }
0x2: {  	[smem:$0x3FA0] =	sst lr;
	_ =	strace $0xD0000000  }
0x3: {  	_ = 	snop  }
0x4: {  	_ = 	snop  }
0x5: {  	_ = 	snop  }
0x6: {  	_ = 	snop  }
0x7: {  	_ = 	snop  }
__scs_overlays_trampoline_lowered:
0x8: {  	[smem:$0x3FAF] =	sst s0  }
0x9: {  	[smem:$0x3FB0] =	sst s1  }
0xa: {  	[smem:$0x3FB1] =	sst s2  }
0xb: {  	[smem:$0x3FB2] =	sst s3  }
0xc: {  	[smem:$0x3FB3] =	sst s4  }
0xd: {  	[smem:$0x3FB4] =	sst s5  }
0xe: {  	[smem:$0x3FB5] =	sst s6  }
0xf: {  	[smem:$0x3FB6] =	sst s7  }
0x10: {  	[smem:$0x3FB7] =	sst s8  }
0x11: {  	[smem:$0x3FB8] =	sst s9;
	s0 =	simm.s32 @!p0 $0x0  }
0x12: {  	s1 =	sld [smem:$0x3F9E];
	s0 =	simm.s32 @p0 $0x1  }
0x13: {  	[smem:$0x3FB9] =	sst s0;
	s0 =	simm.s32 @!p1 $0x0  }
0x14: {  	s2 =	sld [smem:$0x3F9D];
	s0 =	simm.s32 @p1 $0x1  }
0x15: {  	[smem:$0x3FBA] =	sst s0;
	s0 =	simm.s32 @!p2 $0x0  }
0x16: {  	s3 =	sld [smem:$0x3FDB];
	s0 =	simm.s32 @p2 $0x1  }
0x17: {  	s4 =	simm.s32 $0x1BF5;
	[smem:$0x3FBC] =	sst s0  }
0x18: {  	s0 =	sld [smem:$0x3F9F];
	_ =	swait.ge [sflag:s4], $0x0  }
0x19: {  	s7 =	sld [smem:$0x3FA0]  }
0x1a: {  	s8 =	sadd.s32 $0xFFFFE003, lr  }
0x1b: {  	s9 =	sadd.s32 $0xFFFFFEF7, lr;
	s5 =	simm.s32 $0xFFFFFFFF;
	p2 =	slt.u32 s8, $0xFFFFF086  }
0x1c: {  	p1 =	slt.u32 s9, $0xF7A;
	s5 =	simm.s32 @!p2 $0x0  }
0x1d: {  	s5 =	simm.s32 @p1 $0x1;
	p0 =	seq.s32 s7, s2  }
0x1e: {  	s7 =	smul.u32 @!p0 $0xF7A, s2;
	p2 =	seq.s32 @!p0 s5, $0x0  }
0x1f: {  	s9 =	smul.u32 $0xF7A, s1;
	s8 =	simm.s32 @!p0 $0x1BF5;
	p2 =	por !p2, p0  }
0x20: {  	[sflag:s8] =	ssyncset.s32 @!p0 $0xFFFFF086;
	s6 =	sadd.s32 @!p0 s3, s7;
	s7 =	simm.s32 @!p0 $0x108  }
0x21: {  	s3 =	sadd.s32 s3, s9;
	s6 =	sadd.s32 @!p0 $0x88, s6;
	s7 =	simm.s32 @p2 $0x1082  }
0x22: {  	[simem:s7], [sflag:s8] =	dma.local @!p0 [hbm:s6], $0xF7A  }
0x23: {  	s9 =	sor.u32 $0xD0000000, s2;
	s6 =	simm.s32 $0x108;
	_ =	swait.ge @!p0 [sflag:s8], $0x0  }
0x24: {  	s3 =	sadd.s32 $0x88, s3;
	s6 =	simm.s32 @!p1 $0x1082;
	[sflag:s4] =	ssyncset.s32 $0xFFFFF086  }
0x25: {  	[simem:s6], [sflag:s4] =	dma.local [hbm:s3], $0xF7A  }
0x26: {  	[smem:$0x3FA0] =	sst s1;
	(tag) =	ssettag s2;
	_ =	strace s9  }
0x27: {  	s1 =	sld [smem:$0x3FB0]  }
0x28: {  	s2 =	sld [smem:$0x3FB1]  }
0x29: {  	s4 =	sld [smem:$0x3FB3]  }
0x2a: {  	p0 =	seq.s32 s5, $0x0;
	s5 =	sld [smem:$0x3FB4]  }
0x2b: {  	s6 =	sld [smem:$0x3FB5]  }
0x2c: {  	s7 =	sld [smem:$0x3FB6]  }
0x2d: {  	s3 =	simm.s32 $0x108;
	s8 =	sld [smem:$0x3FB7]  }
0x2e: {  	s3 =	simm.s32 @!p0 $0x1082;
	s9 =	sld [smem:$0x3FB8]  }
0x2f: {  	lr =	sadd.s32 s0, s3;
	s0 =	sld [smem:$0x3FAF]  }
0x30: {  	s3 =	sld [smem:$0x3FB2]  }
0x31: {  	[smem:$0x3FBB] =	sst s10  }
0x32: {  	s10 =	sld [smem:$0x3FB9];
	_ =	sdelay $0x3  }
0x33: {  	p0 =	seq.s32 s10, $0x1;
	s10 =	sld [smem:$0x3FBB];
	_ =	sdelay $0x3  }
0x34: {  	[smem:$0x3FBB] =	sst s10  }
0x35: {  	s10 =	sld [smem:$0x3FBA];
	_ =	sdelay $0x3  }
0x36: {  	p1 =	seq.s32 s10, $0x1;
	s10 =	sld [smem:$0x3FBB];
	_ =	sdelay $0x3  }
0x37: {  	[smem:$0x3FBB] =	sst s10  }
0x38: {  	s10 =	sld [smem:$0x3FBC]  }
0x39: {  	_ = 	snop;
	(pc) =	sbr.ind lr, $3  }
0x3a: {  	_ = 	snop  }
0x3b: {  	_ = 	snop  }
0x3c: {  	p2 =	seq.s32 s10, $0x1;
	s10 =	sld [smem:$0x3FBB]  }
0x3d: {  	_ =	shalt  }
0x3e: {  	_ =	shalt  }
0x3f: {  	_ =	shalt  }
0x40: {  	_ =	shalt  }
0x41: {  	_ =	shalt  }
0x42: {  	_ =	shalt  }
0x43: {  	_ =	shalt  }
0x44: {  	_ =	shalt  }
0x45: {  	_ =	shalt  }
0x46: {  	_ =	shalt  }
0x47: {  	_ =	shalt  }
0x48: {  	_ =	shalt  }
0x49: {  	_ =	shalt  }
0x4a: {  	_ =	shalt  }
0x4b: {  	_ =	shalt  }
0x4c: {  	_ =	shalt  }
0x4d: {  	_ =	shalt  }
0x4e: {  	_ =	shalt  }
0x4f: {  	_ =	shalt  }
0x50: {  	_ =	shalt  }
0x51: {  	_ =	shalt  }
0x52: {  	_ =	shalt  }
0x53: {  	_ =	shalt  }
0x54: {  	_ =	shalt  }
0x55: {  	_ =	shalt  }
0x56: {  	_ =	shalt  }
0x57: {  	_ =	shalt  }
0x58: {  	_ =	shalt  }
0x59: {  	_ =	shalt  }
0x5a: {  	_ =	shalt  }
0x5b: {  	_ =	shalt  }
0x5c: {  	_ =	shalt  }
0x5d: {  	_ =	shalt  }
0x5e: {  	_ =	shalt  }
0x5f: {  	_ =	shalt  }
0x60: {  	_ =	shalt  }
0x61: {  	_ =	shalt  }
0x62: {  	_ =	shalt  }
0x63: {  	_ =	shalt  }
0x64: {  	_ =	shalt  }
0x65: {  	_ =	shalt  }
0x66: {  	_ =	shalt  }
0x67: {  	_ =	shalt  }
0x68: {  	_ =	shalt  }
0x69: {  	_ =	shalt  }
0x6a: {  	_ =	shalt  }
0x6b: {  	_ =	shalt  }
0x6c: {  	_ =	shalt  }
0x6d: {  	_ =	shalt  }
0x6e: {  	_ =	shalt  }
0x6f: {  	_ =	shalt  }
0x70: {  	_ =	shalt  }
0x71: {  	_ =	shalt  }
0x72: {  	_ =	shalt  }
0x73: {  	_ =	shalt  }
0x74: {  	_ =	shalt  }
0x75: {  	_ =	shalt  }
0x76: {  	_ =	shalt  }
0x77: {  	_ =	shalt  }
0x78: {  	_ =	shalt  }
0x79: {  	_ =	shalt  }
0x7a: {  	_ =	shalt  }
0x7b: {  	_ =	shalt  }
0x7c: {  	_ =	shalt  }
0x7d: {  	_ =	shalt  }
0x7e: {  	_ =	shalt  }
0x7f: {  	_ =	shalt  }
0x80: {  	_ =	shalt  }
0x81: {  	_ =	shalt  }
0x82: {  	_ =	shalt  }
0x83: {  	_ =	shalt  }
0x84: {  	_ =	shalt  }
0x85: {  	_ =	shalt  }
0x86: {  	_ =	shalt  }
0x87: {  	_ =	shalt  }
.Lfunc_end0:
.L_simem_size_0:
called_computation_lowered:
.L_overlay_start_0:
0x88: {  	s2 =	sld [smem:$0x3FD9]  }
0x89: {  	s3 =	sld [smem:$0x3FFE];
	_ =	sdelay $0x1  }
0x8a: {  	s1 =	srdreg.scid  }
0x8b: {  	s0 =	sand.u32 $0x1, s1  }
0x8c: {  	s17 =	sshll.u32 s0, $0xA;
	s2 =	sadd.s32 s3, s2  }
0x8d: {  	s2 =	sadd.s32 s2, s17  }
0x8e: {  	[smem:$0x3FC7] =	sst s2  }
0x8f: {  	_ = 	snop  }
0x90: {  	s2 =	sld [smem:$0x3FC9];
	(tm) =	ssettm $0x1  }
0x91: {  	s18 =	sld [smem:$0x3FFB];
	_ =	sdelay $0x3  }
0x92: {  	_ =	strace s18  }
0x93: {  	s3 =	sld [smem:$0x3FFC];
	_ =	sdelay $0x3  }
0x94: {  	_ =	strace s3  }
0x95: {  	s3 =	sld [smem:$0x3FFD];
	_ =	sdelay $0x3  }
0x96: {  	_ =	strace s3  }
0x97: {  	_ =	strace $0x8FFFFFFF  }
0x98: {  	s19 =	sld [smem:$0x3FDB];
	_ =	sdelay $0x1  }
0x99: {  	s4 =	simm.s32 $_scs_section_size  }
0x9a: {  	s5 =	simm.s32 $_size__tile_overlayer_lowered;
	s6 =	simm.s32 $_tile_overlayer_lowered  }
0x9b: {  	s22 =	simm.s32 $0x1BFF;
	s21 =	sshll.u32 s6, $0x1;
	s3 =	sadd.s32 s4, s19  }
0x9c: {  	s7 =	simm.s32 $0x0;
	s20 =	sshll.u32 s5, $0x1;
	s5 =	sadd.s32 s21, s3  }
0x9d: {  	[timem:s7], [sflag:s22] =	dma.local [hbm:s5], s20  }
0x9e: {  	_ =	swait.ge [sflag:s22], s20  }
0x9f: {  	s4 =	ssub.s32 $0x0, s20;
	[sflag:s22] =	ssyncset.done $0x0  }
0xa0: {  	[sflag:s22] =	ssyncadd.s32 s4;
	_ =	sdelay $0x1  }
0xa1: {  	s23 =	simm.s32 $0x1B8B  }
0xa2: {  	_ =	swait.ge [sflag:s23], $0x1  }
0xa3: {  	[sflag:s23] =	ssyncset.done $0x0  }
0xa4: {  	s25 =	simm.s32 $0x1B8E;
	s24 =	sld [smem:$0x3FFE];
	[sflag:s23] =	ssyncadd.s32 $0xFFFFFFFF  }
0xa5: {  	s26 =	simm.s32 $execute0_lowered;
	[smem:$0x3FD2] =	sst s25  }
0xa6: {  	s5 =	sshll.u32 s26, $0x1;
	_ =	strace $0x80000046;
	[dreg:$0x1] =	wrdreg $0xFFFFFFFF  }
0xa7: {  	s28 =	simm.s32 $_size_execute0_lowered;
	s3 =	sadd.s32 s3, s5;
	[dreg:$0x0] =	wrdreg $0x0  }
0xa8: {  	s5 =	sshll.u32 s28, $0x1;
	[dreg:$0x2] =	wrdreg s3  }
0xa9: {  	[dreg:$0x3] =	wrdreg s5  }
0xaa: {  	[dreg:$0x4] =	wrdreg $0xC0  }
0xab: {  	_ =	task [dreg:s7], $0x5FFFF  }
0xac: {  	[dreg:$0x1] =	wrdreg $0xFFFFFFFF  }
0xad: {  	[dreg:$0x0] =	wrdreg $0x60  }
0xae: {  	[dreg:$0x2] =	wrdreg s2  }
0xaf: {  	[dreg:$0x3] =	wrdreg s24  }
0xb0: {  	[dreg:$0x4] =	wrdreg $0x9  }
0xb1: {  	_ =	task.clear_ibuf [dreg:s7], $0x5FFFF;
	_ =	strace $0x90000046  }
0xb2: {  	s29 =	simm.s32 $0x9;
	_ =	strace $0x80000048  }
0xb3: {  	_ =	swait.ge [sflag:s29], $0x1  }
0xb4: {  	[sflag:s29] =	ssyncadd.s32 $0xFFFFFFFF  }
0xb5: {  	_ =	strace $0x90000048  }
0xb6: {  	_ =	sfence  }
0xb7: {  	s30 =	sld [smem:$0x0];
	_ =	sdelay $0x2  }
0xb8: {  	s31 =	sshll.u32 s1, $0xD;
	s1 =	sshrl.u32 s1, $0x2  }
0xb9: {  	s3 =	sand.u32 $0x4000, s31;
	s1 =	sadd.s32 s1, s30  }
0xba: {  	s0 =	sor.u32 s3, s0;
	s1 =	sshll.u32 s1, $0x11  }
0xbb: {  	s0 =	sor.u32 s1, s0  }
0xbc: {  	s0 =	sadd.s32 $0x8F2B, s0  }
0xbd: {  	[sflag:s0] =	ssyncadd.remote.s32 $0x1  }
0xbe: {  	_ =	sfence.sel $0xFFFF  }
0xbf: {  	[dreg:$0x0] =	wrdreg $0xFFFFFFFF;
	(pc) =	sbr.abs _section_cstart, $3  }
0xc0: {  	[dreg:$0x1] =	wrdreg $0xFFFFFFFF  }
0xc1: {  	_ =	task.clear_ibuf [dreg:s7], $0x2FFFF;
	_ =	strace $0x9FFFFFFF  }
0xc2: {  	(tm) =	ssettm $0x7FFFFFFF  }
0xc3: {  	_ =	shalt  }
tec
execute0_lowered:
.L_overlay_start_1:
0x0: {  	(tag) =	ssettag $0x1  }
0x1: {  	s0 =	rddreg [dreg:$0x0]  }
0x2: {  	s1 =	rddreg [dreg:$0x1]  }
0x3: {  	s2 =	srdreg.scid;
	s3 =	stileid.u32  }
0x4: {  	s6 =	simm.s32 $0x0;
	s2 =	sand.u32 $0x1, s2;
	s3 =	sshll.u32 s3, $0x1  }
0x5: {  	[smem:$0x7FF] =	sst s6;
	s3 =	sor.u32 s2, s3  }
0x6: {  	_ =	strace $0x80000047;
	s2 =	ssub.s32 $0x2, s2;
	s4 =	sshll.u32 s3, $0x9  }
0x7: {  	s3 =	sshll.u32 s3, $0x4;
	s5 =	sshrl.u32 s2, $0x1;
	s4 =	sadd.s32 s0, s4  }
0x8: {  	s13 =	sadd.s32 s3, s1;
	s15 =	sadd.s32 $0x100, s4;
	[dreg:$0x3] =	wrdreg s4  }
0x9: {  	s14 =	ssub.s32 s2, s5;
	s0 =	sadd.s32 $0x800, s13;
	[dreg:$0x4] =	wrdreg s15  }
0xa: {  	s16 =	smax.u32 s14, $0x1;
	[dreg:$0x5] =	wrdreg s0  }
0xb: {  	s17 =	sadd.s32 $0x4000, s4;
	[dreg:$0x6] =	wrdreg s16  }
0xc: {  	s18 =	sadd.s32 $0x8000, s4;
	[dreg:$0x7] =	wrdreg s17  }
0xd: {  	s19 =	sadd.s32 $0xC000, s4;
	[dreg:$0x8] =	wrdreg s18  }
0xe: {  	s20 =	sadd.s32 $0x10000, s4;
	[dreg:$0x9] =	wrdreg s19  }
0xf: {  	s21 =	sadd.s32 $0x14000, s4;
	[dreg:$0xa] =	wrdreg s20  }
0x10: {  	s22 =	sadd.s32 $0x18000, s4;
	[dreg:$0xb] =	wrdreg s21  }
0x11: {  	s23 =	sadd.s32 $0x1C000, s4;
	[dreg:$0xc] =	wrdreg s22  }
0x12: {  	s24 =	sadd.s32 $0x4100, s4;
	[dreg:$0xd] =	wrdreg s23  }
0x13: {  	s25 =	sadd.s32 $0x8100, s4;
	[dreg:$0xe] =	wrdreg s24  }
0x14: {  	s26 =	sadd.s32 $0xC100, s4;
	[dreg:$0xf] =	wrdreg s25  }
0x15: {  	v20 =	vimm.s32 $0x27;
	v21 =	vimm.s32 $0x29;
	s28 =	sadd.s32 $0x10100, s4;
	[dreg:$0x10] =	wrdreg s26  }
0x16: {  	v22 =	vimm.s32 $0x2B;
	v23 =	vimm.s32 $0x2D;
	v24 =	vimm.s32 $0x2F;
	s29 =	sadd.s32 $0x14100, s4;
	[dreg:$0x11] =	wrdreg s28  }
0x17: {  	v25 =	vimm.s32 $0x31;
	v26 =	vimm.s32 $0x33;
	v27 =	vimm.s32 $0x35;
	s30 =	sadd.s32 $0x18100, s4;
	[dreg:$0x12] =	wrdreg s29  }
0x18: {  	v28 =	vimm.s32 $0x37;
	v29 =	vimm.s32 $0x39;
	v30 =	vimm.s32 $0x3B;
	s31 =	sadd.s32 $0x1C100, s4;
	[dreg:$0x13] =	wrdreg s30  }
0x19: {  	v31 =	vimm.s32 $0x3D;
	v32 =	vimm.s32 $0x3F;
	v33 =	vimm.f32 $1.000000000e+00;
	s2 =	simm.s32 $0x0;
	[dreg:$0x14] =	wrdreg s31  }
.LBB2_1:
0x1a: {  	[dreg:$0x15] =	wrdreg s2  }
0x1b: {  	s0 =	rddreg [dreg:$0x3]  }
0x1c: {  	[tilespmem:s6], [sflag:$0x1] =	stream.linear.gather [hbm4b:s0+s6], $0x800, $0x38;
	[tilespmem:$0x8080] =	vst v63  }
0x1d: {  	s26 =	rddreg [dreg:$0x7];
	s1 =	simm.s32 $0x1000  }
0x1e: {  	[tilespmem:s1], [sflag:$0x1] =	stream.linear.gather [hbm4b:s26+s6], $0x800, $0x38;
	[tilespmem:$0x8080] =	vst v63  }
0x1f: {  	s28 =	rddreg [dreg:$0x8];
	s30 =	simm.s32 $0x2000  }
0x20: {  	[tilespmem:s30], [sflag:$0x1] =	stream.linear.gather [hbm4b:s28+s6], $0x800, $0x38;
	[tilespmem:$0x8080] =	vst v63  }
0x21: {  	s2 =	simm.s32 $0x3000;
	s1 =	rddreg [dreg:$0x9]  }
0x22: {  	[tilespmem:s2], [sflag:$0x1] =	stream.linear.gather [hbm4b:s1+s6], $0x800, $0x38;
	[tilespmem:$0x8080] =	vst v63  }
0x23: {  	s3 =	rddreg [dreg:$0xa];
	s4 =	simm.s32 $0x4000  }
0x24: {  	[tilespmem:s4], [sflag:$0x1] =	stream.linear.gather [hbm4b:s3+s6], $0x800, $0x38;
	[tilespmem:$0x8080] =	vst v63  }
0x25: {  	s5 =	rddreg [dreg:$0xb];
	s7 =	simm.s32 $0x5000  }
0x26: {  	[tilespmem:s7], [sflag:$0x1] =	stream.linear.gather [hbm4b:s5+s6], $0x800, $0x38;
	[tilespmem:$0x8080] =	vst v63  }
0x27: {  	s8 =	rddreg [dreg:$0xc];
	s9 =	simm.s32 $0x6000  }
0x28: {  	[tilespmem:s9], [sflag:$0x1] =	stream.linear.gather [hbm4b:s8+s6], $0x800, $0x38;
	[tilespmem:$0x8080] =	vst v63  }
0x29: {  	s10 =	rddreg [dreg:$0xd];
	s11 =	simm.s32 $0x7000  }
0x2a: {  	[tilespmem:s11], [sflag:$0x1] =	stream.linear.gather [hbm4b:s10+s6], $0x800, $0x38;
	[tilespmem:$0x8080] =	vst v63  }
0x2b: {  	s12 =	rddreg [dreg:$0x4];
	s13 =	simm.s32 $0x800  }
0x2c: {  	[tilespmem:s13], [sflag:$0x2] =	stream.linear.gather [hbm4b:s12+s6], $0x800, $0x38;
	[tilespmem:$0x8080] =	vst v63  }
0x2d: {  	s14 =	rddreg [dreg:$0xe];
	s15 =	simm.s32 $0x1800  }
0x2e: {  	[tilespmem:s15], [sflag:$0x2] =	stream.linear.gather [hbm4b:s14+s6], $0x800, $0x38;
	[tilespmem:$0x8080] =	vst v63  }
0x2f: {  	s16 =	rddreg [dreg:$0xf];
	s17 =	simm.s32 $0x2800  }
0x30: {  	[tilespmem:s17], [sflag:$0x2] =	stream.linear.gather [hbm4b:s16+s6], $0x800, $0x38;
	[tilespmem:$0x8080] =	vst v63  }
0x31: {  	s18 =	rddreg [dreg:$0x10];
	s19 =	simm.s32 $0x3800  }
0x32: {  	[tilespmem:s19], [sflag:$0x2] =	stream.linear.gather [hbm4b:s18+s6], $0x800, $0x38;
	[tilespmem:$0x8080] =	vst v63  }
0x33: {  	s20 =	rddreg [dreg:$0x11];
	s21 =	simm.s32 $0x4800  }
0x34: {  	[tilespmem:s21], [sflag:$0x2] =	stream.linear.gather [hbm4b:s20+s6], $0x800, $0x38;
	[tilespmem:$0x8080] =	vst v63  }
0x35: {  	s22 =	rddreg [dreg:$0x12];
	s23 =	simm.s32 $0x5800  }
0x36: {  	[tilespmem:s23], [sflag:$0x2] =	stream.linear.gather [hbm4b:s22+s6], $0x800, $0x38;
	[tilespmem:$0x8080] =	vst v63  }
0x37: {  	s24 =	rddreg [dreg:$0x13];
	s25 =	simm.s32 $0x6800  }
0x38: {  	[tilespmem:s25], [sflag:$0x2] =	stream.linear.gather [hbm4b:s24+s6], $0x800, $0x38;
	[tilespmem:$0x8080] =	vst v63  }
0x39: {  	s26 =	rddreg [dreg:$0x14];
	s28 =	simm.s32 $0x7800  }
0x3a: {  	v0 =	vimm.f32 $0.0e+00;
	[tilespmem:s28], [sflag:$0x2] =	stream.linear.gather [hbm4b:s26+s6], $0x800, $0x38;
	[tilespmem:$0x8080] =	vst v63  }
0x3b: {  	[tilespmem:$0x8000] =	vst v0  }
0x3c: {  	[tilespmem:$0x8010] =	vst v0  }
0x3d: {  	[tilespmem:$0x8020] =	vst v0  }
0x3e: {  	s30 =	simm.s32 $0x1;
	[tilespmem:$0x8030] =	vst v0  }
0x3f: {  	_ =	swait.ge [sflag:s30], $0x4000  }
0x40: {  	s29 =	simm.s32 $0x0;
	[sflag:s30] =	ssyncset.done $0x0  }
0x41: {  	s31 =	simm.s32 $0x0;
	s0 =	simm.s32 $0x0;
	[sflag:s30] =	ssyncadd.s32 $0xFFFFC000  }
.LBB2_2:
0x42: {  	s21 =	sand.u32 $0x60, s0;
	s1 =	sand.u32 $0x400, s31  }
0x43: {  	s2 =	sor.u32 s21, s1  }
0x44: {  	v34 =	vld [tilespmem:s2+$0x0]  }
0x45: {  	v35 =	vld [tilespmem:s2+$0x80]  }
0x46: {  	v36 =	vld [tilespmem:s2+$0x100]  }
0x47: {  	v37 =	vld [tilespmem:s2+$0x180]  }
0x48: {  	s15 =	sor.u32 s31, s0;
	v38 =	vld [tilespmem:s2+$0x200]  }
0x49: {  	s16 =	sor.u32 $0x380, s15;
	s17 =	sor.u32 $0x1000, s1;
	v39 =	vld [tilespmem:s2+$0x280]  }
0x4a: {  	s19 =	sor.u32 $0x1080, s1;
	v41 =	vld [tilespmem:s16+$0x0];
	s18 =	sor.u32 s21, s17  }
0x4b: {  	s22 =	sor.u32 $0x1100, s1;
	s20 =	sor.u32 s21, s19;
	v42 =	vld [tilespmem:s18+$0x0]  }
0x4c: {  	s24 =	sor.u32 $0x1180, s1;
	s23 =	sor.u32 s21, s22;
	v43 =	vld [tilespmem:s20+$0x0]  }
0x4d: {  	s26 =	sor.u32 $0x1200, s1;
	s25 =	sor.u32 s21, s24;
	v44 =	vld [tilespmem:s23+$0x0]  }
0x4e: {  	s30 =	sor.u32 $0x1280, s1;
	s28 =	sor.u32 s21, s26;
	v45 =	vld [tilespmem:s25+$0x0]  }
0x4f: {  	s5 =	sor.u32 $0x1300, s1;
	s4 =	sor.u32 s21, s30;
	v46 =	vld [tilespmem:s28+$0x0]  }
0x50: {  	s7 =	sor.u32 $0x1380, s1;
	s6 =	sor.u32 s21, s5;
	v47 =	vld [tilespmem:s4+$0x0]  }
0x51: {  	s3 =	sand.u32 $0x3, s29;
	s9 =	sor.u32 $0x2000, s1;
	s8 =	sor.u32 s21, s7;
	v48 =	vld [tilespmem:s6+$0x0]  }
0x52: {  	s3 =	sshll.u32 s3, $0x5;
	s11 =	sor.u32 $0x2080, s1;
	s10 =	sor.u32 s21, s9;
	v49 =	vld [tilespmem:s8+$0x0]  }
0x53: {  	s15 =	sor.u32 $0x2180, s1;
	[dreg:$0x17] =	wrdreg s17;
	s12 =	sor.u32 s21, s11;
	v50 =	vld [tilespmem:s10+$0x0]  }
0x54: {  	s3 =	sadd.s32 s3, s31;
	[dreg:$0x1a] =	wrdreg s19;
	s16 =	sor.u32 s21, s15;
	v51 =	vld [tilespmem:s12+$0x0]  }
0x55: {  	[dreg:$0x1c] =	wrdreg s22;
	s17 =	sor.u32 $0x2200, s1;
	s14 =	sor.u32 $0x300, s3;
	v53 =	vld [tilespmem:s16+$0x0]  }
0x56: {  	[dreg:$0x1e] =	wrdreg s24;
	s19 =	sor.u32 $0x2280, s1;
	s18 =	sor.u32 s21, s17;
	v40 =	vld [tilespmem:s14+$0x0]  }
0x57: {  	[smem:$0x7E3] =	sst s26;
	s22 =	sor.u32 $0x2300, s1;
	s20 =	sor.u32 s21, s19;
	v54 =	vld [tilespmem:s18+$0x0]  }
0x58: {  	[smem:$0x7E4] =	sst s30;
	s24 =	sor.u32 $0x2380, s1;
	s23 =	sor.u32 s21, s22;
	v55 =	vld [tilespmem:s20+$0x0]  }
0x59: {  	[smem:$0x7E5] =	sst s5;
	s26 =	sor.u32 $0x3000, s1;
	s25 =	sor.u32 s21, s24;
	v56 =	vld [tilespmem:s23+$0x0]  }
0x5a: {  	[smem:$0x7E8] =	sst s11;
	s30 =	sor.u32 $0x3080, s1;
	s28 =	sor.u32 s21, s26;
	v57 =	vld [tilespmem:s25+$0x0]  }
0x5b: {  	s11 =	sor.u32 $0x3380, s1;
	[dreg:$0x16] =	wrdreg s3;
	s3 =	sor.u32 s21, s30;
	v58 =	vld [tilespmem:s28+$0x0]  }
0x5c: {  	s13 =	sor.u32 $0x2100, s1;
	[smem:$0x7E6] =	sst s7;
	s12 =	sor.u32 s21, s11;
	v59 =	vld [tilespmem:s3+$0x0]  }
0x5d: {  	[smem:$0x7E7] =	sst s9;
	s4 =	sor.u32 $0x3100, s1;
	s14 =	sor.u32 s21, s13;
	v1 =	vld [tilespmem:s12+$0x0]  }
0x5e: {  	[smem:$0x7E9] =	sst s13;
	s6 =	sor.u32 $0x3180, s1;
	s5 =	sor.u32 s21, s4;
	v52 =	vld [tilespmem:s14+$0x0]  }
0x5f: {  	[smem:$0x7EB] =	sst s17;
	s17 =	sor.u32 $0x3300, s1;
	s7 =	sor.u32 s21, s6;
	v60 =	vld [tilespmem:s5+$0x0]  }
0x60: {  	[smem:$0x7EE] =	sst s24;
	s24 =	sor.u32 $0x4200, s1;
	s10 =	sor.u32 s21, s17;
	v61 =	vld [tilespmem:s7+$0x0]  }
0x61: {  	[smem:$0x7EC] =	sst s19;
	s19 =	sor.u32 $0x4280, s1;
	s18 =	sor.u32 s21, s24;
	v0 =	vld [tilespmem:s10+$0x0]  }
0x62: {  	[smem:$0x7ED] =	sst s22;
	s23 =	sor.u32 $0x3200, s1;
	s22 =	sor.u32 s21, s19;
	v6 =	vld [tilespmem:s18+$0x0]  }
0x63: {  	v14 =	vimm.s32 $0xF;
	v15 =	vimm.s32 $0x13;
	v16 =	vimm.s32 $0x17;
	[smem:$0x7EA] =	sst s15;
	s20 =	sor.u32 $0x3280, s1;
	s8 =	sor.u32 s21, s23;
	v7 =	vld [tilespmem:s22+$0x0]  }
0x64: {  	v17 =	vimm.s32 $0x1B;
	v18 =	vimm.s32 $0x1F;
	v13 =	vimm.s32 $0xB;
	[smem:$0x7F2] =	sst s6;
	s6 =	sor.u32 $0x4000, s1;
	s9 =	sor.u32 s21, s20;
	v62 =	vld [tilespmem:s8+$0x0]  }
0x65: {  	v8 =	vimm.s32 $0x0;
	v9 =	vimm.s32 $0x3;
	v10 =	vimm.s32 $0x5;
	[smem:$0x7EF] =	sst s26;
	s13 =	sor.u32 s21, s6;
	s7 =	sor.u32 $0x4080, s1;
	v63 =	vld [tilespmem:s9+$0x0]  }
0x66: {  	v11 =	vimm.s32 $0x7;
	v12 =	vimm.s32 $0x9;
	[smem:$0x7F0] =	sst s30;
	v2 =	vld [tilespmem:s13+$0x0];
	s14 =	sor.u32 s21, s7;
	s8 =	sor.u32 $0x4100, s1;
	vm0 =	vge.f32 v34, v35  }
0x67: {  	s25 =	sor.u32 $0x4300, s1;
	s13 =	sor.u32 $0x4180, s1;
	v3 =	vld [tilespmem:s14+$0x0];
	s15 =	sor.u32 s21, s8;
	vm11 =	vge.f32 v36, v37;
	vm12 =	vge.f32 v38, v39;
	vm0 =	vmneg vm0  }
0x68: {  	s28 =	sor.u32 $0x4380, s1;
	[smem:$0x7F4] =	sst s25;
	s16 =	sor.u32 s21, s13;
	v4 =	vld [tilespmem:s15+$0x0];
	v36 =	vsel vm11, v36, v37;
	v37 =	vsel vm11, $0x2, v9;
	v38 =	vsel vm12, v38, v39  }
0x69: {  	s26 =	sor.u32 s21, s25;
	s30 =	sor.u32 s21, s28;
	s25 =	sor.u32 $0x5000, s1;
	v5 =	vld [tilespmem:s16+$0x0];
	v39 =	vsel vm12, $0x4, v10;
	vm14 =	vge.f32 v42, v43;
	vm15 =	vge.f32 v44, v45  }
0x6a: {  	s3 =	sor.u32 s21, s25;
	v9 =	vld [tilespmem:s30+$0x0];
	vm1 =	vge.f32 v46, v47;
	vm6 =	vge.f32 v48, v49;
	vm7 =	vge.f32 v50, v51  }
0x6b: {  	s14 =	sor.u32 $0x5100, s1;
	v10 =	vld [tilespmem:s3+$0x0];
	v34 =	vsel vm0, v35, v34;
	v35 =	vsel vm0, $0x1, v8;
	vm13 =	vge.f32 v40, v41  }
0x6c: {  	s12 =	sor.u32 $0x5180, s1;
	s5 =	sor.u32 s21, s14;
	v8 =	vld [tilespmem:s26+$0x0];
	v42 =	vsel vm14, v42, v43;
	v43 =	vsel vm14, $0x8, v12;
	v44 =	vsel vm15, v44, v45  }
0x6d: {  	s10 =	sor.u32 $0x5200, s1;
	s9 =	sor.u32 s21, s12;
	v12 =	vld [tilespmem:s5+$0x0];
	v46 =	vsel vm1, v46, v47;
	v47 =	vsel vm6, v48, v49;
	v49 =	vsel vm15, $0xA, v13  }
0x6e: {  	s18 =	sor.u32 $0x5080, s1;
	s15 =	sor.u32 s21, s10;
	v45 =	vld [tilespmem:s9+$0x0];
	v13 =	vimm.s32 $0xD;
	v50 =	vsel vm7, v50, v51;
	vm15 =	vge.f32 v54, v55  }
0x6f: {  	[smem:$0x7F1] =	sst s4;
	s4 =	sor.u32 s21, s18;
	s16 =	sor.u32 $0x5280, s1;
	v48 =	vld [tilespmem:s15+$0x0];
	vm2 =	vge.f32 v56, v57;
	vm0 =	vge.f32 v58, v59;
	v40 =	vsel vm13, v40, v41  }
0x70: {  	[smem:$0x7F3] =	sst s19;
	s22 =	sor.u32 $0x5300, s1;
	s19 =	sor.u32 s21, s16;
	v41 =	vsel vm13, $0x6, v11;
	v11 =	vld [tilespmem:s4+$0x0];
	vm11 =	vge.f32 v52, v53;
	v54 =	vsel vm15, v54, v55  }
0x71: {  	s26 =	sor.u32 s21, s22;
	s15 =	sor.u32 $0x6000, s1;
	v51 =	vld [tilespmem:s19+$0x0];
	v55 =	vsel vm2, v56, v57;
	v57 =	vsel vm1, $0xC, v13;
	v58 =	vsel vm0, v58, v59  }
0x72: {  	[smem:$0x7F7] =	sst s16;
	s16 =	sor.u32 $0x6080, s1;
	vm5 =	vge.f32 v60, v61;
	s30 =	sor.u32 s21, s15;
	vm1 =	vge.f32 v0, v1;
	v52 =	vsel vm11, v52, v53;
	v53 =	vld [tilespmem:s26+$0x0]  }
0x73: {  	[smem:$0x7F5] =	sst s28;
	s19 =	sor.u32 $0x5380, s1;
	s3 =	sor.u32 s21, s16;
	v59 =	vld [tilespmem:s30+$0x0];
	v60 =	vsel vm5, v60, v61;
	vm3 =	vge.f32 v62, v63;
	v0 =	vsel vm1, v0, v1  }
0x74: {  	[smem:$0x7F6] =	sst s10;
	s10 =	sor.u32 $0x6100, s1;
	s28 =	sor.u32 s21, s19;
	v61 =	vld [tilespmem:s3+$0x0];
	v62 =	vsel vm3, v62, v63;
	vm4 =	vge.f32 v2, v3;
	v63 =	vsel vm6, $0xE, v14  }
0x75: {  	s9 =	sor.u32 $0x6180, s1;
	s4 =	sor.u32 s21, s10;
	v56 =	vld [tilespmem:s28+$0x0];
	v14 =	vimm.s32 $0x11;
	v2 =	vsel vm4, v2, v3;
	vm6 =	vge.f32 v4, v5  }
0x76: {  	s5 =	sor.u32 s21, s9;
	v1 =	vld [tilespmem:s4+$0x0];
	v4 =	vsel vm6, v4, v5;
	v5 =	vsel vm7, $0x10, v14;
	vm7 =	vge.f32 v6, v7  }
0x77: {  	v3 =	vld [tilespmem:s5+$0x0];
	vm9 =	vge.f32 v8, v9;
	vm10 =	vge.f32 v12, v45;
	v6 =	vsel vm7, v6, v7  }
0x78: {  	vm8 =	vge.f32 v10, v11;
	v8 =	vsel vm9, v8, v9;
	v12 =	vsel vm10, v12, v45  }
0x79: {  	v9 =	vsel vm8, v10, v11;
	v11 =	vsel vm11, $0x12, v15;
	v15 =	vimm.s32 $0x15  }
0x7a: {  	s5 =	sor.u32 $0x6200, s1;
	vm11 =	vge.f32 v48, v51;
	vm12 =	vge.f32 v59, v61;
	vm13 =	vge.f32 v53, v56  }
0x7b: {  	s4 =	sor.u32 $0x6280, s1;
	s26 =	sor.u32 s21, s5;
	v48 =	vsel vm11, v48, v51;
	v53 =	vsel vm13, v53, v56;
	v56 =	vsel vm12, v59, v61  }
0x7c: {  	s3 =	sor.u32 $0x6300, s1;
	s28 =	sor.u32 s21, s4;
	v7 =	vld [tilespmem:s26+$0x0];
	vm14 =	vge.f32 v1, v3;
	v61 =	vsel vm15, $0x14, v15;
	vm15 =	vge.f32 v34, v36  }
0x7d: {  	s2 =	sor.u32 $0x6380, s1;
	v10 =	vld [tilespmem:s28+$0x0];
	s28 =	sor.u32 s21, s3;
	v34 =	vsel vm15, v34, v36;
	v35 =	vsel vm15, v35, v37;
	vm15 =	vge.f32 v38, v40  }
0x7e: {  	s30 =	sor.u32 s21, s2;
	s26 =	sor.u32 $0x7000, s1;
	v45 =	vld [tilespmem:s28+$0x0];
	v37 =	vsel vm15, v38, v40;
	v38 =	vsel vm15, v39, v41;
	vm15 =	vge.f32 v42, v44  }
0x7f: {  	[smem:$0x7F8] =	sst s26;
	s26 =	sor.u32 s21, s26;
	v51 =	vld [tilespmem:s30+$0x0];
	s30 =	sor.u32 $0x7080, s1;
	v40 =	vsel vm15, v42, v44;
	v41 =	vsel vm15, v43, v49;
	vm15 =	vge.f32 v46, v47  }
0x80: {  	v19 =	vimm.s32 $0x23;
	[smem:$0x7F9] =	sst s30;
	v59 =	vld [tilespmem:s26+$0x0];
	s26 =	sor.u32 s21, s30;
	s30 =	sor.u32 $0x7100, s1;
	v1 =	vsel vm14, v1, v3;
	v43 =	vsel vm15, v46, v47  }
0x81: {  	[smem:$0x7FA] =	sst s30;
	v3 =	vld [tilespmem:s26+$0x0];
	s26 =	sor.u32 s21, s30;
	s30 =	sor.u32 $0x7180, s1;
	v44 =	vsel vm15, v57, v63;
	vm15 =	vge.f32 v50, v52;
	v57 =	vsel vm2, $0x16, v16  }
0x82: {  	[smem:$0x7FB] =	sst s30;
	v36 =	vld [tilespmem:s26+$0x0];
	s26 =	sor.u32 s21, s30;
	s30 =	sor.u32 $0x7200, s1;
	v16 =	vimm.s32 $0x19;
	vm2 =	vge.f32 v7, v10;
	v47 =	vsel vm15, v50, v52  }
0x83: {  	[smem:$0x7FC] =	sst s30;
	v39 =	vld [tilespmem:s26+$0x0];
	s26 =	sor.u32 s21, s30;
	s30 =	sor.u32 $0x7280, s1;
	v5 =	vsel vm15, v5, v11;
	vm15 =	vge.f32 v54, v55;
	v7 =	vsel vm2, v7, v10  }
0x84: {  	[smem:$0x7FD] =	sst s30;
	v42 =	vld [tilespmem:s26+$0x0];
	s30 =	sor.u32 s21, s30;
	v50 =	vsel vm15, v54, v55;
	v49 =	vsel vm15, v61, v57;
	vm15 =	vge.f32 v58, v60  }
0x85: {  	s26 =	sor.u32 $0x7300, s1;
	v46 =	vld [tilespmem:s30+$0x0];
	v54 =	vsel vm0, $0x18, v16;
	v57 =	vsel vm5, $0x1A, v17;
	v17 =	vimm.s32 $0x1D  }
0x86: {  	s28 =	sor.u32 $0x7380, s1;
	s30 =	sor.u32 s21, s26;
	vm0 =	vge.f32 v59, v3;
	v10 =	vsel vm15, v58, v60;
	v54 =	vsel vm15, v54, v57  }
0x87: {  	v11 =	vld [tilespmem:s30+$0x0];
	s30 =	sor.u32 s21, s28;
	vm15 =	vge.f32 v45, v51;
	v3 =	vsel vm0, v59, v3;
	v57 =	vsel vm9, $0x26, v20  }
0x88: {  	v52 =	vld [tilespmem:s30+$0x0];
	vm9 =	vge.f32 v2, v4;
	v45 =	vsel vm15, v45, v51;
	vm5 =	vge.f32 v36, v39  }
0x89: {  	v51 =	vsel vm3, $0x1C, v17;
	v2 =	vsel vm9, v2, v4;
	v4 =	vsel vm10, $0x2A, v22  }
0x8a: {  	v36 =	vsel vm5, v36, v39;
	v39 =	vsel vm1, $0x1E, v18;
	vm3 =	vge.f32 v42, v46  }
0x8b: {  	v18 =	vimm.s32 $0x21;
	vm10 =	vge.f32 v3, v36;
	v42 =	vsel vm3, v42, v46  }
0x8c: {  	v46 =	vsel vm4, $0x20, v18;
	vm4 =	vge.f32 v62, v0;
	v3 =	vsel vm10, v3, v36  }
0x8d: {  	vm1 =	vge.f32 v11, v52;
	v0 =	vsel vm4, v62, v0;
	v39 =	vsel vm4, v51, v39  }
0x8e: {  	v51 =	vsel vm8, $0x28, v21;
	vm8 =	vge.f32 v56, v1;
	v11 =	vsel vm1, v11, v52  }
0x8f: {  	v52 =	vsel vm6, $0x22, v19;
	v19 =	vimm.s32 $0x25;
	v1 =	vsel vm8, v56, v1  }
0x90: {  	v56 =	vsel vm5, $0x3A, v30;
	v55 =	vsel vm7, $0x24, v19;
	v46 =	vsel vm9, v46, v52  }
0x91: {  	v52 =	vsel vm11, $0x2C, v23;
	vm11 =	vge.f32 v6, v8;
	vm9 =	vge.f32 v7, v45  }
0x92: {  	v6 =	vsel vm11, v6, v8;
	v8 =	vsel vm13, $0x2E, v24;
	vm13 =	vge.f32 v9, v12  }
0x93: {  	v55 =	vsel vm11, v55, v57;
	v57 =	vsel vm12, $0x30, v25;
	v7 =	vsel vm9, v7, v45  }
0x94: {  	v45 =	vsel vm1, $0x3E, v32;
	vm11 =	vge.f32 v42, v11;
	vm12 =	vge.f32 v34, v37  }
0x95: {  	v9 =	vsel vm13, v9, v12;
	v12 =	vsel vm14, $0x32, v26;
	v4 =	vsel vm13, v51, v4  }
0x96: {  	vm14 =	vge.f32 v48, v53;
	v51 =	vsel vm2, $0x34, v27;
	v11 =	vsel vm11, v42, v11  }
0x97: {  	v34 =	vsel vm12, v34, v37;
	v35 =	vsel vm12, v35, v38;
	vm13 =	vge.f32 v40, v43  }
0x98: {  	vm4 =	vge.f32 v2, v6;
	vm6 =	vge.f32 v1, v7;
	v48 =	vsel vm14, v48, v53  }
0x99: {  	v53 =	vsel vm15, $0x36, v28;
	v8 =	vsel vm14, v52, v8;
	v52 =	vsel vm0, $0x38, v29  }
0x9a: {  	v12 =	vsel vm8, v57, v12;
	v57 =	vsel vm3, $0x3C, v31;
	v44 =	vsel vm13, v41, v44  }
0x9b: {  	vm14 =	vge.f32 v47, v50;
	vm15 =	vge.f32 v10, v0;
	v2 =	vsel vm4, v2, v6  }
0x9c: {  	v1 =	vsel vm6, v1, v7;
	vm7 =	vge.f32 v3, v11;
	v51 =	vsel vm9, v51, v53  }
0x9d: {  	v53 =	vsel vm10, v52, v56;
	v56 =	vsel vm11, v57, v45;
	v57 =	vsel vm13, v40, v43  }
0x9e: {  	v45 =	vsel vm14, v47, v50;
	v5 =	vsel vm14, v5, v49;
	v0 =	vsel vm15, v10, v0  }
0x9f: {  	v47 =	vsel vm15, v54, v39;
	v49 =	vsel vm4, v46, v55;
	vm5 =	vge.f32 v9, v48  }
0xa0: {  	v3 =	vsel vm7, v3, v11;
	v9 =	vsel vm5, v9, v48;
	v4 =	vsel vm5, v4, v8  }
0xa1: {  	v50 =	vsel vm6, v12, v51;
	v51 =	vsel vm7, v53, v56;
	vm8 =	vge.f32 v34, v57  }
0xa2: {  	vm9 =	vge.f32 v45, v0;
	vm11 =	vge.f32 v1, v3;
	v52 =	vsel vm8, v34, v57  }
0xa3: {  	v53 =	vsel vm8, v35, v44;
	v0 =	vsel vm9, v45, v0;
	vm10 =	vge.f32 v2, v9  }
0xa4: {  	v5 =	vsel vm9, v5, v47;
	v1 =	vsel vm11, v1, v3;
	v2 =	vsel vm10, v2, v9  }
0xa5: {  	v55 =	vsel vm11, v50, v51;
	vm12 =	vge.f32 v52, v0;
	vm13 =	vge.f32 v2, v1  }
0xa6: {  	v54 =	vsel vm10, v49, v4;
	v0 =	vsel vm12, v52, v0;
	v1 =	vsel vm13, v2, v1  }
0xa7: {  	v56 =	vsel vm12, v53, v5;
	v3 =	vsel vm13, v54, v55;
	vm14 =	vge.f32 v0, v1  }
0xa8: {  	v0 =	vsel vm14, v56, v3;
	_ =	sdelay $0x3  }
0xa9: {  	s21 =	sor.u32 $0x10, s21;
	s30 =	simm.s32 $0x8000  }
0xaa: {  	s1 =	sor.u32 s21, s1;
	[tilespmem:v0+s30+$0x0] =	vst.idx.add.f32.msk $0xffff, v33  }
0xab: {  	v0 =	vld [tilespmem:s1+$0x0]  }
0xac: {  	v1 =	vld [tilespmem:s1+$0x80]  }
0xad: {  	v2 =	vld [tilespmem:s1+$0x100]  }
0xae: {  	s30 =	rddreg [dreg:$0x16];
	v57 =	vld [tilespmem:s1+$0x180]  }
0xaf: {  	v4 =	vld [tilespmem:s1+$0x200];
	s30 =	sadd.s32 $0x10, s30  }
0xb0: {  	v5 =	vld [tilespmem:s1+$0x280];
	s1 =	sor.u32 $0x300, s30;
	s30 =	sor.u32 $0x380, s30  }
0xb1: {  	v7 =	vld [tilespmem:s30+$0x0];
	s30 =	rddreg [dreg:$0x17]  }
0xb2: {  	v6 =	vld [tilespmem:s1+$0x0];
	s1 =	sor.u32 s21, s30;
	s30 =	rddreg [dreg:$0x1a]  }
0xb3: {  	v8 =	vld [tilespmem:s1+$0x0];
	s1 =	sor.u32 s21, s30;
	s30 =	rddreg [dreg:$0x1c]  }
0xb4: {  	v9 =	vld [tilespmem:s1+$0x0];
	s1 =	sor.u32 s21, s30;
	s30 =	rddreg [dreg:$0x1e]  }
0xb5: {  	v10 =	vld [tilespmem:s1+$0x0];
	s1 =	sor.u32 s21, s30;
	s30 =	sld [smem:$0x7E3];
	_ =	sdelay $0x2  }
0xb6: {  	v11 =	vld [tilespmem:s1+$0x0];
	s1 =	sor.u32 s21, s30;
	s30 =	sld [smem:$0x7E4];
	_ =	sdelay $0x2  }
0xb7: {  	v12 =	vld [tilespmem:s1+$0x0];
	s1 =	sor.u32 s21, s30;
	s30 =	sld [smem:$0x7E5];
	_ =	sdelay $0x2  }
0xb8: {  	v34 =	vld [tilespmem:s1+$0x0];
	s1 =	sor.u32 s21, s30;
	s30 =	sld [smem:$0x7E6];
	_ =	sdelay $0x2  }
0xb9: {  	v35 =	vld [tilespmem:s1+$0x0];
	s1 =	sor.u32 s21, s30;
	s30 =	sld [smem:$0x7E7];
	_ =	sdelay $0x2  }
0xba: {  	v36 =	vld [tilespmem:s1+$0x0];
	s1 =	sor.u32 s21, s30;
	s30 =	sld [smem:$0x7E8];
	_ =	sdelay $0x2  }
0xbb: {  	v37 =	vld [tilespmem:s1+$0x0];
	s1 =	sor.u32 s21, s30;
	s30 =	sld [smem:$0x7E9];
	_ =	sdelay $0x2  }
0xbc: {  	v38 =	vld [tilespmem:s1+$0x0];
	s1 =	sor.u32 s21, s30;
	s30 =	sld [smem:$0x7EA];
	_ =	sdelay $0x2  }
0xbd: {  	v39 =	vld [tilespmem:s1+$0x0];
	s1 =	sor.u32 s21, s30;
	s30 =	sld [smem:$0x7EB];
	_ =	sdelay $0x2  }
0xbe: {  	v40 =	vld [tilespmem:s1+$0x0];
	s1 =	sor.u32 s21, s30;
	s30 =	sld [smem:$0x7EC];
	_ =	sdelay $0x2  }
0xbf: {  	v41 =	vld [tilespmem:s1+$0x0];
	s1 =	sor.u32 s21, s30;
	s30 =	sld [smem:$0x7ED];
	_ =	sdelay $0x2  }
0xc0: {  	v42 =	vld [tilespmem:s1+$0x0];
	s1 =	sor.u32 s21, s30;
	s30 =	sld [smem:$0x7EE];
	_ =	sdelay $0x2  }
0xc1: {  	v43 =	vld [tilespmem:s1+$0x0];
	s1 =	sor.u32 s21, s30;
	s30 =	sld [smem:$0x7EF];
	_ =	sdelay $0x1  }
0xc2: {  	v63 =	vimm.s32 $0x9;
	v61 =	vimm.s32 $0x5  }
0xc3: {  	v60 =	vimm.s32 $0x3;
	v59 =	vimm.s32 $0x0;
	s23 =	sor.u32 s21, s23;
	v62 =	vimm.s32 $0x7;
	v44 =	vld [tilespmem:s1+$0x0];
	s1 =	sor.u32 s21, s30;
	s30 =	sld [smem:$0x7F0]  }
0xc4: {  	s17 =	sor.u32 s21, s17;
	v49 =	vld [tilespmem:s23+$0x0];
	vm15 =	vge.f32 v0, v1;
	vm4 =	vge.f32 v2, v57;
	vm5 =	vge.f32 v4, v5  }
0xc5: {  	v51 =	vld [tilespmem:s17+$0x0];
	vm0 =	vmneg vm15;
	v2 =	vsel vm4, v2, v57;
	v3 =	vsel vm4, $0x2, v60  }
0xc6: {  	s23 =	sor.u32 s21, s6;
	v4 =	vsel vm5, v4, v5;
	v5 =	vsel vm5, $0x4, v61;
	v0 =	vsel vm0, v1, v0;
	v45 =	vld [tilespmem:s1+$0x0];
	s1 =	sor.u32 s21, s30;
	s30 =	sld [smem:$0x7F1]  }
0xc7: {  	s6 =	sor.u32 s21, s8;
	v53 =	vld [tilespmem:s23+$0x0];
	v1 =	vsel vm0, $0x1, v59;
	vm6 =	vge.f32 v6, v7;
	vm15 =	vge.f32 v0, v2  }
0xc8: {  	v55 =	vld [tilespmem:s6+$0x0];
	v6 =	vsel vm6, v6, v7;
	v0 =	vsel vm15, v0, v2;
	v1 =	vsel vm15, v1, v3  }
0xc9: {  	s23 =	sor.u32 s21, s18;
	vm15 =	vge.f32 v4, v6;
	vm14 =	vge.f32 v37, v38;
	vm13 =	vge.f32 v39, v40;
	v46 =	vld [tilespmem:s1+$0x0];
	s1 =	sor.u32 s21, s30;
	s30 =	sld [smem:$0x7F2]  }
0xca: {  	s8 =	sor.u32 s21, s24;
	s24 =	sor.u32 s21, s14;
	v37 =	vsel vm14, v37, v38;
	v38 =	vsel vm13, v39, v40;
	v39 =	vld [tilespmem:s23+$0x0];
	vm10 =	vge.f32 v41, v42  }
0xcb: {  	vm7 =	vge.f32 v8, v9;
	vm0 =	vge.f32 v10, v11;
	v41 =	vsel vm10, v41, v42;
	v42 =	vld [tilespmem:s24+$0x0]  }
0xcc: {  	v8 =	vsel vm7, v8, v9;
	v9 =	vsel vm0, v10, v11;
	v11 =	vsel vm6, $0x6, v62;
	v47 =	vld [tilespmem:s1+$0x0];
	s1 =	sor.u32 s21, s30  }
0xcd: {  	v58 =	vimm.s32 $0xB;
	v3 =	vsel vm15, v4, v6;
	v4 =	vsel vm15, v5, v11;
	s30 =	sor.u32 s21, s20;
	v48 =	vld [tilespmem:s1+$0x0]  }
0xce: {  	vm15 =	vge.f32 v8, v9;
	vm3 =	vge.f32 v12, v34;
	vm12 =	vge.f32 v35, v36;
	s20 =	sor.u32 s21, s11;
	v50 =	vld [tilespmem:s30+$0x0]  }
0xcf: {  	v6 =	vsel vm15, v8, v9;
	v12 =	vsel vm3, v12, v34;
	v35 =	vsel vm12, v35, v36;
	v52 =	vld [tilespmem:s20+$0x0];
	s30 =	sor.u32 s21, s7  }
0xd0: {  	v40 =	vsel vm7, $0x8, v63;
	vm11 =	vge.f32 v43, v44;
	vm8 =	vge.f32 v45, v46;
	s7 =	sor.u32 s21, s13;
	v54 =	vld [tilespmem:s30+$0x0]  }
0xd1: {  	v43 =	vsel vm11, v43, v44;
	s11 =	sld [smem:$0x7F3];
	s20 =	sor.u32 s21, s25;
	v45 =	vsel vm8, v45, v46;
	v46 =	vsel vm0, $0xA, v58;
	v56 =	vld [tilespmem:s7+$0x0]  }
0xd2: {  	s13 =	sld [smem:$0x7F4];
	s25 =	sor.u32 s21, s12;
	v58 =	vimm.s32 $0xF;
	v36 =	vld [tilespmem:s20+$0x0];
	v8 =	vsel vm15, v40, v46;
	vm15 =	vge.f32 v12, v35  }
0xd3: {  	s17 =	sld [smem:$0x7F5];
	v44 =	vld [tilespmem:s25+$0x0];
	v11 =	vsel vm12, $0xE, v58;
	v58 =	vsel vm14, $0x10, v14;
	vm12 =	vge.f32 v37, v38  }
0xd4: {  	v57 =	vld [tilespmem:s8+$0x0];
	s1 =	sor.u32 s21, s11;
	v12 =	vsel vm15, v12, v35;
	v37 =	vsel vm12, v37, v38;
	vm9 =	vge.f32 v47, v48  }
0xd5: {  	v7 =	vld [tilespmem:s1+$0x0];
	s1 =	sor.u32 s21, s13;
	vm7 =	vge.f32 v49, v50;
	vm6 =	vge.f32 v51, v52;
	v47 =	vsel vm9, v47, v48  }
0xd6: {  	s30 =	sld [smem:$0x7F6];
	v10 =	vld [tilespmem:s1+$0x0];
	s1 =	sor.u32 s21, s17;
	v48 =	vsel vm3, $0xC, v13;
	v49 =	vsel vm7, v49, v50;
	v50 =	vsel vm6, v51, v52  }
0xd7: {  	s14 =	sor.u32 s21, s9;
	s6 =	sld [smem:$0x7F7];
	v34 =	vld [tilespmem:s1+$0x0];
	vm0 =	vge.f32 v53, v54;
	vm4 =	vge.f32 v55, v56;
	vm5 =	vge.f32 v36, v39  }
0xd8: {  	v9 =	vld [tilespmem:s14+$0x0];
	s12 =	sor.u32 s21, s16;
	s16 =	sor.u32 s21, s4;
	vm3 =	vge.f32 v42, v44;
	v52 =	vsel vm0, v53, v54;
	v54 =	vsel vm4, v55, v56  }
0xd9: {  	v46 =	vld [tilespmem:s16+$0x0];
	s1 =	sor.u32 s21, s30;
	v36 =	vsel vm5, v36, v39;
	v39 =	vsel vm3, v42, v44;
	v11 =	vsel vm15, v48, v11  }
0xda: {  	v51 =	vld [tilespmem:s1+$0x0];
	s1 =	sor.u32 s21, s6;
	vm14 =	vge.f32 v49, v50;
	v14 =	vsel vm3, $0x2A, v22;
	vm1 =	vge.f32 v57, v7  }
0xdb: {  	s11 =	sor.u32 s21, s15;
	s15 =	sor.u32 s21, s5;
	v53 =	vld [tilespmem:s1+$0x0];
	vm15 =	vge.f32 v52, v54;
	v7 =	vsel vm1, v57, v7;
	v57 =	vimm.s32 $0x13  }
0xdc: {  	s13 =	sor.u32 s21, s10;
	v35 =	vld [tilespmem:s15+$0x0];
	vm2 =	vge.f32 v10, v34;
	v56 =	vsel vm13, $0x12, v57;
	v57 =	vimm.s32 $0x17  }
0xdd: {  	v5 =	vld [tilespmem:s13+$0x0];
	vm13 =	vge.f32 v36, v39;
	v10 =	vsel vm2, v10, v34;
	v38 =	vsel vm12, v58, v56  }
0xde: {  	v2 =	vld [tilespmem:s12+$0x0];
	vm12 =	vge.f32 v41, v43;
	v58 =	vsel vm10, $0x14, v15;
	v56 =	vsel vm11, $0x16, v57  }
0xdf: {  	v42 =	vld [tilespmem:s11+$0x0];
	v57 =	vimm.s32 $0x1B;
	v15 =	vsel vm0, $0x20, v18;
	v36 =	vsel vm13, v36, v39  }
0xe0: {  	v41 =	vsel vm12, v41, v43;
	v44 =	vsel vm12, v58, v56;
	vm10 =	vge.f32 v51, v53  }
0xe1: {  	s7 =	sor.u32 s21, s22;
	vm12 =	vge.f32 v45, v47;
	v58 =	vsel vm8, $0x18, v16;
	v16 =	vsel vm9, $0x1A, v57  }
0xe2: {  	s8 =	sor.u32 s21, s19;
	v55 =	vld [tilespmem:s7+$0x0];
	vm9 =	vge.f32 v5, v9;
	vm8 =	vge.f32 v35, v46;
	v56 =	vsel vm7, $0x1C, v17  }
0xe3: {  	s17 =	sor.u32 s21, s3;
	v34 =	vld [tilespmem:s8+$0x0];
	v17 =	vsel vm1, $0x24, v19;
	v48 =	vsel vm10, v51, v53;
	v45 =	vsel vm12, v45, v47  }
0xe4: {  	s18 =	sor.u32 s21, s2;
	v40 =	vld [tilespmem:s17+$0x0];
	v47 =	vsel vm12, v58, v16;
	vm12 =	vge.f32 v42, v2;
	v58 =	vimm.s32 $0x23  }
0xe5: {  	v43 =	vld [tilespmem:s18+$0x0];
	v5 =	vsel vm9, v5, v9;
	v35 =	vsel vm8, v35, v46;
	v16 =	vsel vm4, $0x22, v58  }
0xe6: {  	s19 =	sld [smem:$0x7F8];
	v2 =	vsel vm12, v42, v2;
	v58 =	vsel vm5, $0x28, v21;
	v46 =	vsel vm15, v15, v16  }
0xe7: {  	s20 =	sld [smem:$0x7F9];
	v39 =	vsel vm13, v58, v14;
	v15 =	vsel vm10, $0x2C, v23;
	v58 =	vsel vm9, $0x32, v26  }
0xe8: {  	vm5 =	vge.f32 v2, v5;
	vm13 =	vge.f32 v0, v3;
	vm11 =	vge.f32 v55, v34  }
0xe9: {  	s1 =	sor.u32 s21, s19;
	v2 =	vsel vm5, v2, v5;
	v0 =	vsel vm13, v0, v3;
	v1 =	vsel vm13, v1, v4  }
0xea: {  	s22 =	sld [smem:$0x7FA];
	v42 =	vld [tilespmem:s1+$0x0];
	s1 =	sor.u32 s21, s20;
	v34 =	vsel vm11, v55, v34;
	v55 =	vimm.s32 $0x1F;
	vm7 =	vge.f32 v40, v43  }
0xeb: {  	s23 =	sld [smem:$0x7FB];
	v51 =	vld [tilespmem:s1+$0x0];
	v16 =	vsel vm11, $0x2E, v24;
	v57 =	vsel vm6, $0x1E, v55;
	v40 =	vsel vm7, v40, v43  }
0xec: {  	v43 =	vsel vm14, v49, v50;
	v50 =	vsel vm15, v52, v54;
	vm6 =	vge.f32 v7, v10  }
0xed: {  	s1 =	sor.u32 s21, s22;
	v14 =	vsel vm7, $0x36, v28;
	v9 =	vsel vm14, v56, v57;
	v57 =	vsel vm2, $0x26, v20  }
0xee: {  	s24 =	sld [smem:$0x7FC];
	v49 =	vld [tilespmem:s1+$0x0];
	s1 =	sor.u32 s21, s23;
	v7 =	vsel vm6, v7, v10;
	vm14 =	vge.f32 v48, v34;
	vm4 =	vge.f32 v45, v43  }
0xef: {  	s28 =	sor.u32 s21, s28;
	s25 =	sld [smem:$0x7FD];
	v13 =	vld [tilespmem:s1+$0x0];
	v52 =	vsel vm6, v17, v57;
	v34 =	vsel vm14, v48, v34;
	v17 =	vsel vm12, $0x30, v25  }
0xf0: {  	s26 =	sor.u32 s21, s26;
	v56 =	vld [tilespmem:s28+$0x0];
	v55 =	vsel vm14, v15, v16;
	vm15 =	vge.f32 v42, v51;
	vm14 =	vge.f32 v6, v12  }
0xf1: {  	s1 =	sor.u32 s21, s24;
	v48 =	vld [tilespmem:s26+$0x0];
	v45 =	vsel vm4, v45, v43;
	v9 =	vsel vm4, v47, v9;
	v42 =	vsel vm15, v42, v51  }
0xf2: {  	v53 =	vld [tilespmem:s1+$0x0];
	s1 =	sor.u32 s21, s25;
	v5 =	vsel vm5, v17, v58;
	v15 =	vsel vm15, $0x38, v29;
	vm15 =	vge.f32 v37, v41  }
0xf3: {  	v54 =	vld [tilespmem:s1+$0x0];
	vm5 =	vge.f32 v50, v7;
	v41 =	vsel vm15, v37, v41;
	v44 =	vsel vm15, v38, v44  }
0xf4: {  	v7 =	vsel vm5, v50, v7;
	v50 =	vsel vm5, v46, v52;
	vm6 =	vge.f32 v49, v13  }
0xf5: {  	v10 =	vsel vm6, v49, v13;
	v13 =	vsel vm8, $0x34, v27;
	vm8 =	vge.f32 v35, v40  }
0xf6: {  	v16 =	vsel vm6, $0x3A, v30;
	vm11 =	vge.f32 v48, v56;
	vm6 =	vge.f32 v36, v34  }
0xf7: {  	v35 =	vsel vm8, v35, v40;
	vm9 =	vge.f32 v42, v10;
	v40 =	vsel vm8, v13, v14  }
0xf8: {  	vm10 =	vge.f32 v53, v54;
	v48 =	vsel vm11, v48, v56;
	v57 =	vsel vm11, $0x3E, v32  }
0xf9: {  	v34 =	vsel vm6, v36, v34;
	v51 =	vsel vm6, v39, v55;
	v10 =	vsel vm9, v42, v10  }
0xfa: {  	v42 =	vsel vm9, v15, v16;
	v17 =	vsel vm10, v53, v54;
	v56 =	vsel vm10, $0x3C, v31  }
0xfb: {  	v16 =	vsel vm14, v6, v12;
	vm7 =	vge.f32 v2, v35;
	vm10 =	vge.f32 v41, v45  }
0xfc: {  	vm11 =	vge.f32 v7, v34;
	vm12 =	vge.f32 v17, v48;
	v2 =	vsel vm7, v2, v35  }
0xfd: {  	v5 =	vsel vm7, v5, v40;
	vm9 =	vge.f32 v0, v16;
	v48 =	vsel vm12, v17, v48  }
0xfe: {  	v53 =	vsel vm10, v41, v45;
	v54 =	vsel vm10, v44, v9;
	vm8 =	vge.f32 v10, v48  }
0xff: {  	v55 =	vsel vm11, v7, v34;
	v58 =	vsel vm12, v56, v57;
	v10 =	vsel vm8, v10, v48  }
0x100: {  	v17 =	vsel vm14, v8, v11;
	v0 =	vsel vm9, v0, v16;
	vm12 =	vge.f32 v2, v10  }
0x101: {  	v56 =	vsel vm11, v50, v51;
	v1 =	vsel vm9, v1, v17;
	v2 =	vsel vm12, v2, v10  }
0x102: {  	vm13 =	vge.f32 v0, v53;
	v52 =	vsel vm8, v42, v58;
	vm14 =	vge.f32 v55, v2  }
0x103: {  	v0 =	vsel vm13, v0, v53;
	v5 =	vsel vm12, v5, v52;
	v2 =	vsel vm14, v55, v2  }
0x104: {  	v57 =	vsel vm13, v1, v54;
	v58 =	vsel vm14, v56, v5;
	vm15 =	vge.f32 v0, v2  }
0x105: {  	p0 =	sne.s32 s0, $0xE0;
	v0 =	vsel vm15, v57, v58  }
.Ltmp0:
0x106: {  	_ = 	snop;
	(pc) =	sbr.rel @p0 .LBB2_2-.Ltmp0, $3  }
0x107: {  	_ =	sdelay $0x1  }
0x108: {  	s30 =	simm.s32 $0x8000  }
0x109: {  	s29 =	sadd.s32 $0x1, s29;
	s0 =	sadd.s32 $0x20, s0;
	s31 =	sadd.s32 $0x100, s31;
	[tilespmem:v0+s30+$0x0] =	vst.idx.add.f32.msk $0xffff, v33  }
0x10a: {  	s0 =	simm.s32 $0x2  }
0x10b: {  	_ =	swait.ge [sflag:s0], $0x4000  }
0x10c: {  	s30 =	simm.s32 $0x100;
	[sflag:s0] =	ssyncset.done $0x0  }
0x10d: {  	s31 =	simm.s32 $0x800;
	s29 =	simm.s32 $0x0;
	[sflag:s0] =	ssyncadd.s32 $0xFFFFC000  }
.LBB2_4:
0x10e: {  	s21 =	sand.u32 $0x60, s30;
	s1 =	sand.u32 $0xC00, s31  }
0x10f: {  	s2 =	sor.u32 s21, s1  }
0x110: {  	v0 =	vld [tilespmem:s2+$0x0]  }
0x111: {  	v1 =	vld [tilespmem:s2+$0x80]  }
0x112: {  	v2 =	vld [tilespmem:s2+$0x100]  }
0x113: {  	v3 =	vld [tilespmem:s2+$0x180]  }
0x114: {  	s14 =	sor.u32 s31, s30;
	v4 =	vld [tilespmem:s2+$0x200]  }
0x115: {  	s15 =	sor.u32 $0x380, s14;
	s16 =	sor.u32 $0x1000, s1;
	v5 =	vld [tilespmem:s2+$0x280]  }
0x116: {  	s18 =	sor.u32 $0x1080, s1;
	v7 =	vld [tilespmem:s15+$0x0];
	s17 =	sor.u32 s21, s16  }
0x117: {  	s20 =	sor.u32 $0x1100, s1;
	s19 =	sor.u32 s21, s18;
	v8 =	vld [tilespmem:s17+$0x0]  }
0x118: {  	s23 =	sor.u32 $0x1180, s1;
	s22 =	sor.u32 s21, s20;
	v9 =	vld [tilespmem:s19+$0x0]  }
0x119: {  	s3 =	sand.u32 $0x3, s29;
	s25 =	sor.u32 $0x1200, s1;
	s24 =	sor.u32 s21, s23;
	v10 =	vld [tilespmem:s22+$0x0]  }
0x11a: {  	s3 =	sshll.u32 s3, $0x5;
	s28 =	sor.u32 $0x1280, s1;
	s26 =	sor.u32 s21, s25;
	v11 =	vld [tilespmem:s24+$0x0]  }
0x11b: {  	s4 =	sor.u32 $0x1300, s1;
	s0 =	sadd.s32 s3, s31;
	s3 =	sor.u32 s21, s28;
	v12 =	vld [tilespmem:s26+$0x0]  }
0x11c: {  	s6 =	sor.u32 $0x1380, s1;
	s5 =	sor.u32 s21, s4;
	v34 =	vld [tilespmem:s3+$0x0]  }
0x11d: {  	s8 =	sor.u32 $0x2000, s1;
	s7 =	sor.u32 s21, s6;
	v35 =	vld [tilespmem:s5+$0x0]  }
0x11e: {  	s10 =	sor.u32 $0x2080, s1;
	s9 =	sor.u32 s21, s8;
	v36 =	vld [tilespmem:s7+$0x0]  }
0x11f: {  	s14 =	sor.u32 $0x2180, s1;
	[dreg:$0x19] =	wrdreg s16;
	s11 =	sor.u32 s21, s10;
	v37 =	vld [tilespmem:s9+$0x0]  }
0x120: {  	s12 =	sor.u32 $0x2100, s1;
	[dreg:$0x1b] =	wrdreg s18;
	s15 =	sor.u32 s21, s14;
	v38 =	vld [tilespmem:s11+$0x0]  }
0x121: {  	[dreg:$0x1d] =	wrdreg s20;
	s16 =	sor.u32 $0x2200, s1;
	s13 =	sor.u32 $0x300, s0;
	v40 =	vld [tilespmem:s15+$0x0]  }
0x122: {  	[dreg:$0x1f] =	wrdreg s23;
	s18 =	sor.u32 $0x2280, s1;
	s17 =	sor.u32 s21, s16;
	v6 =	vld [tilespmem:s13+$0x0]  }
0x123: {  	[smem:$0x7C8] =	sst s25;
	s20 =	sor.u32 $0x2300, s1;
	s19 =	sor.u32 s21, s18;
	v41 =	vld [tilespmem:s17+$0x0]  }
0x124: {  	[smem:$0x7C9] =	sst s28;
	s23 =	sor.u32 $0x2380, s1;
	s22 =	sor.u32 s21, s20;
	v42 =	vld [tilespmem:s19+$0x0]  }
0x125: {  	[smem:$0x7CA] =	sst s4;
	s25 =	sor.u32 $0x3000, s1;
	s24 =	sor.u32 s21, s23;
	v43 =	vld [tilespmem:s22+$0x0]  }
0x126: {  	[smem:$0x7CB] =	sst s6;
	s28 =	sor.u32 $0x3080, s1;
	s26 =	sor.u32 s21, s25;
	v44 =	vld [tilespmem:s24+$0x0]  }
0x127: {  	[smem:$0x7CC] =	sst s8;
	s4 =	sor.u32 $0x3100, s1;
	s3 =	sor.u32 s21, s28;
	v45 =	vld [tilespmem:s26+$0x0]  }
0x128: {  	[smem:$0x7CD] =	sst s10;
	s6 =	sor.u32 $0x3180, s1;
	s5 =	sor.u32 s21, s4;
	v46 =	vld [tilespmem:s3+$0x0]  }
0x129: {  	[smem:$0x7CE] =	sst s12;
	s7 =	sor.u32 s21, s6;
	v47 =	vld [tilespmem:s5+$0x0]  }
0x12a: {  	[smem:$0x7D3] =	sst s23;
	s23 =	sor.u32 $0x3200, s1;
	s13 =	sor.u32 s21, s12;
	v48 =	vld [tilespmem:s7+$0x0]  }
0x12b: {  	[smem:$0x7D2] =	sst s20;
	s20 =	sor.u32 $0x3280, s1;
	s8 =	sor.u32 s21, s23;
	v39 =	vld [tilespmem:s13+$0x0]  }
0x12c: {  	[smem:$0x7CF] =	sst s14;
	s11 =	sor.u32 $0x3380, s1;
	s9 =	sor.u32 s21, s20;
	v49 =	vld [tilespmem:s8+$0x0]  }
0x12d: {  	[dreg:$0x18] =	wrdreg s0;
	s17 =	sor.u32 $0x3300, s1;
	s12 =	sor.u32 s21, s11;
	v50 =	vld [tilespmem:s9+$0x0]  }
0x12e: {  	[smem:$0x7D7] =	sst s6;
	s6 =	sor.u32 $0x4000, s1;
	s10 =	sor.u32 s21, s17;
	v52 =	vld [tilespmem:s12+$0x0]  }
0x12f: {  	[smem:$0x7D0] =	sst s16;
	s7 =	sor.u32 $0x4080, s1;
	s13 =	sor.u32 s21, s6;
	v51 =	vld [tilespmem:s10+$0x0]  }
0x130: {  	[smem:$0x7D1] =	sst s18;
	s24 =	sor.u32 $0x4200, s1;
	s14 =	sor.u32 s21, s7;
	v53 =	vld [tilespmem:s13+$0x0]  }
0x131: {  	v14 =	vimm.s32 $0xF;
	[smem:$0x7D4] =	sst s25;
	s19 =	sor.u32 $0x4280, s1;
	s18 =	sor.u32 s21, s24;
	v54 =	vld [tilespmem:s14+$0x0]  }
0x132: {  	v15 =	vimm.s32 $0x13;
	v16 =	vimm.s32 $0x17;
	v17 =	vimm.s32 $0x1B;
	[smem:$0x7D5] =	sst s28;
	s8 =	sor.u32 $0x4100, s1;
	s22 =	sor.u32 s21, s19;
	v57 =	vld [tilespmem:s18+$0x0]  }
0x133: {  	v18 =	vimm.s32 $0x1F;
	v13 =	vimm.s32 $0xB;
	s25 =	sor.u32 $0x4300, s1;
	s15 =	sor.u32 s21, s8;
	s13 =	sor.u32 $0x4180, s1;
	v58 =	vld [tilespmem:s22+$0x0];
	vm0 =	vge.f32 v0, v1  }
0x134: {  	s28 =	sor.u32 $0x4380, s1;
	[smem:$0x7D9] =	sst s25;
	v55 =	vld [tilespmem:s15+$0x0];
	s16 =	sor.u32 s21, s13;
	vm11 =	vge.f32 v2, v3;
	vm12 =	vge.f32 v4, v5;
	vm0 =	vmneg vm0  }
0x135: {  	s26 =	sor.u32 s21, s25;
	s0 =	sor.u32 s21, s28;
	s25 =	sor.u32 $0x5000, s1;
	v56 =	vld [tilespmem:s16+$0x0];
	v2 =	vsel vm11, v2, v3;
	v3 =	vsel vm11, $0x2, v60;
	v4 =	vsel vm12, v4, v5  }
0x136: {  	s3 =	sor.u32 s21, s25;
	v60 =	vld [tilespmem:s0+$0x0];
	v5 =	vsel vm12, $0x4, v61;
	vm14 =	vge.f32 v8, v9;
	vm15 =	vge.f32 v10, v11  }
0x137: {  	s14 =	sor.u32 $0x5100, s1;
	v61 =	vld [tilespmem:s3+$0x0];
	vm1 =	vge.f32 v12, v34;
	vm6 =	vge.f32 v35, v36;
	vm7 =	vge.f32 v37, v38  }
0x138: {  	s12 =	sor.u32 $0x5180, s1;
	s5 =	sor.u32 s21, s14;
	v0 =	vsel vm0, v1, v0;
	v1 =	vsel vm0, $0x1, v59;
	v59 =	vld [tilespmem:s26+$0x0];
	vm13 =	vge.f32 v6, v7  }
0x139: {  	s9 =	sor.u32 s21, s12;
	s10 =	sor.u32 $0x5200, s1;
	v8 =	vsel vm14, v8, v9;
	v9 =	vsel vm14, $0x8, v63;
	v63 =	vld [tilespmem:s5+$0x0];
	v10 =	vsel vm15, v10, v11  }
0x13a: {  	s18 =	sor.u32 $0x5080, s1;
	s15 =	sor.u32 s21, s10;
	v11 =	vld [tilespmem:s9+$0x0];
	v12 =	vsel vm1, v12, v34;
	v34 =	vsel vm6, v35, v36;
	v36 =	vsel vm15, $0xA, v13  }
0x13b: {  	[smem:$0x7D6] =	sst s4;
	s4 =	sor.u32 s21, s18;
	s16 =	sor.u32 $0x5280, s1;
	v35 =	vld [tilespmem:s15+$0x0];
	v13 =	vimm.s32 $0xD;
	v37 =	vsel vm7, v37, v38;
	vm15 =	vge.f32 v41, v42  }
0x13c: {  	[smem:$0x7D8] =	sst s19;
	s22 =	sor.u32 $0x5300, s1;
	s19 =	sor.u32 s21, s16;
	vm2 =	vge.f32 v43, v44;
	v6 =	vsel vm13, v6, v7;
	v7 =	vsel vm13, $0x6, v62;
	v62 =	vld [tilespmem:s4+$0x0]  }
0x13d: {  	s26 =	sor.u32 s21, s22;
	vm0 =	vge.f32 v45, v46;
	s15 =	sor.u32 $0x6000, s1;
	vm5 =	vge.f32 v47, v48;
	vm11 =	vge.f32 v39, v40;
	v38 =	vld [tilespmem:s19+$0x0]  }
0x13e: {  	[smem:$0x7DC] =	sst s16;
	s16 =	sor.u32 $0x6080, s1;
	v41 =	vsel vm15, v41, v42;
	v42 =	vsel vm2, v43, v44;
	s0 =	sor.u32 s21, s15;
	v39 =	vsel vm11, v39, v40;
	v40 =	vld [tilespmem:s26+$0x0]  }
0x13f: {  	[smem:$0x7DA] =	sst s28;
	s19 =	sor.u32 $0x5380, s1;
	v44 =	vsel vm1, $0xC, v13;
	v45 =	vsel vm0, v45, v46;
	vm3 =	vge.f32 v49, v50;
	s3 =	sor.u32 s21, s16;
	v46 =	vld [tilespmem:s0+$0x0]  }
0x140: {  	[smem:$0x7DB] =	sst s10;
	s10 =	sor.u32 $0x6100, s1;
	v47 =	vsel vm5, v47, v48;
	s28 =	sor.u32 s21, s19;
	vm1 =	vge.f32 v51, v52;
	v48 =	vld [tilespmem:s3+$0x0];
	v49 =	vsel vm3, v49, v50  }
0x141: {  	s9 =	sor.u32 $0x6180, s1;
	s4 =	sor.u32 s21, s10;
	vm4 =	vge.f32 v53, v54;
	v43 =	vld [tilespmem:s28+$0x0];
	v50 =	vsel vm1, v51, v52;
	v52 =	vsel vm6, $0xE, v14  }
0x142: {  	s5 =	sor.u32 s21, s9;
	v51 =	vld [tilespmem:s4+$0x0];
	v14 =	vimm.s32 $0x11;
	v53 =	vsel vm4, v53, v54;
	vm6 =	vge.f32 v55, v56  }
0x143: {  	v54 =	vld [tilespmem:s5+$0x0];
	v55 =	vsel vm6, v55, v56;
	v56 =	vsel vm7, $0x10, v14;
	vm7 =	vge.f32 v57, v58  }
0x144: {  	vm9 =	vge.f32 v59, v60;
	vm10 =	vge.f32 v63, v11;
	v57 =	vsel vm7, v57, v58  }
0x145: {  	vm8 =	vge.f32 v61, v62;
	v59 =	vsel vm9, v59, v60;
	v11 =	vsel vm10, v63, v11  }
0x146: {  	v60 =	vsel vm8, v61, v62;
	v62 =	vsel vm11, $0x12, v15;
	v15 =	vimm.s32 $0x15  }
0x147: {  	s5 =	sor.u32 $0x6200, s1;
	vm11 =	vge.f32 v35, v38;
	vm12 =	vge.f32 v46, v48;
	vm13 =	vge.f32 v40, v43  }
0x148: {  	s4 =	sor.u32 $0x6280, s1;
	s26 =	sor.u32 s21, s5;
	v35 =	vsel vm11, v35, v38;
	vm14 =	vge.f32 v51, v54;
	v40 =	vsel vm13, v40, v43  }
0x149: {  	s3 =	sor.u32 $0x6300, s1;
	s28 =	sor.u32 s21, s4;
	v58 =	vld [tilespmem:s26+$0x0];
	v43 =	vsel vm12, v46, v48;
	v48 =	vsel vm15, $0x14, v15;
	vm15 =	vge.f32 v0, v2  }
0x14a: {  	s2 =	sor.u32 $0x6380, s1;
	v61 =	vld [tilespmem:s28+$0x0];
	s28 =	sor.u32 s21, s3;
	v0 =	vsel vm15, v0, v2;
	v1 =	vsel vm15, v1, v3;
	vm15 =	vge.f32 v4, v6  }
0x14b: {  	s0 =	sor.u32 s21, s2;
	s26 =	sor.u32 $0x7000, s1;
	v63 =	vld [tilespmem:s28+$0x0];
	v3 =	vsel vm15, v4, v6;
	v4 =	vsel vm15, v5, v7;
	vm15 =	vge.f32 v8, v10  }
0x14c: {  	[smem:$0x7DD] =	sst s26;
	v38 =	vld [tilespmem:s0+$0x0];
	s0 =	sor.u32 s21, s26;
	s26 =	sor.u32 $0x7080, s1;
	v6 =	vsel vm15, v8, v10;
	v7 =	vsel vm15, v9, v36;
	vm15 =	vge.f32 v12, v34  }
0x14d: {  	v19 =	vimm.s32 $0x23;
	[smem:$0x7DE] =	sst s26;
	v46 =	vld [tilespmem:s0+$0x0];
	v51 =	vsel vm14, v51, v54;
	s0 =	sor.u32 s21, s26;
	s26 =	sor.u32 $0x7100, s1;
	v9 =	vsel vm15, v12, v34  }
0x14e: {  	[smem:$0x7DF] =	sst s26;
	v54 =	vld [tilespmem:s0+$0x0];
	s0 =	sor.u32 s21, s26;
	s26 =	sor.u32 $0x7180, s1;
	v10 =	vsel vm15, v44, v52;
	vm15 =	vge.f32 v37, v39;
	v52 =	vsel vm2, $0x16, v16  }
0x14f: {  	[smem:$0x7E0] =	sst s26;
	v2 =	vld [tilespmem:s0+$0x0];
	s0 =	sor.u32 s21, s26;
	s26 =	sor.u32 $0x7200, s1;
	v16 =	vimm.s32 $0x19;
	vm2 =	vge.f32 v58, v61;
	v34 =	vsel vm15, v37, v39  }
0x150: {  	[smem:$0x7E1] =	sst s26;
	v5 =	vld [tilespmem:s0+$0x0];
	s0 =	sor.u32 s21, s26;
	s26 =	sor.u32 $0x7280, s1;
	v36 =	vsel vm15, v56, v62;
	vm15 =	vge.f32 v41, v42;
	v44 =	vsel vm2, v58, v61  }
0x151: {  	v8 =	vld [tilespmem:s0+$0x0];
	s0 =	sor.u32 s21, s26;
	v56 =	vsel vm0, $0x18, v16;
	v41 =	vsel vm15, v41, v42;
	v39 =	vsel vm15, v48, v52  }
0x152: {  	[smem:$0x7E2] =	sst s26;
	s26 =	sor.u32 $0x7300, s1;
	v12 =	vld [tilespmem:s0+$0x0];
	vm15 =	vge.f32 v45, v47;
	v52 =	vsel vm5, $0x1A, v17;
	v17 =	vimm.s32 $0x1D  }
0x153: {  	s28 =	sor.u32 $0x7380, s1;
	s0 =	sor.u32 s21, s26;
	vm0 =	vge.f32 v46, v54;
	v45 =	vsel vm15, v45, v47;
	v47 =	vsel vm15, v56, v52  }
0x154: {  	v37 =	vld [tilespmem:s0+$0x0];
	s0 =	sor.u32 s21, s28;
	vm15 =	vge.f32 v63, v38;
	v46 =	vsel vm0, v46, v54;
	v48 =	vsel vm3, $0x1C, v17  }
0x155: {  	v42 =	vld [tilespmem:s0+$0x0];
	v56 =	vsel vm1, $0x1E, v18;
	v18 =	vimm.s32 $0x21;
	v52 =	vsel vm9, $0x26, v20  }
0x156: {  	vm9 =	vge.f32 v53, v55;
	v54 =	vsel vm10, $0x2A, v22;
	vm5 =	vge.f32 v2, v5  }
0x157: {  	v38 =	vsel vm15, v63, v38;
	v2 =	vsel vm5, v2, v5;
	vm3 =	vge.f32 v8, v12  }
0x158: {  	v53 =	vsel vm9, v53, v55;
	vm10 =	vge.f32 v46, v2;
	v8 =	vsel vm3, v8, v12  }
0x159: {  	v12 =	vsel vm4, $0x20, v18;
	vm4 =	vge.f32 v49, v50;
	v2 =	vsel vm10, v46, v2  }
0x15a: {  	vm1 =	vge.f32 v37, v42;
	v5 =	vsel vm4, v48, v56;
	v48 =	vsel vm8, $0x28, v21  }
0x15b: {  	v56 =	vsel vm13, $0x2E, v24;
	vm13 =	vge.f32 v60, v11;
	vm8 =	vge.f32 v43, v51  }
0x15c: {  	v37 =	vsel vm1, v37, v42;
	v42 =	vsel vm4, v49, v50;
	v49 =	vsel vm6, $0x22, v19  }
0x15d: {  	v19 =	vimm.s32 $0x25;
	v11 =	vsel vm13, v60, v11;
	v48 =	vsel vm13, v48, v54  }
0x15e: {  	v54 =	vsel vm2, $0x34, v27;
	v43 =	vsel vm8, v43, v51;
	v51 =	vsel vm5, $0x3A, v30  }
0x15f: {  	vm13 =	vge.f32 v6, v9;
	v50 =	vsel vm7, $0x24, v19;
	v12 =	vsel vm9, v12, v49  }
0x160: {  	v49 =	vsel vm11, $0x2C, v23;
	vm11 =	vge.f32 v57, v59;
	vm9 =	vge.f32 v44, v38  }
0x161: {  	v55 =	vsel vm11, v57, v59;
	v50 =	vsel vm11, v50, v52;
	v52 =	vsel vm12, $0x30, v25  }
0x162: {  	v57 =	vsel vm14, $0x32, v26;
	vm14 =	vge.f32 v35, v40;
	v38 =	vsel vm9, v44, v38  }
0x163: {  	v44 =	vsel vm1, $0x3E, v32;
	vm11 =	vge.f32 v8, v37;
	vm12 =	vge.f32 v0, v3  }
0x164: {  	v35 =	vsel vm14, v35, v40;
	v40 =	vsel vm15, $0x36, v28;
	v49 =	vsel vm14, v49, v56  }
0x165: {  	v56 =	vsel vm0, $0x38, v29;
	v52 =	vsel vm8, v52, v57;
	v57 =	vsel vm3, $0x3C, v31  }
0x166: {  	v8 =	vsel vm11, v8, v37;
	v0 =	vsel vm12, v0, v3;
	v1 =	vsel vm12, v1, v4  }
0x167: {  	vm14 =	vge.f32 v34, v41;
	vm15 =	vge.f32 v45, v42;
	vm4 =	vge.f32 v53, v55  }
0x168: {  	vm6 =	vge.f32 v43, v38;
	v40 =	vsel vm9, v54, v40;
	v46 =	vsel vm10, v56, v51  }
0x169: {  	v51 =	vsel vm11, v57, v44;
	v54 =	vsel vm13, v6, v9;
	v56 =	vsel vm13, v7, v10  }
0x16a: {  	v57 =	vsel vm14, v34, v41;
	v41 =	vsel vm14, v36, v39;
	v44 =	vsel vm15, v45, v42  }
0x16b: {  	v5 =	vsel vm15, v47, v5;
	v45 =	vsel vm4, v53, v55;
	vm5 =	vge.f32 v11, v35  }
0x16c: {  	v12 =	vsel vm4, v12, v50;
	vm7 =	vge.f32 v2, v8;
	v11 =	vsel vm5, v11, v35  }
0x16d: {  	v47 =	vsel vm5, v48, v49;
	v48 =	vsel vm6, v43, v38;
	v49 =	vsel vm6, v52, v40  }
0x16e: {  	v2 =	vsel vm7, v2, v8;
	v50 =	vsel vm7, v46, v51;
	vm8 =	vge.f32 v0, v54  }
0x16f: {  	vm9 =	vge.f32 v57, v44;
	v0 =	vsel vm8, v0, v54;
	v1 =	vsel vm8, v1, v56  }
0x170: {  	v51 =	vsel vm9, v57, v44;
	vm10 =	vge.f32 v45, v11;
	vm11 =	vge.f32 v48, v2  }
0x171: {  	v52 =	vsel vm9, v41, v5;
	v53 =	vsel vm10, v45, v11;
	v2 =	vsel vm11, v48, v2  }
0x172: {  	v54 =	vsel vm10, v12, v47;
	vm12 =	vge.f32 v0, v51;
	vm13 =	vge.f32 v53, v2  }
0x173: {  	v55 =	vsel vm11, v49, v50;
	v0 =	vsel vm12, v0, v51;
	v2 =	vsel vm13, v53, v2  }
0x174: {  	v1 =	vsel vm12, v1, v52;
	v56 =	vsel vm13, v54, v55;
	vm14 =	vge.f32 v0, v2  }
0x175: {  	v0 =	vsel vm14, v1, v56;
	_ =	sdelay $0x3  }
0x176: {  	s21 =	sor.u32 $0x10, s21;
	s0 =	simm.s32 $0x8000  }
0x177: {  	[tilespmem:v0+s0+$0x0] =	vst.idx.add.f32.msk $0xffff, v33;
	s0 =	sor.u32 s21, s1  }
0x178: {  	v0 =	vld [tilespmem:s0+$0x0]  }
0x179: {  	v1 =	vld [tilespmem:s0+$0x80]  }
0x17a: {  	v2 =	vld [tilespmem:s0+$0x100]  }
0x17b: {  	s1 =	rddreg [dreg:$0x18];
	v57 =	vld [tilespmem:s0+$0x180]  }
0x17c: {  	v4 =	vld [tilespmem:s0+$0x200];
	s1 =	sadd.s32 $0x10, s1  }
0x17d: {  	v5 =	vld [tilespmem:s0+$0x280];
	s0 =	sor.u32 $0x300, s1  }
0x17e: {  	v6 =	vld [tilespmem:s0+$0x0];
	s0 =	sor.u32 $0x380, s1  }
0x17f: {  	v7 =	vld [tilespmem:s0+$0x0];
	s0 =	rddreg [dreg:$0x19]  }
0x180: {  	s0 =	sor.u32 s21, s0  }
0x181: {  	v8 =	vld [tilespmem:s0+$0x0];
	s0 =	rddreg [dreg:$0x1b]  }
0x182: {  	s0 =	sor.u32 s21, s0  }
0x183: {  	v9 =	vld [tilespmem:s0+$0x0];
	s0 =	rddreg [dreg:$0x1d]  }
0x184: {  	s0 =	sor.u32 s21, s0  }
0x185: {  	v10 =	vld [tilespmem:s0+$0x0];
	s0 =	rddreg [dreg:$0x1f]  }
0x186: {  	s0 =	sor.u32 s21, s0  }
0x187: {  	v11 =	vld [tilespmem:s0+$0x0];
	s0 =	sld [smem:$0x7C8];
	_ =	sdelay $0x2  }
0x188: {  	s0 =	sor.u32 s21, s0  }
0x189: {  	v12 =	vld [tilespmem:s0+$0x0];
	s0 =	sld [smem:$0x7C9];
	_ =	sdelay $0x2  }
0x18a: {  	s0 =	sor.u32 s21, s0  }
0x18b: {  	v34 =	vld [tilespmem:s0+$0x0];
	s0 =	sld [smem:$0x7CA];
	_ =	sdelay $0x2  }
0x18c: {  	s0 =	sor.u32 s21, s0  }
0x18d: {  	v35 =	vld [tilespmem:s0+$0x0];
	s0 =	sld [smem:$0x7CB];
	_ =	sdelay $0x2  }
0x18e: {  	s0 =	sor.u32 s21, s0  }
0x18f: {  	v36 =	vld [tilespmem:s0+$0x0];
	s0 =	sld [smem:$0x7CC];
	_ =	sdelay $0x2  }
0x190: {  	s0 =	sor.u32 s21, s0  }
0x191: {  	v37 =	vld [tilespmem:s0+$0x0];
	s0 =	sld [smem:$0x7CD];
	_ =	sdelay $0x2  }
0x192: {  	s0 =	sor.u32 s21, s0  }
0x193: {  	v38 =	vld [tilespmem:s0+$0x0];
	s0 =	sld [smem:$0x7CE];
	_ =	sdelay $0x2  }
0x194: {  	s0 =	sor.u32 s21, s0  }
0x195: {  	v39 =	vld [tilespmem:s0+$0x0];
	s0 =	sld [smem:$0x7CF];
	_ =	sdelay $0x2  }
0x196: {  	s0 =	sor.u32 s21, s0  }
0x197: {  	v40 =	vld [tilespmem:s0+$0x0];
	s0 =	sld [smem:$0x7D0];
	_ =	sdelay $0x2  }
0x198: {  	s0 =	sor.u32 s21, s0  }
0x199: {  	v41 =	vld [tilespmem:s0+$0x0];
	s0 =	sld [smem:$0x7D1];
	_ =	sdelay $0x2  }
0x19a: {  	s0 =	sor.u32 s21, s0  }
0x19b: {  	v42 =	vld [tilespmem:s0+$0x0];
	s0 =	sld [smem:$0x7D2];
	_ =	sdelay $0x2  }
0x19c: {  	s0 =	sor.u32 s21, s0  }
0x19d: {  	s23 =	sor.u32 s21, s23;
	v43 =	vld [tilespmem:s0+$0x0];
	s0 =	sld [smem:$0x7D3]  }
0x19e: {  	v49 =	vld [tilespmem:s23+$0x0];
	s23 =	sor.u32 s21, s17  }
0x19f: {  	s17 =	sor.u32 s21, s6;
	s6 =	sor.u32 s21, s13;
	v51 =	vld [tilespmem:s23+$0x0]  }
0x1a0: {  	v56 =	vld [tilespmem:s6+$0x0];
	s0 =	sor.u32 s21, s0  }
0x1a1: {  	v62 =	vimm.s32 $0x7;
	v58 =	vimm.s32 $0xB;
	s23 =	sor.u32 s21, s8;
	v44 =	vld [tilespmem:s0+$0x0];
	s0 =	sld [smem:$0x7D4]  }
0x1a2: {  	v61 =	vimm.s32 $0x5;
	v63 =	vimm.s32 $0x9;
	v60 =	vimm.s32 $0x3;
	v55 =	vld [tilespmem:s23+$0x0]  }
0x1a3: {  	v59 =	vimm.s32 $0x0;
	vm15 =	vge.f32 v0, v1;
	vm4 =	vge.f32 v2, v57  }
0x1a4: {  	vm5 =	vge.f32 v4, v5;
	vm0 =	vmneg vm15;
	v2 =	vsel vm4, v2, v57;
	s0 =	sor.u32 s21, s0  }
0x1a5: {  	s20 =	sor.u32 s21, s20;
	v3 =	vsel vm4, $0x2, v60;
	v4 =	vsel vm5, v4, v5;
	v5 =	vsel vm5, $0x4, v61;
	v45 =	vld [tilespmem:s0+$0x0];
	s0 =	sld [smem:$0x7D5]  }
0x1a6: {  	s11 =	sor.u32 s21, s11;
	v50 =	vld [tilespmem:s20+$0x0];
	v0 =	vsel vm0, v1, v0;
	v1 =	vsel vm0, $0x1, v59;
	vm6 =	vge.f32 v6, v7  }
0x1a7: {  	v52 =	vld [tilespmem:s11+$0x0];
	vm4 =	vge.f32 v55, v56;
	vm15 =	vge.f32 v0, v2;
	v6 =	vsel vm6, v6, v7  }
0x1a8: {  	v53 =	vld [tilespmem:s17+$0x0];
	v0 =	vsel vm15, v0, v2;
	v1 =	vsel vm15, v1, v3;
	vm15 =	vge.f32 v4, v6;
	s0 =	sor.u32 s21, s0  }
0x1a9: {  	s20 =	sor.u32 s21, s7;
	v3 =	vsel vm15, v4, v6;
	vm7 =	vge.f32 v8, v9;
	vm0 =	vge.f32 v10, v11;
	v46 =	vld [tilespmem:s0+$0x0];
	s0 =	sld [smem:$0x7D6]  }
0x1aa: {  	v54 =	vld [tilespmem:s20+$0x0];
	s17 =	sor.u32 s21, s25;
	v8 =	vsel vm7, v8, v9;
	v9 =	vsel vm0, v10, v11;
	vm12 =	vge.f32 v35, v36  }
0x1ab: {  	s20 =	sor.u32 s21, s18;
	v35 =	vsel vm12, v35, v36;
	v36 =	vld [tilespmem:s17+$0x0];
	vm14 =	vge.f32 v37, v38;
	vm13 =	vge.f32 v39, v40  }
0x1ac: {  	v11 =	vsel vm6, $0x6, v62;
	v37 =	vsel vm14, v37, v38;
	v38 =	vsel vm13, v39, v40;
	v39 =	vld [tilespmem:s20+$0x0];
	s0 =	sor.u32 s21, s0  }
0x1ad: {  	v4 =	vsel vm15, v5, v11;
	vm15 =	vge.f32 v8, v9;
	vm3 =	vge.f32 v12, v34;
	v47 =	vld [tilespmem:s0+$0x0];
	s0 =	sld [smem:$0x7D7]  }
0x1ae: {  	s7 =	sor.u32 s21, s24;
	vm6 =	vge.f32 v51, v52;
	v6 =	vsel vm15, v8, v9;
	v12 =	vsel vm3, v12, v34  }
0x1af: {  	s8 =	sld [smem:$0x7D8];
	s23 =	sor.u32 s21, s14;
	v57 =	vld [tilespmem:s7+$0x0];
	v40 =	vsel vm7, $0x8, v63;
	vm7 =	vge.f32 v49, v50;
	vm10 =	vge.f32 v41, v42  }
0x1b0: {  	v49 =	vsel vm7, v49, v50;
	v50 =	vsel vm6, v51, v52;
	v41 =	vsel vm10, v41, v42;
	v42 =	vld [tilespmem:s23+$0x0];
	s0 =	sor.u32 s21, s0  }
0x1b1: {  	s11 =	sld [smem:$0x7D9];
	s24 =	sor.u32 s21, s12;
	vm5 =	vge.f32 v36, v39;
	vm11 =	vge.f32 v43, v44;
	vm8 =	vge.f32 v45, v46;
	v48 =	vld [tilespmem:s0+$0x0]  }
0x1b2: {  	s13 =	sld [smem:$0x7DA];
	v36 =	vsel vm5, v36, v39;
	v43 =	vsel vm11, v43, v44;
	v44 =	vld [tilespmem:s24+$0x0];
	v45 =	vsel vm8, v45, v46;
	s0 =	sor.u32 s21, s8  }
0x1b3: {  	v46 =	vsel vm0, $0xA, v58;
	v58 =	vimm.s32 $0xF;
	vm0 =	vge.f32 v53, v54;
	v7 =	vld [tilespmem:s0+$0x0]  }
0x1b4: {  	v52 =	vsel vm0, v53, v54;
	v54 =	vsel vm4, v55, v56;
	v8 =	vsel vm15, v40, v46;
	s0 =	sor.u32 s21, s11  }
0x1b5: {  	s25 =	sld [smem:$0x7DB];
	vm15 =	vge.f32 v12, v35;
	v11 =	vsel vm12, $0xE, v58;
	v58 =	vsel vm14, $0x10, v14;
	v10 =	vld [tilespmem:s0+$0x0];
	s0 =	sor.u32 s21, s13  }
0x1b6: {  	s6 =	sld [smem:$0x7DC];
	s14 =	sor.u32 s21, s9;
	vm12 =	vge.f32 v37, v38;
	vm14 =	vge.f32 v49, v50;
	v34 =	vld [tilespmem:s0+$0x0];
	vm9 =	vge.f32 v47, v48  }
0x1b7: {  	s12 =	sor.u32 s21, s16;
	s16 =	sor.u32 s21, s4;
	v9 =	vld [tilespmem:s14+$0x0];
	v12 =	vsel vm15, v12, v35;
	v37 =	vsel vm12, v37, v38;
	v47 =	vsel vm9, v47, v48  }
0x1b8: {  	v46 =	vld [tilespmem:s16+$0x0];
	s0 =	sor.u32 s21, s25;
	v48 =	vsel vm3, $0xC, v13;
	vm1 =	vge.f32 v57, v7;
	vm3 =	vge.f32 v42, v44  }
0x1b9: {  	v51 =	vld [tilespmem:s0+$0x0];
	s0 =	sor.u32 s21, s6;
	v7 =	vsel vm1, v57, v7;
	v39 =	vsel vm3, v42, v44;
	v57 =	vimm.s32 $0x13  }
0x1ba: {  	s11 =	sor.u32 s21, s15;
	s15 =	sor.u32 s21, s5;
	v53 =	vld [tilespmem:s0+$0x0];
	v11 =	vsel vm15, v48, v11;
	vm15 =	vge.f32 v52, v54;
	v14 =	vsel vm3, $0x2A, v22  }
0x1bb: {  	s13 =	sor.u32 s21, s10;
	v35 =	vld [tilespmem:s15+$0x0];
	vm2 =	vge.f32 v10, v34;
	v56 =	vsel vm13, $0x12, v57;
	v57 =	vimm.s32 $0x17  }
0x1bc: {  	v5 =	vld [tilespmem:s13+$0x0];
	vm13 =	vge.f32 v36, v39;
	v10 =	vsel vm2, v10, v34;
	v38 =	vsel vm12, v58, v56  }
0x1bd: {  	vm12 =	vge.f32 v41, v43;
	v58 =	vsel vm10, $0x14, v15;
	v56 =	vsel vm11, $0x16, v57  }
0x1be: {  	v2 =	vld [tilespmem:s12+$0x0];
	v57 =	vimm.s32 $0x1B;
	v15 =	vsel vm0, $0x20, v18;
	v36 =	vsel vm13, v36, v39  }
0x1bf: {  	v42 =	vld [tilespmem:s11+$0x0];
	v41 =	vsel vm12, v41, v43;
	v44 =	vsel vm12, v58, v56;
	vm10 =	vge.f32 v51, v53  }
0x1c0: {  	s7 =	sor.u32 s21, s22;
	vm12 =	vge.f32 v45, v47;
	v58 =	vsel vm8, $0x18, v16;
	v16 =	vsel vm9, $0x1A, v57  }
0x1c1: {  	v55 =	vld [tilespmem:s7+$0x0];
	s8 =	sor.u32 s21, s19;
	vm9 =	vge.f32 v5, v9;
	vm8 =	vge.f32 v35, v46;
	v56 =	vsel vm7, $0x1C, v17  }
0x1c2: {  	s17 =	sor.u32 s21, s3;
	v34 =	vld [tilespmem:s8+$0x0];
	v17 =	vsel vm1, $0x24, v19;
	v48 =	vsel vm10, v51, v53;
	v45 =	vsel vm12, v45, v47  }
0x1c3: {  	s18 =	sor.u32 s21, s2;
	v40 =	vld [tilespmem:s17+$0x0];
	v47 =	vsel vm12, v58, v16;
	v5 =	vsel vm9, v5, v9;
	v58 =	vimm.s32 $0x23  }
0x1c4: {  	v43 =	vld [tilespmem:s18+$0x0];
	v35 =	vsel vm8, v35, v46;
	vm12 =	vge.f32 v42, v2;
	v16 =	vsel vm4, $0x22, v58  }
0x1c5: {  	v58 =	vsel vm5, $0x28, v21;
	v2 =	vsel vm12, v42, v2;
	v46 =	vsel vm15, v15, v16  }
0x1c6: {  	s19 =	sld [smem:$0x7DD];
	v39 =	vsel vm13, v58, v14;
	v15 =	vsel vm10, $0x2C, v23;
	v58 =	vsel vm9, $0x32, v26  }
0x1c7: {  	s20 =	sld [smem:$0x7DE];
	vm13 =	vge.f32 v0, v3;
	vm11 =	vge.f32 v55, v34;
	vm5 =	vge.f32 v2, v5  }
0x1c8: {  	v0 =	vsel vm13, v0, v3;
	v1 =	vsel vm13, v1, v4;
	v34 =	vsel vm11, v55, v34  }
0x1c9: {  	s22 =	sld [smem:$0x7DF];
	s0 =	sor.u32 s21, s19;
	v55 =	vimm.s32 $0x1F;
	vm7 =	vge.f32 v40, v43;
	v16 =	vsel vm11, $0x2E, v24  }
0x1ca: {  	s23 =	sld [smem:$0x7E0];
	v42 =	vld [tilespmem:s0+$0x0];
	s0 =	sor.u32 s21, s20;
	v2 =	vsel vm5, v2, v5;
	v57 =	vsel vm6, $0x1E, v55;
	v40 =	vsel vm7, v40, v43  }
0x1cb: {  	v51 =	vld [tilespmem:s0+$0x0];
	v43 =	vsel vm14, v49, v50;
	v50 =	vsel vm15, v52, v54;
	vm6 =	vge.f32 v7, v10  }
0x1cc: {  	s0 =	sor.u32 s21, s22;
	v14 =	vsel vm7, $0x36, v28;
	v9 =	vsel vm14, v56, v57;
	v57 =	vsel vm2, $0x26, v20  }
0x1cd: {  	s24 =	sld [smem:$0x7E1];
	v49 =	vld [tilespmem:s0+$0x0];
	s0 =	sor.u32 s21, s23;
	v7 =	vsel vm6, v7, v10;
	vm14 =	vge.f32 v48, v34;
	vm4 =	vge.f32 v45, v43  }
0x1ce: {  	s28 =	sor.u32 s21, s28;
	s25 =	sld [smem:$0x7E2];
	v13 =	vld [tilespmem:s0+$0x0];
	v52 =	vsel vm6, v17, v57;
	v34 =	vsel vm14, v48, v34;
	v17 =	vsel vm12, $0x30, v25  }
0x1cf: {  	s26 =	sor.u32 s21, s26;
	v56 =	vld [tilespmem:s28+$0x0];
	v55 =	vsel vm14, v15, v16;
	vm14 =	vge.f32 v6, v12;
	v45 =	vsel vm4, v45, v43  }
0x1d0: {  	s0 =	sor.u32 s21, s24;
	v48 =	vld [tilespmem:s26+$0x0];
	v9 =	vsel vm4, v47, v9;
	vm15 =	vge.f32 v42, v51;
	v5 =	vsel vm5, v17, v58  }
0x1d1: {  	v53 =	vld [tilespmem:s0+$0x0];
	s0 =	sor.u32 s21, s25;
	vm5 =	vge.f32 v50, v7;
	v42 =	vsel vm15, v42, v51;
	v15 =	vsel vm15, $0x38, v29  }
0x1d2: {  	v54 =	vld [tilespmem:s0+$0x0];
	vm15 =	vge.f32 v37, v41;
	v7 =	vsel vm5, v50, v7;
	v50 =	vsel vm5, v46, v52  }
0x1d3: {  	v41 =	vsel vm15, v37, v41;
	v44 =	vsel vm15, v38, v44;
	vm6 =	vge.f32 v49, v13  }
0x1d4: {  	v10 =	vsel vm6, v49, v13;
	v13 =	vsel vm8, $0x34, v27;
	vm8 =	vge.f32 v35, v40  }
0x1d5: {  	v16 =	vsel vm6, $0x3A, v30;
	vm11 =	vge.f32 v48, v56;
	vm6 =	vge.f32 v36, v34  }
0x1d6: {  	v35 =	vsel vm8, v35, v40;
	vm9 =	vge.f32 v42, v10;
	v40 =	vsel vm8, v13, v14  }
0x1d7: {  	vm10 =	vge.f32 v53, v54;
	v48 =	vsel vm11, v48, v56;
	v57 =	vsel vm11, $0x3E, v32  }
0x1d8: {  	v34 =	vsel vm6, v36, v34;
	v51 =	vsel vm6, v39, v55;
	v10 =	vsel vm9, v42, v10  }
0x1d9: {  	v42 =	vsel vm9, v15, v16;
	v17 =	vsel vm10, v53, v54;
	v56 =	vsel vm10, $0x3C, v31  }
0x1da: {  	v16 =	vsel vm14, v6, v12;
	vm7 =	vge.f32 v2, v35;
	vm10 =	vge.f32 v41, v45  }
0x1db: {  	vm11 =	vge.f32 v7, v34;
	vm12 =	vge.f32 v17, v48;
	v2 =	vsel vm7, v2, v35  }
0x1dc: {  	v5 =	vsel vm7, v5, v40;
	vm9 =	vge.f32 v0, v16;
	v48 =	vsel vm12, v17, v48  }
0x1dd: {  	v53 =	vsel vm10, v41, v45;
	v54 =	vsel vm10, v44, v9;
	vm8 =	vge.f32 v10, v48  }
0x1de: {  	v55 =	vsel vm11, v7, v34;
	v58 =	vsel vm12, v56, v57;
	v10 =	vsel vm8, v10, v48  }
0x1df: {  	v17 =	vsel vm14, v8, v11;
	v0 =	vsel vm9, v0, v16;
	vm12 =	vge.f32 v2, v10  }
0x1e0: {  	v56 =	vsel vm11, v50, v51;
	v1 =	vsel vm9, v1, v17;
	v2 =	vsel vm12, v2, v10  }
0x1e1: {  	vm13 =	vge.f32 v0, v53;
	v52 =	vsel vm8, v42, v58;
	vm14 =	vge.f32 v55, v2  }
0x1e2: {  	v0 =	vsel vm13, v0, v53;
	v5 =	vsel vm12, v5, v52;
	v2 =	vsel vm14, v55, v2  }
0x1e3: {  	v57 =	vsel vm13, v1, v54;
	v58 =	vsel vm14, v56, v5;
	vm15 =	vge.f32 v0, v2  }
0x1e4: {  	p0 =	sne.s32 s30, $0x1E0;
	v0 =	vsel vm15, v57, v58  }
.Ltmp1:
0x1e5: {  	_ = 	snop;
	(pc) =	sbr.rel @p0 .LBB2_4-.Ltmp1, $3  }
0x1e6: {  	_ =	sdelay $0x1  }
0x1e7: {  	s1 =	simm.s32 $0x8000  }
0x1e8: {  	s29 =	sadd.s32 $0x1, s29;
	s30 =	sadd.s32 $0x20, s30;
	s31 =	sadd.s32 $0x100, s31;
	[tilespmem:v0+s1+$0x0] =	vst.idx.add.f32.msk $0xffff, v33  }
0x1e9: {  	s6 =	simm.s32 $0x0;
	s0 =	rddreg [dreg:$0x5];
	s30 =	simm.s32 $0x3  }
0x1ea: {  	[hbm4b:s0+s6] =	stream.linear.scatter [tilespmem:s1], [sflag:$0x3], $0x80, $0x38;
	[tilespmem:$0x8080] =	vst v63  }
0x1eb: {  	_ =	swait.ge [sflag:s30], $0x80  }
0x1ec: {  	s2 =	rddreg [dreg:$0x15]  }
0x1ed: {  	s31 =	rddreg [dreg:$0x6];
	s2 =	sadd.s32 $0x1, s2  }
0x1ee: {  	p0 =	sne.s32 s2, s31  }
.Ltmp2:
0x1ef: {  	_ = 	snop;
	(pc) =	sbr.rel @p0 .LBB2_1-.Ltmp2, $3  }
0x1f0: {  	_ =	sdelay $0x1  }
0x1f1: {  	[sflag:s30] =	ssyncset.done $0x0  }
0x1f2: {  	[sflag:s30] =	ssyncadd.s32 $0xFFFFFF80  }
0x1f3: {  	_ =	sfence.sel $0x180000  }
0x1f4: {  	[bflag:$0x0] =	sbarrier.arrive $0xFFFF  }
0x1f5: {  	_ =	strace $0x90000047  }
0x1f6: {  	s0 =	stileid.u32;
	[bflag:$0x2] =	sbarrier.arrive $0xFFFF  }
0x1f7: {  	p0 =	sne.s32 s0, $0x0;
	s0 =	rddreg [dreg:$0x2]  }
0x1f8: {  	s0 =	sadd.s32 @!p0 $0x100000, s0  }
0x1f9: {  	[sflag:s0] =	ssyncadd.tile.s32 @!p0 $0x1;
	_ =	shalt  }
.Lfunc_end2:
_tile_overlayer_lowered:
.L_overlay_start_2:
0x1fa: {  	(tag) =	ssettag $0x2  }
0x1fb: {  	s0 =	rddreg [dreg:$0x0];
	s2 =	stileid.u32  }
0x1fc: {  	s1 =	rddreg [dreg:$0x1];
	p0 =	sne.s32 s2, $0x0  }
0x1fd: {  	s3 =	rddreg [dreg:$0x2];
	[bflag:$0x3] =	sbarrier.arrive $0xFFFF;
	s2 =	simm.s32 @!p0 $0x1C03  }
0x1fe: {  	[timem:s3], [sflag:s2] =	dma.local @!p0 [hbm:s0], s1  }
0x1ff: {  	s0 =	simm.s32 @!p0 $0x3  }
0x200: {  	_ =	swait.ge @!p0 [sflag:s0], s1  }
0x201: {  	s1 =	ssub.s32 @!p0 $0x0, s1;
	[sflag:s0] =	ssyncset.done @!p0 $0x0  }
0x202: {  	[sflag:s0] =	ssyncadd.s32 @!p0 s1  }
0x203: {  	[bflag:$0x3] =	sbarrier.arrive $0xFFFF  }
0x204: {  	_ =	shalt  }

</sc_bundles>
